<compile_context>
chip_gen: v7x
topology: tpu7x:2x2x1
jax: 0.10.2.dev20260603
libtpu: 0.0.44.dev20260713+nightly
codegen_flags: <defaults>
</compile_context>

<pallas_src>
import functools

import jax
import jax.numpy as jnp
from jax import lax
from jax.experimental import pallas as pl
from jax.experimental.pallas import tpu as pltpu
from jax.experimental.pallas import tpu_sc as plsc

NC = 2
NS = 16
NW = NC * NS
LANES = 16


def _make_sc_l1(n_rows: int, n_models: int, n_cols: int, k: int):
    rows_per_w = n_rows // NW
    row_stride = n_cols
    mesh = plsc.VectorSubcoreMesh(core_axis_name="c", subcore_axis_name="s")

    n_el = rows_per_w * k

    @functools.partial(
        pl.kernel,
        mesh=mesh,
        out_type=jax.ShapeDtypeStruct((NC, NS, LANES), jnp.float32),
        scratch_types=[
            pltpu.VMEM((k,), jnp.int32),
            pltpu.VMEM((n_el,), jnp.int32),
            pltpu.VMEM((n_el,), jnp.float32),
            pltpu.VMEM((n_el,), jnp.float32),
            pltpu.VMEM((LANES,), jnp.float32),
            pltpu.SemaphoreType.DMA,
        ],
    )
    def sc_l1(yv_hbm, bv_hbm, mask_hbm, out_hbm,
              mask_v, idx_v, p_v, t_v, acc_v, sem):
        c = lax.axis_index("c")
        s = lax.axis_index("s")
        wid = s * NC + c
        pltpu.sync_copy(mask_hbm, mask_v)
        for j in range(k // LANES):
            n16 = mask_v[pl.ds(j * LANES, LANES)]
            mask_v[pl.ds(j * LANES, LANES)] = (
                lax.shift_right_logical(n16, 7) * (n_models * 128)
                + (n16 & 127))
        for r in range(rows_per_w):
            row = wid * rows_per_w + r
            base = (lax.div(row, n_models) * (n_models * row_stride)
                    + lax.rem(row, n_models) * 128).astype(jnp.int32)
            for j in range(k // LANES):
                m16 = mask_v[pl.ds(j * LANES, LANES)]
                idx_v[pl.ds(r * k + j * LANES, LANES)] = m16 + base
        n_sl = 4
        sl_el = n_el // n_sl
        copies = []
        for t in range(n_sl):
            sl = pl.ds(t * sl_el, sl_el)
            copies.append((pltpu.async_copy(yv_hbm.at[idx_v.at[sl]],
                                            p_v.at[sl], sem),
                           pltpu.async_copy(bv_hbm.at[idx_v.at[sl]],
                                            t_v.at[sl], sem)))
        acc = jnp.zeros((LANES,), jnp.float32)
        for t, (cp_p, cp_t) in enumerate(copies):
            cp_p.wait()
            cp_t.wait()
            for j in range(sl_el // LANES):
                p16 = p_v[pl.ds(t * sl_el + j * LANES, LANES)]
                t16 = t_v[pl.ds(t * sl_el + j * LANES, LANES)]
                acc = acc + jnp.abs(p16 - t16)
        acc_v[...] = acc * jnp.float32(n_cols / k)
        pltpu.sync_copy(acc_v, out_hbm.at[c, s])

    return sc_l1


def kernel(y_hat, y_bar, mask):
    n_batch, n_models, n_cols = y_hat.shape
    k = mask.shape[0]
    n_t = n_cols // 128
    yv = (y_hat.reshape(n_batch, n_models, n_t, 128)
          .swapaxes(1, 2).reshape(-1))
    bv = (y_bar.reshape(n_batch, n_models, n_t, 128)
          .swapaxes(1, 2).reshape(-1))
    sc_l1 = _make_sc_l1(n_batch * n_models, n_models, n_cols, k)
    part = sc_l1(yv, bv, mask)
    return jnp.sum(part)

# --- scband reference (transcript-rebuilt; emitter-appended) ---
"""Pipeline reference for scband-multi-head-local-l1-loss-34720515621396 (READ-ONLY COPY).

The authoritative reference and input builder live on the scoring server;
editing this copy changes nothing except your own understanding.
"""

import jax, jax.numpy as jnp
import numpy as np

N_TRIU = 131328
N_MODELS = 8

def setup_inputs(seed: int = 0) -> dict:
    key = jax.random.key(seed)
    k1, k2 = jax.random.split(key)
    y_hat = jax.random.normal(k1, (32, N_MODELS, N_TRIU), dtype=jnp.float32)
    y_bar = jax.random.normal(k2, (32, N_MODELS, N_TRIU), dtype=jnp.float32)
    mask = jnp.arange(256, dtype=jnp.int32) * 512
    return {"y_hat": y_hat, "y_bar": y_bar, "mask": mask}

def reference(y_hat, y_bar, mask):
    k = mask.shape[0]
    scale = N_TRIU / k
    total = jnp.float32(0.0)
    for i in range(N_MODELS):
        p = jnp.take(y_hat[:, i, :], mask, axis=-1)
        t = jnp.take(y_bar[:, i, :], mask, axis=-1)
        total = total + scale * jnp.sum(jnp.abs(p - t))
    return total

if __name__ == "__main__":
    import jax
    _d = setup_inputs()
    print(jax.jit(kernel)(*tuple(_d.values())))

</pallas_src>

<mosaic_0001>
#map = affine_map<(d0, d1) -> (0)>
#map1 = affine_map<(d0, d1) -> (0, 0, 0)>
module attributes {stable_mosaic.version = 14 : i64} {
  func.func @sc_l1(%arg0: i32, %arg1: i32, %arg2: memref<33619968xf32, #tpu.memory_space<hbm>>, %arg3: memref<33619968xf32, #tpu.memory_space<hbm>>, %arg4: memref<256xi32, #tpu.memory_space<hbm>>, %arg5: memref<2x16x16xf32, #tpu.memory_space<hbm>>, %arg6: memref<256xi32, #tpu.memory_space<vmem>>, %arg7: memref<2048xi32, #tpu.memory_space<vmem>>, %arg8: memref<2048xf32, #tpu.memory_space<vmem>>, %arg9: memref<2048xf32, #tpu.memory_space<vmem>>, %arg10: memref<16xf32, #tpu.memory_space<vmem>>, %arg11: memref<!tpu.dma_semaphore, #tpu.memory_space<semaphore_mem>>) attributes {dimension_semantics = [#tpu.dimension_semantics<core_parallel>, #tpu.dimension_semantics<subcore_parallel>], iteration_bounds = array<i64: 2, 16>, scalar_prefetch = 0 : i64, scratch_operands = 6 : i64, tpu.core_type = #tpu.core_type<sc_vector_subcore>, window_params = [{transform_indices = #map}, {transform_indices = #map}, {transform_indices = #map}, {transform_indices = #map1}]} {
    %mul3A = arith.constant 2 : i32
    %mul3A_0 = arith.muli %arg1, %mul3A : i32
    %add3A = arith.addi %mul3A_0, %arg0 : i32
    "tpu.region"() ({
      %run_scoped3A = tpu.sem_alloc : memref<!tpu.dma_semaphore, #tpu.memory_space<semaphore_mem>>
      tpu.enqueue_dma source(%arg4 : memref<256xi32, #tpu.memory_space<hbm>>) target(%arg6 : memref<256xi32, #tpu.memory_space<vmem>>) target_semaphore(%run_scoped3A : memref<!tpu.dma_semaphore, #tpu.memory_space<semaphore_mem>>)
      tpu.wait_dma2 semaphore(%run_scoped3A : memref<!tpu.dma_semaphore, #tpu.memory_space<semaphore_mem>>) src(%arg4 : memref<256xi32, #tpu.memory_space<hbm>>) dst(%arg6 : memref<256xi32, #tpu.memory_space<vmem>>)
      tpu.yield
    }) : () -> ()
    %get3A = arith.constant 0 : index
    %get3A_1 = tpu.vector_load %arg6[%get3A] {strides = array<i32>} : memref<256xi32, #tpu.memory_space<vmem>>, vector<16xi32>,
    %get3A_2 = vector.shape_cast %get3A_1 : vector<16xi32> to vector<16xi32>
    %shift_right_logical3A = arith.constant 7 : i32
    %shift_right_logical3A_3 = vector.broadcast %shift_right_logical3A : i32 to vector<16xi32>
    %shift_right_logical3A_4 = arith.shrui %get3A_2, %shift_right_logical3A_3 : vector<16xi32>
    %mul3A_5 = arith.constant 1024 : i32
    %mul3A_6 = vector.broadcast %mul3A_5 : i32 to vector<16xi32>
    %mul3A_7 = arith.muli %shift_right_logical3A_4, %mul3A_6 : vector<16xi32>
    %and3A = arith.constant 127 : i32
    %and3A_8 = vector.broadcast %and3A : i32 to vector<16xi32>
    %and3A_9 = arith.andi %get3A_2, %and3A_8 : vector<16xi32>
    %add3A_10 = arith.addi %mul3A_7, %and3A_9 : vector<16xi32>
    %swap3A = arith.constant 0 : index
    %swap3A_11 = tpu.vector_load %arg6[%swap3A] {strides = array<i32>} : memref<256xi32, #tpu.memory_space<vmem>>, vector<16xi32>,
    %swap3A_12 = vector.shape_cast %swap3A_11 : vector<16xi32> to vector<16xi32>
    %swap3A_13 = vector.shape_cast %add3A_10 : vector<16xi32> to vector<16xi32>
    tpu.vector_store %arg6[%swap3A], %swap3A_13 {strides = array<i32>} : memref<256xi32, #tpu.memory_space<vmem>>, vector<16xi32>,
    %get3A_14 = arith.constant 16 : index
    %get3A_15 = tpu.vector_load %arg6[%get3A_14] {strides = array<i32>} : memref<256xi32, #tpu.memory_space<vmem>>, vector<16xi32>,
    %get3A_16 = vector.shape_cast %get3A_15 : vector<16xi32> to vector<16xi32>
    %shift_right_logical3A_17 = arith.constant 7 : i32
    %shift_right_logical3A_18 = vector.broadcast %shift_right_logical3A_17 : i32 to vector<16xi32>
    %shift_right_logical3A_19 = arith.shrui %get3A_16, %shift_right_logical3A_18 : vector<16xi32>
    %mul3A_20 = arith.constant 1024 : i32
    %mul3A_21 = vector.broadcast %mul3A_20 : i32 to vector<16xi32>
    %mul3A_22 = arith.muli %shift_right_logical3A_19, %mul3A_21 : vector<16xi32>
    %and3A_23 = arith.constant 127 : i32
    %and3A_24 = vector.broadcast %and3A_23 : i32 to vector<16xi32>
    %and3A_25 = arith.andi %get3A_16, %and3A_24 : vector<16xi32>
    %add3A_26 = arith.addi %mul3A_22, %and3A_25 : vector<16xi32>
    %swap3A_27 = arith.constant 16 : index
    %swap3A_28 = tpu.vector_load %arg6[%swap3A_27] {strides = array<i32>} : memref<256xi32, #tpu.memory_space<vmem>>, vector<16xi32>,
    %swap3A_29 = vector.shape_cast %swap3A_28 : vector<16xi32> to vector<16xi32>
    %swap3A_30 = vector.shape_cast %add3A_26 : vector<16xi32> to vector<16xi32>
    tpu.vector_store %arg6[%swap3A_27], %swap3A_30 {strides = array<i32>} : memref<256xi32, #tpu.memory_space<vmem>>, vector<16xi32>,
    %get3A_31 = arith.constant 32 : index
    %get3A_32 = tpu.vector_load %arg6[%get3A_31] {strides = array<i32>} : memref<256xi32, #tpu.memory_space<vmem>>, vector<16xi32>,
    %get3A_33 = vector.shape_cast %get3A_32 : vector<16xi32> to vector<16xi32>
    %shift_right_logical3A_34 = arith.constant 7 : i32
    %shift_right_logical3A_35 = vector.broadcast %shift_right_logical3A_34 : i32 to vector<16xi32>
    %shift_right_logical3A_36 = arith.shrui %get3A_33, %shift_right_logical3A_35 : vector<16xi32>
    %mul3A_37 = arith.constant 1024 : i32
    %mul3A_38 = vector.broadcast %mul3A_37 : i32 to vector<16xi32>
    %mul3A_39 = arith.muli %shift_right_logical3A_36, %mul3A_38 : vector<16xi32>
    %and3A_40 = arith.constant 127 : i32
    %and3A_41 = vector.broadcast %and3A_40 : i32 to vector<16xi32>
    %and3A_42 = arith.andi %get3A_33, %and3A_41 : vector<16xi32>
    %add3A_43 = arith.addi %mul3A_39, %and3A_42 : vector<16xi32>
    %swap3A_44 = arith.constant 32 : index
    %swap3A_45 = tpu.vector_load %arg6[%swap3A_44] {strides = array<i32>} : memref<256xi32, #tpu.memory_space<vmem>>, vector<16xi32>,
    %swap3A_46 = vector.shape_cast %swap3A_45 : vector<16xi32> to vector<16xi32>
    %swap3A_47 = vector.shape_cast %add3A_43 : vector<16xi32> to vector<16xi32>
    tpu.vector_store %arg6[%swap3A_44], %swap3A_47 {strides = array<i32>} : memref<256xi32, #tpu.memory_space<vmem>>, vector<16xi32>,
    %get3A_48 = arith.constant 48 : index
    %get3A_49 = tpu.vector_load %arg6[%get3A_48] {strides = array<i32>} : memref<256xi32, #tpu.memory_space<vmem>>, vector<16xi32>,
    %get3A_50 = vector.shape_cast %get3A_49 : vector<16xi32> to vector<16xi32>
    %shift_right_logical3A_51 = arith.constant 7 : i32
    %shift_right_logical3A_52 = vector.broadcast %shift_right_logical3A_51 : i32 to vector<16xi32>
    %shift_right_logical3A_53 = arith.shrui %get3A_50, %shift_right_logical3A_52 : vector<16xi32>
    %mul3A_54 = arith.constant 1024 : i32
    %mul3A_55 = vector.broadcast %mul3A_54 : i32 to vector<16xi32>
    %mul3A_56 = arith.muli %shift_right_logical3A_53, %mul3A_55 : vector<16xi32>
    %and3A_57 = arith.constant 127 : i32
    %and3A_58 = vector.broadcast %and3A_57 : i32 to vector<16xi32>
    %and3A_59 = arith.andi %get3A_50, %and3A_58 : vector<16xi32>
    %add3A_60 = arith.addi %mul3A_56, %and3A_59 : vector<16xi32>
    %swap3A_61 = arith.constant 48 : index
    %swap3A_62 = tpu.vector_load %arg6[%swap3A_61] {strides = array<i32>} : memref<256xi32, #tpu.memory_space<vmem>>, vector<16xi32>,
    %swap3A_63 = vector.shape_cast %swap3A_62 : vector<16xi32> to vector<16xi32>
    %swap3A_64 = vector.shape_cast %add3A_60 : vector<16xi32> to vector<16xi32>
    tpu.vector_store %arg6[%swap3A_61], %swap3A_64 {strides = array<i32>} : memref<256xi32, #tpu.memory_space<vmem>>, vector<16xi32>,
    %get3A_65 = arith.constant 64 : index
    %get3A_66 = tpu.vector_load %arg6[%get3A_65] {strides = array<i32>} : memref<256xi32, #tpu.memory_space<vmem>>, vector<16xi32>,
    %get3A_67 = vector.shape_cast %get3A_66 : vector<16xi32> to vector<16xi32>
    %shift_right_logical3A_68 = arith.constant 7 : i32
    %shift_right_logical3A_69 = vector.broadcast %shift_right_logical3A_68 : i32 to vector<16xi32>
    %shift_right_logical3A_70 = arith.shrui %get3A_67, %shift_right_logical3A_69 : vector<16xi32>
    %mul3A_71 = arith.constant 1024 : i32
    %mul3A_72 = vector.broadcast %mul3A_71 : i32 to vector<16xi32>
    %mul3A_73 = arith.muli %shift_right_logical3A_70, %mul3A_72 : vector<16xi32>
    %and3A_74 = arith.constant 127 : i32
    %and3A_75 = vector.broadcast %and3A_74 : i32 to vector<16xi32>
    %and3A_76 = arith.andi %get3A_67, %and3A_75 : vector<16xi32>
    %add3A_77 = arith.addi %mul3A_73, %and3A_76 : vector<16xi32>
    %swap3A_78 = arith.constant 64 : index
    %swap3A_79 = tpu.vector_load %arg6[%swap3A_78] {strides = array<i32>} : memref<256xi32, #tpu.memory_space<vmem>>, vector<16xi32>,
    %swap3A_80 = vector.shape_cast %swap3A_79 : vector<16xi32> to vector<16xi32>
    %swap3A_81 = vector.shape_cast %add3A_77 : vector<16xi32> to vector<16xi32>
    tpu.vector_store %arg6[%swap3A_78], %swap3A_81 {strides = array<i32>} : memref<256xi32, #tpu.memory_space<vmem>>, vector<16xi32>,
    %get3A_82 = arith.constant 80 : index
    %get3A_83 = tpu.vector_load %arg6[%get3A_82] {strides = array<i32>} : memref<256xi32, #tpu.memory_space<vmem>>, vector<16xi32>,
    %get3A_84 = vector.shape_cast %get3A_83 : vector<16xi32> to vector<16xi32>
    %shift_right_logical3A_85 = arith.constant 7 : i32
    %shift_right_logical3A_86 = vector.broadcast %shift_right_logical3A_85 : i32 to vector<16xi32>
    %shift_right_logical3A_87 = arith.shrui %get3A_84, %shift_right_logical3A_86 : vector<16xi32>
    %mul3A_88 = arith.constant 1024 : i32
    %mul3A_89 = vector.broadcast %mul3A_88 : i32 to vector<16xi32>
    %mul3A_90 = arith.muli %shift_right_logical3A_87, %mul3A_89 : vector<16xi32>
    %and3A_91 = arith.constant 127 : i32
    %and3A_92 = vector.broadcast %and3A_91 : i32 to vector<16xi32>
    %and3A_93 = arith.andi %get3A_84, %and3A_92 : vector<16xi32>
    %add3A_94 = arith.addi %mul3A_90, %and3A_93 : vector<16xi32>
    %swap3A_95 = arith.constant 80 : index
    %swap3A_96 = tpu.vector_load %arg6[%swap3A_95] {strides = array<i32>} : memref<256xi32, #tpu.memory_space<vmem>>, vector<16xi32>,
    %swap3A_97 = vector.shape_cast %swap3A_96 : vector<16xi32> to vector<16xi32>
    %swap3A_98 = vector.shape_cast %add3A_94 : vector<16xi32> to vector<16xi32>
    tpu.vector_store %arg6[%swap3A_95], %swap3A_98 {strides = array<i32>} : memref<256xi32, #tpu.memory_space<vmem>>, vector<16xi32>,
    %get3A_99 = arith.constant 96 : index
    %get3A_100 = tpu.vector_load %arg6[%get3A_99] {strides = array<i32>} : memref<256xi32, #tpu.memory_space<vmem>>, vector<16xi32>,
    %get3A_101 = vector.shape_cast %get3A_100 : vector<16xi32> to vector<16xi32>
    %shift_right_logical3A_102 = arith.constant 7 : i32
    %shift_right_logical3A_103 = vector.broadcast %shift_right_logical3A_102 : i32 to vector<16xi32>
    %shift_right_logical3A_104 = arith.shrui %get3A_101, %shift_right_logical3A_103 : vector<16xi32>
    %mul3A_105 = arith.constant 1024 : i32
    %mul3A_106 = vector.broadcast %mul3A_105 : i32 to vector<16xi32>
    %mul3A_107 = arith.muli %shift_right_logical3A_104, %mul3A_106 : vector<16xi32>
    %and3A_108 = arith.constant 127 : i32
    %and3A_109 = vector.broadcast %and3A_108 : i32 to vector<16xi32>
    %and3A_110 = arith.andi %get3A_101, %and3A_109 : vector<16xi32>
    %add3A_111 = arith.addi %mul3A_107, %and3A_110 : vector<16xi32>
    %swap3A_112 = arith.constant 96 : index
    %swap3A_113 = tpu.vector_load %arg6[%swap3A_112] {strides = array<i32>} : memref<256xi32, #tpu.memory_space<vmem>>, vector<16xi32>,
    %swap3A_114 = vector.shape_cast %swap3A_113 : vector<16xi32> to vector<16xi32>
    %swap3A_115 = vector.shape_cast %add3A_111 : vector<16xi32> to vector<16xi32>
    tpu.vector_store %arg6[%swap3A_112], %swap3A_115 {strides = array<i32>} : memref<256xi32, #tpu.memory_space<vmem>>, vector<16xi32>,
    %get3A_116 = arith.constant 112 : index
    %get3A_117 = tpu.vector_load %arg6[%get3A_116] {strides = array<i32>} : memref<256xi32, #tpu.memory_space<vmem>>, vector<16xi32>,
    %get3A_118 = vector.shape_cast %get3A_117 : vector<16xi32> to vector<16xi32>
    %shift_right_logical3A_119 = arith.constant 7 : i32
    %shift_right_logical3A_120 = vector.broadcast %shift_right_logical3A_119 : i32 to vector<16xi32>
    %shift_right_logical3A_121 = arith.shrui %get3A_118, %shift_right_logical3A_120 : vector<16xi32>
    %mul3A_122 = arith.constant 1024 : i32
    %mul3A_123 = vector.broadcast %mul3A_122 : i32 to vector<16xi32>
    %mul3A_124 = arith.muli %shift_right_logical3A_121, %mul3A_123 : vector<16xi32>
    %and3A_125 = arith.constant 127 : i32
    %and3A_126 = vector.broadcast %and3A_125 : i32 to vector<16xi32>
    %and3A_127 = arith.andi %get3A_118, %and3A_126 : vector<16xi32>
    %add3A_128 = arith.addi %mul3A_124, %and3A_127 : vector<16xi32>
    %swap3A_129 = arith.constant 112 : index
    %swap3A_130 = tpu.vector_load %arg6[%swap3A_129] {strides = array<i32>} : memref<256xi32, #tpu.memory_space<vmem>>, vector<16xi32>,
    %swap3A_131 = vector.shape_cast %swap3A_130 : vector<16xi32> to vector<16xi32>
    %swap3A_132 = vector.shape_cast %add3A_128 : vector<16xi32> to vector<16xi32>
    tpu.vector_store %arg6[%swap3A_129], %swap3A_132 {strides = array<i32>} : memref<256xi32, #tpu.memory_space<vmem>>, vector<16xi32>,
    %get3A_133 = arith.constant 128 : index
    %get3A_134 = tpu.vector_load %arg6[%get3A_133] {strides = array<i32>} : memref<256xi32, #tpu.memory_space<vmem>>, vector<16xi32>,
    %get3A_135 = vector.shape_cast %get3A_134 : vector<16xi32> to vector<16xi32>
    %shift_right_logical3A_136 = arith.constant 7 : i32
    %shift_right_logical3A_137 = vector.broadcast %shift_right_logical3A_136 : i32 to vector<16xi32>
    %shift_right_logical3A_138 = arith.shrui %get3A_135, %shift_right_logical3A_137 : vector<16xi32>
    %mul3A_139 = arith.constant 1024 : i32
    %mul3A_140 = vector.broadcast %mul3A_139 : i32 to vector<16xi32>
    %mul3A_141 = arith.muli %shift_right_logical3A_138, %mul3A_140 : vector<16xi32>
    %and3A_142 = arith.constant 127 : i32
    %and3A_143 = vector.broadcast %and3A_142 : i32 to vector<16xi32>
    %and3A_144 = arith.andi %get3A_135, %and3A_143 : vector<16xi32>
    %add3A_145 = arith.addi %mul3A_141, %and3A_144 : vector<16xi32>
    %swap3A_146 = arith.constant 128 : index
    %swap3A_147 = tpu.vector_load %arg6[%swap3A_146] {strides = array<i32>} : memref<256xi32, #tpu.memory_space<vmem>>, vector<16xi32>,
    %swap3A_148 = vector.shape_cast %swap3A_147 : vector<16xi32> to vector<16xi32>
    %swap3A_149 = vector.shape_cast %add3A_145 : vector<16xi32> to vector<16xi32>
    tpu.vector_store %arg6[%swap3A_146], %swap3A_149 {strides = array<i32>} : memref<256xi32, #tpu.memory_space<vmem>>, vector<16xi32>,
    %get3A_150 = arith.constant 144 : index
    %get3A_151 = tpu.vector_load %arg6[%get3A_150] {strides = array<i32>} : memref<256xi32, #tpu.memory_space<vmem>>, vector<16xi32>,
    %get3A_152 = vector.shape_cast %get3A_151 : vector<16xi32> to vector<16xi32>
    %shift_right_logical3A_153 = arith.constant 7 : i32
    %shift_right_logical3A_154 = vector.broadcast %shift_right_logical3A_153 : i32 to vector<16xi32>
    %shift_right_logical3A_155 = arith.shrui %get3A_152, %shift_right_logical3A_154 : vector<16xi32>
    %mul3A_156 = arith.constant 1024 : i32
    %mul3A_157 = vector.broadcast %mul3A_156 : i32 to vector<16xi32>
    %mul3A_158 = arith.muli %shift_right_logical3A_155, %mul3A_157 : vector<16xi32>
    %and3A_159 = arith.constant 127 : i32
    %and3A_160 = vector.broadcast %and3A_159 : i32 to vector<16xi32>
    %and3A_161 = arith.andi %get3A_152, %and3A_160 : vector<16xi32>
    %add3A_162 = arith.addi %mul3A_158, %and3A_161 : vector<16xi32>
    %swap3A_163 = arith.constant 144 : index
    %swap3A_164 = tpu.vector_load %arg6[%swap3A_163] {strides = array<i32>} : memref<256xi32, #tpu.memory_space<vmem>>, vector<16xi32>,
    %swap3A_165 = vector.shape_cast %swap3A_164 : vector<16xi32> to vector<16xi32>
    %swap3A_166 = vector.shape_cast %add3A_162 : vector<16xi32> to vector<16xi32>
    tpu.vector_store %arg6[%swap3A_163], %swap3A_166 {strides = array<i32>} : memref<256xi32, #tpu.memory_space<vmem>>, vector<16xi32>,
    %get3A_167 = arith.constant 160 : index
    %get3A_168 = tpu.vector_load %arg6[%get3A_167] {strides = array<i32>} : memref<256xi32, #tpu.memory_space<vmem>>, vector<16xi32>,
    %get3A_169 = vector.shape_cast %get3A_168 : vector<16xi32> to vector<16xi32>
    %shift_right_logical3A_170 = arith.constant 7 : i32
    %shift_right_logical3A_171 = vector.broadcast %shift_right_logical3A_170 : i32 to vector<16xi32>
    %shift_right_logical3A_172 = arith.shrui %get3A_169, %shift_right_logical3A_171 : vector<16xi32>
    %mul3A_173 = arith.constant 1024 : i32
    %mul3A_174 = vector.broadcast %mul3A_173 : i32 to vector<16xi32>
    %mul3A_175 = arith.muli %shift_right_logical3A_172, %mul3A_174 : vector<16xi32>
    %and3A_176 = arith.constant 127 : i32
    %and3A_177 = vector.broadcast %and3A_176 : i32 to vector<16xi32>
    %and3A_178 = arith.andi %get3A_169, %and3A_177 : vector<16xi32>
    %add3A_179 = arith.addi %mul3A_175, %and3A_178 : vector<16xi32>
    %swap3A_180 = arith.constant 160 : index
    %swap3A_181 = tpu.vector_load %arg6[%swap3A_180] {strides = array<i32>} : memref<256xi32, #tpu.memory_space<vmem>>, vector<16xi32>,
    %swap3A_182 = vector.shape_cast %swap3A_181 : vector<16xi32> to vector<16xi32>
    %swap3A_183 = vector.shape_cast %add3A_179 : vector<16xi32> to vector<16xi32>
    tpu.vector_store %arg6[%swap3A_180], %swap3A_183 {strides = array<i32>} : memref<256xi32, #tpu.memory_space<vmem>>, vector<16xi32>,
    %get3A_184 = arith.constant 176 : index
    %get3A_185 = tpu.vector_load %arg6[%get3A_184] {strides = array<i32>} : memref<256xi32, #tpu.memory_space<vmem>>, vector<16xi32>,
    %get3A_186 = vector.shape_cast %get3A_185 : vector<16xi32> to vector<16xi32>
    %shift_right_logical3A_187 = arith.constant 7 : i32
    %shift_right_logical3A_188 = vector.broadcast %shift_right_logical3A_187 : i32 to vector<16xi32>
    %shift_right_logical3A_189 = arith.shrui %get3A_186, %shift_right_logical3A_188 : vector<16xi32>
    %mul3A_190 = arith.constant 1024 : i32
    %mul3A_191 = vector.broadcast %mul3A_190 : i32 to vector<16xi32>
    %mul3A_192 = arith.muli %shift_right_logical3A_189, %mul3A_191 : vector<16xi32>
    %and3A_193 = arith.constant 127 : i32
    %and3A_194 = vector.broadcast %and3A_193 : i32 to vector<16xi32>
    %and3A_195 = arith.andi %get3A_186, %and3A_194 : vector<16xi32>
    %add3A_196 = arith.addi %mul3A_192, %and3A_195 : vector<16xi32>
    %swap3A_197 = arith.constant 176 : index
    %swap3A_198 = tpu.vector_load %arg6[%swap3A_197] {strides = array<i32>} : memref<256xi32, #tpu.memory_space<vmem>>, vector<16xi32>,
    %swap3A_199 = vector.shape_cast %swap3A_198 : vector<16xi32> to vector<16xi32>
    %swap3A_200 = vector.shape_cast %add3A_196 : vector<16xi32> to vector<16xi32>
    tpu.vector_store %arg6[%swap3A_197], %swap3A_200 {strides = array<i32>} : memref<256xi32, #tpu.memory_space<vmem>>, vector<16xi32>,
    %get3A_201 = arith.constant 192 : index
    %get3A_202 = tpu.vector_load %arg6[%get3A_201] {strides = array<i32>} : memref<256xi32, #tpu.memory_space<vmem>>, vector<16xi32>,
    %get3A_203 = vector.shape_cast %get3A_202 : vector<16xi32> to vector<16xi32>
    %shift_right_logical3A_204 = arith.constant 7 : i32
    %shift_right_logical3A_205 = vector.broadcast %shift_right_logical3A_204 : i32 to vector<16xi32>
    %shift_right_logical3A_206 = arith.shrui %get3A_203, %shift_right_logical3A_205 : vector<16xi32>
    %mul3A_207 = arith.constant 1024 : i32
    %mul3A_208 = vector.broadcast %mul3A_207 : i32 to vector<16xi32>
    %mul3A_209 = arith.muli %shift_right_logical3A_206, %mul3A_208 : vector<16xi32>
    %and3A_210 = arith.constant 127 : i32
    %and3A_211 = vector.broadcast %and3A_210 : i32 to vector<16xi32>
    %and3A_212 = arith.andi %get3A_203, %and3A_211 : vector<16xi32>
    %add3A_213 = arith.addi %mul3A_209, %and3A_212 : vector<16xi32>
    %swap3A_214 = arith.constant 192 : index
    %swap3A_215 = tpu.vector_load %arg6[%swap3A_214] {strides = array<i32>} : memref<256xi32, #tpu.memory_space<vmem>>, vector<16xi32>,
    %swap3A_216 = vector.shape_cast %swap3A_215 : vector<16xi32> to vector<16xi32>
    %swap3A_217 = vector.shape_cast %add3A_213 : vector<16xi32> to vector<16xi32>
    tpu.vector_store %arg6[%swap3A_214], %swap3A_217 {strides = array<i32>} : memref<256xi32, #tpu.memory_space<vmem>>, vector<16xi32>,
    %get3A_218 = arith.constant 208 : index
    %get3A_219 = tpu.vector_load %arg6[%get3A_218] {strides = array<i32>} : memref<256xi32, #tpu.memory_space<vmem>>, vector<16xi32>,
    %get3A_220 = vector.shape_cast %get3A_219 : vector<16xi32> to vector<16xi32>
    %shift_right_logical3A_221 = arith.constant 7 : i32
    %shift_right_logical3A_222 = vector.broadcast %shift_right_logical3A_221 : i32 to vector<16xi32>
    %shift_right_logical3A_223 = arith.shrui %get3A_220, %shift_right_logical3A_222 : vector<16xi32>
    %mul3A_224 = arith.constant 1024 : i32
    %mul3A_225 = vector.broadcast %mul3A_224 : i32 to vector<16xi32>
    %mul3A_226 = arith.muli %shift_right_logical3A_223, %mul3A_225 : vector<16xi32>
    %and3A_227 = arith.constant 127 : i32
    %and3A_228 = vector.broadcast %and3A_227 : i32 to vector<16xi32>
    %and3A_229 = arith.andi %get3A_220, %and3A_228 : vector<16xi32>
    %add3A_230 = arith.addi %mul3A_226, %and3A_229 : vector<16xi32>
    %swap3A_231 = arith.constant 208 : index
    %swap3A_232 = tpu.vector_load %arg6[%swap3A_231] {strides = array<i32>} : memref<256xi32, #tpu.memory_space<vmem>>, vector<16xi32>,
    %swap3A_233 = vector.shape_cast %swap3A_232 : vector<16xi32> to vector<16xi32>
    %swap3A_234 = vector.shape_cast %add3A_230 : vector<16xi32> to vector<16xi32>
    tpu.vector_store %arg6[%swap3A_231], %swap3A_234 {strides = array<i32>} : memref<256xi32, #tpu.memory_space<vmem>>, vector<16xi32>,
    %get3A_235 = arith.constant 224 : index
    %get3A_236 = tpu.vector_load %arg6[%get3A_235] {strides = array<i32>} : memref<256xi32, #tpu.memory_space<vmem>>, vector<16xi32>,
    %get3A_237 = vector.shape_cast %get3A_236 : vector<16xi32> to vector<16xi32>
    %shift_right_logical3A_238 = arith.constant 7 : i32
    %shift_right_logical3A_239 = vector.broadcast %shift_right_logical3A_238 : i32 to vector<16xi32>
    %shift_right_logical3A_240 = arith.shrui %get3A_237, %shift_right_logical3A_239 : vector<16xi32>
    %mul3A_241 = arith.constant 1024 : i32
    %mul3A_242 = vector.broadcast %mul3A_241 : i32 to vector<16xi32>
    %mul3A_243 = arith.muli %shift_right_logical3A_240, %mul3A_242 : vector<16xi32>
    %and3A_244 = arith.constant 127 : i32
    %and3A_245 = vector.broadcast %and3A_244 : i32 to vector<16xi32>
    %and3A_246 = arith.andi %get3A_237, %and3A_245 : vector<16xi32>
    %add3A_247 = arith.addi %mul3A_243, %and3A_246 : vector<16xi32>
    %swap3A_248 = arith.constant 224 : index
    %swap3A_249 = tpu.vector_load %arg6[%swap3A_248] {strides = array<i32>} : memref<256xi32, #tpu.memory_space<vmem>>, vector<16xi32>,
    %swap3A_250 = vector.shape_cast %swap3A_249 : vector<16xi32> to vector<16xi32>
    %swap3A_251 = vector.shape_cast %add3A_247 : vector<16xi32> to vector<16xi32>
    tpu.vector_store %arg6[%swap3A_248], %swap3A_251 {strides = array<i32>} : memref<256xi32, #tpu.memory_space<vmem>>, vector<16xi32>,
    %get3A_252 = arith.constant 240 : index
    %get3A_253 = tpu.vector_load %arg6[%get3A_252] {strides = array<i32>} : memref<256xi32, #tpu.memory_space<vmem>>, vector<16xi32>,
    %get3A_254 = vector.shape_cast %get3A_253 : vector<16xi32> to vector<16xi32>
    %shift_right_logical3A_255 = arith.constant 7 : i32
    %shift_right_logical3A_256 = vector.broadcast %shift_right_logical3A_255 : i32 to vector<16xi32>
    %shift_right_logical3A_257 = arith.shrui %get3A_254, %shift_right_logical3A_256 : vector<16xi32>
    %mul3A_258 = arith.constant 1024 : i32
    %mul3A_259 = vector.broadcast %mul3A_258 : i32 to vector<16xi32>
    %mul3A_260 = arith.muli %shift_right_logical3A_257, %mul3A_259 : vector<16xi32>
    %and3A_261 = arith.constant 127 : i32
    %and3A_262 = vector.broadcast %and3A_261 : i32 to vector<16xi32>
    %and3A_263 = arith.andi %get3A_254, %and3A_262 : vector<16xi32>
    %add3A_264 = arith.addi %mul3A_260, %and3A_263 : vector<16xi32>
    %swap3A_265 = arith.constant 240 : index
    %swap3A_266 = tpu.vector_load %arg6[%swap3A_265] {strides = array<i32>} : memref<256xi32, #tpu.memory_space<vmem>>, vector<16xi32>,
    %swap3A_267 = vector.shape_cast %swap3A_266 : vector<16xi32> to vector<16xi32>
    %swap3A_268 = vector.shape_cast %add3A_264 : vector<16xi32> to vector<16xi32>
    tpu.vector_store %arg6[%swap3A_265], %swap3A_268 {strides = array<i32>} : memref<256xi32, #tpu.memory_space<vmem>>, vector<16xi32>,
    %mul3A_269 = arith.constant 8 : i32
    %mul3A_270 = arith.muli %add3A, %mul3A_269 : i32
    %add3A_271 = arith.constant 0 : i32
    %add3A_272 = arith.addi %mul3A_270, %add3A_271 : i32
    %div3A = arith.constant 8 : i32
    %div3A_273 = arith.divsi %add3A_272, %div3A : i32
    %mul3A_274 = arith.constant 1050624 : i32
    %mul3A_275 = arith.muli %div3A_273, %mul3A_274 : i32
    %rem3A = arith.constant 8 : i32
    %rem3A_276 = arith.remsi %add3A_272, %rem3A : i32
    %mul3A_277 = arith.constant 128 : i32
    %mul3A_278 = arith.muli %rem3A_276, %mul3A_277 : i32
    %add3A_279 = arith.addi %mul3A_275, %mul3A_278 : i32
    %get3A_280 = arith.constant 0 : index
    %get3A_281 = tpu.vector_load %arg6[%get3A_280] {strides = array<i32>} : memref<256xi32, #tpu.memory_space<vmem>>, vector<16xi32>,
    %get3A_282 = vector.shape_cast %get3A_281 : vector<16xi32> to vector<16xi32>
    %add3A_283 = vector.broadcast %add3A_279 : i32 to vector<16xi32>
    %add3A_284 = arith.addi %get3A_282, %add3A_283 : vector<16xi32>
    %swap3A_285 = arith.constant 0 : index
    %swap3A_286 = tpu.vector_load %arg7[%swap3A_285] {strides = array<i32>} : memref<2048xi32, #tpu.memory_space<vmem>>, vector<16xi32>,
    %swap3A_287 = vector.shape_cast %swap3A_286 : vector<16xi32> to vector<16xi32>
    %swap3A_288 = vector.shape_cast %add3A_284 : vector<16xi32> to vector<16xi32>
    tpu.vector_store %arg7[%swap3A_285], %swap3A_288 {strides = array<i32>} : memref<2048xi32, #tpu.memory_space<vmem>>, vector<16xi32>,
    %get3A_289 = arith.constant 16 : index
    %get3A_290 = tpu.vector_load %arg6[%get3A_289] {strides = array<i32>} : memref<256xi32, #tpu.memory_space<vmem>>, vector<16xi32>,
    %get3A_291 = vector.shape_cast %get3A_290 : vector<16xi32> to vector<16xi32>
    %add3A_292 = vector.broadcast %add3A_279 : i32 to vector<16xi32>
    %add3A_293 = arith.addi %get3A_291, %add3A_292 : vector<16xi32>
    %swap3A_294 = arith.constant 16 : index
    %swap3A_295 = tpu.vector_load %arg7[%swap3A_294] {strides = array<i32>} : memref<2048xi32, #tpu.memory_space<vmem>>, vector<16xi32>,
    %swap3A_296 = vector.shape_cast %swap3A_295 : vector<16xi32> to vector<16xi32>
    %swap3A_297 = vector.shape_cast %add3A_293 : vector<16xi32> to vector<16xi32>
    tpu.vector_store %arg7[%swap3A_294], %swap3A_297 {strides = array<i32>} : memref<2048xi32, #tpu.memory_space<vmem>>, vector<16xi32>,
    %get3A_298 = arith.constant 32 : index
    %get3A_299 = tpu.vector_load %arg6[%get3A_298] {strides = array<i32>} : memref<256xi32, #tpu.memory_space<vmem>>, vector<16xi32>,
    %get3A_300 = vector.shape_cast %get3A_299 : vector<16xi32> to vector<16xi32>
    %add3A_301 = vector.broadcast %add3A_279 : i32 to vector<16xi32>
    %add3A_302 = arith.addi %get3A_300, %add3A_301 : vector<16xi32>
    %swap3A_303 = arith.constant 32 : index
    %swap3A_304 = tpu.vector_load %arg7[%swap3A_303] {strides = array<i32>} : memref<2048xi32, #tpu.memory_space<vmem>>, vector<16xi32>,
    %swap3A_305 = vector.shape_cast %swap3A_304 : vector<16xi32> to vector<16xi32>
    %swap3A_306 = vector.shape_cast %add3A_302 : vector<16xi32> to vector<16xi32>
    tpu.vector_store %arg7[%swap3A_303], %swap3A_306 {strides = array<i32>} : memref<2048xi32, #tpu.memory_space<vmem>>, vector<16xi32>,
    %get3A_307 = arith.constant 48 : index
    %get3A_308 = tpu.vector_load %arg6[%get3A_307] {strides = array<i32>} : memref<256xi32, #tpu.memory_space<vmem>>, vector<16xi32>,
    %get3A_309 = vector.shape_cast %get3A_308 : vector<16xi32> to vector<16xi32>
    %add3A_310 = vector.broadcast %add3A_279 : i32 to vector<16xi32>
    %add3A_311 = arith.addi %get3A_309, %add3A_310 : vector<16xi32>
    %swap3A_312 = arith.constant 48 : index
    %swap3A_313 = tpu.vector_load %arg7[%swap3A_312] {strides = array<i32>} : memref<2048xi32, #tpu.memory_space<vmem>>, vector<16xi32>,
    %swap3A_314 = vector.shape_cast %swap3A_313 : vector<16xi32> to vector<16xi32>
    %swap3A_315 = vector.shape_cast %add3A_311 : vector<16xi32> to vector<16xi32>
    tpu.vector_store %arg7[%swap3A_312], %swap3A_315 {strides = array<i32>} : memref<2048xi32, #tpu.memory_space<vmem>>, vector<16xi32>,
    %get3A_316 = arith.constant 64 : index
    %get3A_317 = tpu.vector_load %arg6[%get3A_316] {strides = array<i32>} : memref<256xi32, #tpu.memory_space<vmem>>, vector<16xi32>,
    %get3A_318 = vector.shape_cast %get3A_317 : vector<16xi32> to vector<16xi32>
    %add3A_319 = vector.broadcast %add3A_279 : i32 to vector<16xi32>
    %add3A_320 = arith.addi %get3A_318, %add3A_319 : vector<16xi32>
    %swap3A_321 = arith.constant 64 : index
    %swap3A_322 = tpu.vector_load %arg7[%swap3A_321] {strides = array<i32>} : memref<2048xi32, #tpu.memory_space<vmem>>, vector<16xi32>,
    %swap3A_323 = vector.shape_cast %swap3A_322 : vector<16xi32> to vector<16xi32>
    %swap3A_324 = vector.shape_cast %add3A_320 : vector<16xi32> to vector<16xi32>
    tpu.vector_store %arg7[%swap3A_321], %swap3A_324 {strides = array<i32>} : memref<2048xi32, #tpu.memory_space<vmem>>, vector<16xi32>,
    %get3A_325 = arith.constant 80 : index
    %get3A_326 = tpu.vector_load %arg6[%get3A_325] {strides = array<i32>} : memref<256xi32, #tpu.memory_space<vmem>>, vector<16xi32>,
    %get3A_327 = vector.shape_cast %get3A_326 : vector<16xi32> to vector<16xi32>
    %add3A_328 = vector.broadcast %add3A_279 : i32 to vector<16xi32>
    %add3A_329 = arith.addi %get3A_327, %add3A_328 : vector<16xi32>
    %swap3A_330 = arith.constant 80 : index
    %swap3A_331 = tpu.vector_load %arg7[%swap3A_330] {strides = array<i32>} : memref<2048xi32, #tpu.memory_space<vmem>>, vector<16xi32>,
    %swap3A_332 = vector.shape_cast %swap3A_331 : vector<16xi32> to vector<16xi32>
    %swap3A_333 = vector.shape_cast %add3A_329 : vector<16xi32> to vector<16xi32>
    tpu.vector_store %arg7[%swap3A_330], %swap3A_333 {strides = array<i32>} : memref<2048xi32, #tpu.memory_space<vmem>>, vector<16xi32>,
    %get3A_334 = arith.constant 96 : index
    %get3A_335 = tpu.vector_load %arg6[%get3A_334] {strides = array<i32>} : memref<256xi32, #tpu.memory_space<vmem>>, vector<16xi32>,
    %get3A_336 = vector.shape_cast %get3A_335 : vector<16xi32> to vector<16xi32>
    %add3A_337 = vector.broadcast %add3A_279 : i32 to vector<16xi32>
    %add3A_338 = arith.addi %get3A_336, %add3A_337 : vector<16xi32>
    %swap3A_339 = arith.constant 96 : index
    %swap3A_340 = tpu.vector_load %arg7[%swap3A_339] {strides = array<i32>} : memref<2048xi32, #tpu.memory_space<vmem>>, vector<16xi32>,
    %swap3A_341 = vector.shape_cast %swap3A_340 : vector<16xi32> to vector<16xi32>
    %swap3A_342 = vector.shape_cast %add3A_338 : vector<16xi32> to vector<16xi32>
    tpu.vector_store %arg7[%swap3A_339], %swap3A_342 {strides = array<i32>} : memref<2048xi32, #tpu.memory_space<vmem>>, vector<16xi32>,
    %get3A_343 = arith.constant 112 : index
    %get3A_344 = tpu.vector_load %arg6[%get3A_343] {strides = array<i32>} : memref<256xi32, #tpu.memory_space<vmem>>, vector<16xi32>,
    %get3A_345 = vector.shape_cast %get3A_344 : vector<16xi32> to vector<16xi32>
    %add3A_346 = vector.broadcast %add3A_279 : i32 to vector<16xi32>
    %add3A_347 = arith.addi %get3A_345, %add3A_346 : vector<16xi32>
    %swap3A_348 = arith.constant 112 : index
    %swap3A_349 = tpu.vector_load %arg7[%swap3A_348] {strides = array<i32>} : memref<2048xi32, #tpu.memory_space<vmem>>, vector<16xi32>,
    %swap3A_350 = vector.shape_cast %swap3A_349 : vector<16xi32> to vector<16xi32>
    %swap3A_351 = vector.shape_cast %add3A_347 : vector<16xi32> to vector<16xi32>
    tpu.vector_store %arg7[%swap3A_348], %swap3A_351 {strides = array<i32>} : memref<2048xi32, #tpu.memory_space<vmem>>, vector<16xi32>,
    %get3A_352 = arith.constant 128 : index
    %get3A_353 = tpu.vector_load %arg6[%get3A_352] {strides = array<i32>} : memref<256xi32, #tpu.memory_space<vmem>>, vector<16xi32>,
    %get3A_354 = vector.shape_cast %get3A_353 : vector<16xi32> to vector<16xi32>
    %add3A_355 = vector.broadcast %add3A_279 : i32 to vector<16xi32>
    %add3A_356 = arith.addi %get3A_354, %add3A_355 : vector<16xi32>
    %swap3A_357 = arith.constant 128 : index
    %swap3A_358 = tpu.vector_load %arg7[%swap3A_357] {strides = array<i32>} : memref<2048xi32, #tpu.memory_space<vmem>>, vector<16xi32>,
    %swap3A_359 = vector.shape_cast %swap3A_358 : vector<16xi32> to vector<16xi32>
    %swap3A_360 = vector.shape_cast %add3A_356 : vector<16xi32> to vector<16xi32>
    tpu.vector_store %arg7[%swap3A_357], %swap3A_360 {strides = array<i32>} : memref<2048xi32, #tpu.memory_space<vmem>>, vector<16xi32>,
    %get3A_361 = arith.constant 144 : index
    %get3A_362 = tpu.vector_load %arg6[%get3A_361] {strides = array<i32>} : memref<256xi32, #tpu.memory_space<vmem>>, vector<16xi32>,
    %get3A_363 = vector.shape_cast %get3A_362 : vector<16xi32> to vector<16xi32>
    %add3A_364 = vector.broadcast %add3A_279 : i32 to vector<16xi32>
    %add3A_365 = arith.addi %get3A_363, %add3A_364 : vector<16xi32>
    %swap3A_366 = arith.constant 144 : index
    %swap3A_367 = tpu.vector_load %arg7[%swap3A_366] {strides = array<i32>} : memref<2048xi32, #tpu.memory_space<vmem>>, vector<16xi32>,
    %swap3A_368 = vector.shape_cast %swap3A_367 : vector<16xi32> to vector<16xi32>
    %swap3A_369 = vector.shape_cast %add3A_365 : vector<16xi32> to vector<16xi32>
    tpu.vector_store %arg7[%swap3A_366], %swap3A_369 {strides = array<i32>} : memref<2048xi32, #tpu.memory_space<vmem>>, vector<16xi32>,
    %get3A_370 = arith.constant 160 : index
    %get3A_371 = tpu.vector_load %arg6[%get3A_370] {strides = array<i32>} : memref<256xi32, #tpu.memory_space<vmem>>, vector<16xi32>,
    %get3A_372 = vector.shape_cast %get3A_371 : vector<16xi32> to vector<16xi32>
    %add3A_373 = vector.broadcast %add3A_279 : i32 to vector<16xi32>
    %add3A_374 = arith.addi %get3A_372, %add3A_373 : vector<16xi32>
    %swap3A_375 = arith.constant 160 : index
    %swap3A_376 = tpu.vector_load %arg7[%swap3A_375] {strides = array<i32>} : memref<2048xi32, #tpu.memory_space<vmem>>, vector<16xi32>,
    %swap3A_377 = vector.shape_cast %swap3A_376 : vector<16xi32> to vector<16xi32>
    %swap3A_378 = vector.shape_cast %add3A_374 : vector<16xi32> to vector<16xi32>
    tpu.vector_store %arg7[%swap3A_375], %swap3A_378 {strides = array<i32>} : memref<2048xi32, #tpu.memory_space<vmem>>, vector<16xi32>,
    %get3A_379 = arith.constant 176 : index
    %get3A_380 = tpu.vector_load %arg6[%get3A_379] {strides = array<i32>} : memref<256xi32, #tpu.memory_space<vmem>>, vector<16xi32>,
    %get3A_381 = vector.shape_cast %get3A_380 : vector<16xi32> to vector<16xi32>
    %add3A_382 = vector.broadcast %add3A_279 : i32 to vector<16xi32>
    %add3A_383 = arith.addi %get3A_381, %add3A_382 : vector<16xi32>
    %swap3A_384 = arith.constant 176 : index
    %swap3A_385 = tpu.vector_load %arg7[%swap3A_384] {strides = array<i32>} : memref<2048xi32, #tpu.memory_space<vmem>>, vector<16xi32>,
    %swap3A_386 = vector.shape_cast %swap3A_385 : vector<16xi32> to vector<16xi32>
    %swap3A_387 = vector.shape_cast %add3A_383 : vector<16xi32> to vector<16xi32>
    tpu.vector_store %arg7[%swap3A_384], %swap3A_387 {strides = array<i32>} : memref<2048xi32, #tpu.memory_space<vmem>>, vector<16xi32>,
    %get3A_388 = arith.constant 192 : index
    %get3A_389 = tpu.vector_load %arg6[%get3A_388] {strides = array<i32>} : memref<256xi32, #tpu.memory_space<vmem>>, vector<16xi32>,
    %get3A_390 = vector.shape_cast %get3A_389 : vector<16xi32> to vector<16xi32>
    %add3A_391 = vector.broadcast %add3A_279 : i32 to vector<16xi32>
    %add3A_392 = arith.addi %get3A_390, %add3A_391 : vector<16xi32>
    %swap3A_393 = arith.constant 192 : index
    %swap3A_394 = tpu.vector_load %arg7[%swap3A_393] {strides = array<i32>} : memref<2048xi32, #tpu.memory_space<vmem>>, vector<16xi32>,
    %swap3A_395 = vector.shape_cast %swap3A_394 : vector<16xi32> to vector<16xi32>
    %swap3A_396 = vector.shape_cast %add3A_392 : vector<16xi32> to vector<16xi32>
    tpu.vector_store %arg7[%swap3A_393], %swap3A_396 {strides = array<i32>} : memref<2048xi32, #tpu.memory_space<vmem>>, vector<16xi32>,
    %get3A_397 = arith.constant 208 : index
    %get3A_398 = tpu.vector_load %arg6[%get3A_397] {strides = array<i32>} : memref<256xi32, #tpu.memory_space<vmem>>, vector<16xi32>,
    %get3A_399 = vector.shape_cast %get3A_398 : vector<16xi32> to vector<16xi32>
    %add3A_400 = vector.broadcast %add3A_279 : i32 to vector<16xi32>
    %add3A_401 = arith.addi %get3A_399, %add3A_400 : vector<16xi32>
    %swap3A_402 = arith.constant 208 : index
    %swap3A_403 = tpu.vector_load %arg7[%swap3A_402] {strides = array<i32>} : memref<2048xi32, #tpu.memory_space<vmem>>, vector<16xi32>,
    %swap3A_404 = vector.shape_cast %swap3A_403 : vector<16xi32> to vector<16xi32>
    %swap3A_405 = vector.shape_cast %add3A_401 : vector<16xi32> to vector<16xi32>
    tpu.vector_store %arg7[%swap3A_402], %swap3A_405 {strides = array<i32>} : memref<2048xi32, #tpu.memory_space<vmem>>, vector<16xi32>,
    %get3A_406 = arith.constant 224 : index
    %get3A_407 = tpu.vector_load %arg6[%get3A_406] {strides = array<i32>} : memref<256xi32, #tpu.memory_space<vmem>>, vector<16xi32>,
    %get3A_408 = vector.shape_cast %get3A_407 : vector<16xi32> to vector<16xi32>
    %add3A_409 = vector.broadcast %add3A_279 : i32 to vector<16xi32>
    %add3A_410 = arith.addi %get3A_408, %add3A_409 : vector<16xi32>
    %swap3A_411 = arith.constant 224 : index
    %swap3A_412 = tpu.vector_load %arg7[%swap3A_411] {strides = array<i32>} : memref<2048xi32, #tpu.memory_space<vmem>>, vector<16xi32>,
    %swap3A_413 = vector.shape_cast %swap3A_412 : vector<16xi32> to vector<16xi32>
    %swap3A_414 = vector.shape_cast %add3A_410 : vector<16xi32> to vector<16xi32>
    tpu.vector_store %arg7[%swap3A_411], %swap3A_414 {strides = array<i32>} : memref<2048xi32, #tpu.memory_space<vmem>>, vector<16xi32>,
    %get3A_415 = arith.constant 240 : index
    %get3A_416 = tpu.vector_load %arg6[%get3A_415] {strides = array<i32>} : memref<256xi32, #tpu.memory_space<vmem>>, vector<16xi32>,
    %get3A_417 = vector.shape_cast %get3A_416 : vector<16xi32> to vector<16xi32>
    %add3A_418 = vector.broadcast %add3A_279 : i32 to vector<16xi32>
    %add3A_419 = arith.addi %get3A_417, %add3A_418 : vector<16xi32>
    %swap3A_420 = arith.constant 240 : index
    %swap3A_421 = tpu.vector_load %arg7[%swap3A_420] {strides = array<i32>} : memref<2048xi32, #tpu.memory_space<vmem>>, vector<16xi32>,
    %swap3A_422 = vector.shape_cast %swap3A_421 : vector<16xi32> to vector<16xi32>
    %swap3A_423 = vector.shape_cast %add3A_419 : vector<16xi32> to vector<16xi32>
    tpu.vector_store %arg7[%swap3A_420], %swap3A_423 {strides = array<i32>} : memref<2048xi32, #tpu.memory_space<vmem>>, vector<16xi32>,
    %mul3A_424 = arith.constant 8 : i32
    %mul3A_425 = arith.muli %add3A, %mul3A_424 : i32
    %add3A_426 = arith.constant 1 : i32
    %add3A_427 = arith.addi %mul3A_425, %add3A_426 : i32
    %div3A_428 = arith.constant 8 : i32
    %div3A_429 = arith.divsi %add3A_427, %div3A_428 : i32
    %mul3A_430 = arith.constant 1050624 : i32
    %mul3A_431 = arith.muli %div3A_429, %mul3A_430 : i32
    %rem3A_432 = arith.constant 8 : i32
    %rem3A_433 = arith.remsi %add3A_427, %rem3A_432 : i32
    %mul3A_434 = arith.constant 128 : i32
    %mul3A_435 = arith.muli %rem3A_433, %mul3A_434 : i32
    %add3A_436 = arith.addi %mul3A_431, %mul3A_435 : i32
    %get3A_437 = arith.constant 0 : index
    %get3A_438 = tpu.vector_load %arg6[%get3A_437] {strides = array<i32>} : memref<256xi32, #tpu.memory_space<vmem>>, vector<16xi32>,
    %get3A_439 = vector.shape_cast %get3A_438 : vector<16xi32> to vector<16xi32>
    %add3A_440 = vector.broadcast %add3A_436 : i32 to vector<16xi32>
    %add3A_441 = arith.addi %get3A_439, %add3A_440 : vector<16xi32>
    %swap3A_442 = arith.constant 256 : index
    %swap3A_443 = tpu.vector_load %arg7[%swap3A_442] {strides = array<i32>} : memref<2048xi32, #tpu.memory_space<vmem>>, vector<16xi32>,
    %swap3A_444 = vector.shape_cast %swap3A_443 : vector<16xi32> to vector<16xi32>
    %swap3A_445 = vector.shape_cast %add3A_441 : vector<16xi32> to vector<16xi32>
    tpu.vector_store %arg7[%swap3A_442], %swap3A_445 {strides = array<i32>} : memref<2048xi32, #tpu.memory_space<vmem>>, vector<16xi32>,
    %get3A_446 = arith.constant 16 : index
    %get3A_447 = tpu.vector_load %arg6[%get3A_446] {strides = array<i32>} : memref<256xi32, #tpu.memory_space<vmem>>, vector<16xi32>,
    %get3A_448 = vector.shape_cast %get3A_447 : vector<16xi32> to vector<16xi32>
    %add3A_449 = vector.broadcast %add3A_436 : i32 to vector<16xi32>
    %add3A_450 = arith.addi %get3A_448, %add3A_449 : vector<16xi32>
    %swap3A_451 = arith.constant 272 : index
    %swap3A_452 = tpu.vector_load %arg7[%swap3A_451] {strides = array<i32>} : memref<2048xi32, #tpu.memory_space<vmem>>, vector<16xi32>,
    %swap3A_453 = vector.shape_cast %swap3A_452 : vector<16xi32> to vector<16xi32>
    %swap3A_454 = vector.shape_cast %add3A_450 : vector<16xi32> to vector<16xi32>
    tpu.vector_store %arg7[%swap3A_451], %swap3A_454 {strides = array<i32>} : memref<2048xi32, #tpu.memory_space<vmem>>, vector<16xi32>,
    %get3A_455 = arith.constant 32 : index
    %get3A_456 = tpu.vector_load %arg6[%get3A_455] {strides = array<i32>} : memref<256xi32, #tpu.memory_space<vmem>>, vector<16xi32>,
    %get3A_457 = vector.shape_cast %get3A_456 : vector<16xi32> to vector<16xi32>
    %add3A_458 = vector.broadcast %add3A_436 : i32 to vector<16xi32>
    %add3A_459 = arith.addi %get3A_457, %add3A_458 : vector<16xi32>
    %swap3A_460 = arith.constant 288 : index
    %swap3A_461 = tpu.vector_load %arg7[%swap3A_460] {strides = array<i32>} : memref<2048xi32, #tpu.memory_space<vmem>>, vector<16xi32>,
    %swap3A_462 = vector.shape_cast %swap3A_461 : vector<16xi32> to vector<16xi32>
    %swap3A_463 = vector.shape_cast %add3A_459 : vector<16xi32> to vector<16xi32>
    tpu.vector_store %arg7[%swap3A_460], %swap3A_463 {strides = array<i32>} : memref<2048xi32, #tpu.memory_space<vmem>>, vector<16xi32>,
    %get3A_464 = arith.constant 48 : index
    %get3A_465 = tpu.vector_load %arg6[%get3A_464] {strides = array<i32>} : memref<256xi32, #tpu.memory_space<vmem>>, vector<16xi32>,
    %get3A_466 = vector.shape_cast %get3A_465 : vector<16xi32> to vector<16xi32>
    %add3A_467 = vector.broadcast %add3A_436 : i32 to vector<16xi32>
    %add3A_468 = arith.addi %get3A_466, %add3A_467 : vector<16xi32>
    %swap3A_469 = arith.constant 304 : index
    %swap3A_470 = tpu.vector_load %arg7[%swap3A_469] {strides = array<i32>} : memref<2048xi32, #tpu.memory_space<vmem>>, vector<16xi32>,
    %swap3A_471 = vector.shape_cast %swap3A_470 : vector<16xi32> to vector<16xi32>
    %swap3A_472 = vector.shape_cast %add3A_468 : vector<16xi32> to vector<16xi32>
    tpu.vector_store %arg7[%swap3A_469], %swap3A_472 {strides = array<i32>} : memref<2048xi32, #tpu.memory_space<vmem>>, vector<16xi32>,
    %get3A_473 = arith.constant 64 : index
    %get3A_474 = tpu.vector_load %arg6[%get3A_473] {strides = array<i32>} : memref<256xi32, #tpu.memory_space<vmem>>, vector<16xi32>,
    %get3A_475 = vector.shape_cast %get3A_474 : vector<16xi32> to vector<16xi32>
    %add3A_476 = vector.broadcast %add3A_436 : i32 to vector<16xi32>
    %add3A_477 = arith.addi %get3A_475, %add3A_476 : vector<16xi32>
    %swap3A_478 = arith.constant 320 : index
    %swap3A_479 = tpu.vector_load %arg7[%swap3A_478] {strides = array<i32>} : memref<2048xi32, #tpu.memory_space<vmem>>, vector<16xi32>,
    %swap3A_480 = vector.shape_cast %swap3A_479 : vector<16xi32> to vector<16xi32>
    %swap3A_481 = vector.shape_cast %add3A_477 : vector<16xi32> to vector<16xi32>
    tpu.vector_store %arg7[%swap3A_478], %swap3A_481 {strides = array<i32>} : memref<2048xi32, #tpu.memory_space<vmem>>, vector<16xi32>,
    %get3A_482 = arith.constant 80 : index
    %get3A_483 = tpu.vector_load %arg6[%get3A_482] {strides = array<i32>} : memref<256xi32, #tpu.memory_space<vmem>>, vector<16xi32>,
    %get3A_484 = vector.shape_cast %get3A_483 : vector<16xi32> to vector<16xi32>
    %add3A_485 = vector.broadcast %add3A_436 : i32 to vector<16xi32>
    %add3A_486 = arith.addi %get3A_484, %add3A_485 : vector<16xi32>
    %swap3A_487 = arith.constant 336 : index
    %swap3A_488 = tpu.vector_load %arg7[%swap3A_487] {strides = array<i32>} : memref<2048xi32, #tpu.memory_space<vmem>>, vector<16xi32>,
    %swap3A_489 = vector.shape_cast %swap3A_488 : vector<16xi32> to vector<16xi32>
    %swap3A_490 = vector.shape_cast %add3A_486 : vector<16xi32> to vector<16xi32>
    tpu.vector_store %arg7[%swap3A_487], %swap3A_490 {strides = array<i32>} : memref<2048xi32, #tpu.memory_space<vmem>>, vector<16xi32>,
    %get3A_491 = arith.constant 96 : index
    %get3A_492 = tpu.vector_load %arg6[%get3A_491] {strides = array<i32>} : memref<256xi32, #tpu.memory_space<vmem>>, vector<16xi32>,
    %get3A_493 = vector.shape_cast %get3A_492 : vector<16xi32> to vector<16xi32>
    %add3A_494 = vector.broadcast %add3A_436 : i32 to vector<16xi32>
    %add3A_495 = arith.addi %get3A_493, %add3A_494 : vector<16xi32>
    %swap3A_496 = arith.constant 352 : index
    %swap3A_497 = tpu.vector_load %arg7[%swap3A_496] {strides = array<i32>} : memref<2048xi32, #tpu.memory_space<vmem>>, vector<16xi32>,
    %swap3A_498 = vector.shape_cast %swap3A_497 : vector<16xi32> to vector<16xi32>
    %swap3A_499 = vector.shape_cast %add3A_495 : vector<16xi32> to vector<16xi32>
    tpu.vector_store %arg7[%swap3A_496], %swap3A_499 {strides = array<i32>} : memref<2048xi32, #tpu.memory_space<vmem>>, vector<16xi32>,
    %get3A_500 = arith.constant 112 : index
    %get3A_501 = tpu.vector_load %arg6[%get3A_500] {strides = array<i32>} : memref<256xi32, #tpu.memory_space<vmem>>, vector<16xi32>,
    %get3A_502 = vector.shape_cast %get3A_501 : vector<16xi32> to vector<16xi32>
    %add3A_503 = vector.broadcast %add3A_436 : i32 to vector<16xi32>
    %add3A_504 = arith.addi %get3A_502, %add3A_503 : vector<16xi32>
    %swap3A_505 = arith.constant 368 : index
    %swap3A_506 = tpu.vector_load %arg7[%swap3A_505] {strides = array<i32>} : memref<2048xi32, #tpu.memory_space<vmem>>, vector<16xi32>,
    %swap3A_507 = vector.shape_cast %swap3A_506 : vector<16xi32> to vector<16xi32>
    %swap3A_508 = vector.shape_cast %add3A_504 : vector<16xi32> to vector<16xi32>
    tpu.vector_store %arg7[%swap3A_505], %swap3A_508 {strides = array<i32>} : memref<2048xi32, #tpu.memory_space<vmem>>, vector<16xi32>,
    %get3A_509 = arith.constant 128 : index
    %get3A_510 = tpu.vector_load %arg6[%get3A_509] {strides = array<i32>} : memref<256xi32, #tpu.memory_space<vmem>>, vector<16xi32>,
    %get3A_511 = vector.shape_cast %get3A_510 : vector<16xi32> to vector<16xi32>
    %add3A_512 = vector.broadcast %add3A_436 : i32 to vector<16xi32>
    %add3A_513 = arith.addi %get3A_511, %add3A_512 : vector<16xi32>
    %swap3A_514 = arith.constant 384 : index
    %swap3A_515 = tpu.vector_load %arg7[%swap3A_514] {strides = array<i32>} : memref<2048xi32, #tpu.memory_space<vmem>>, vector<16xi32>,
    %swap3A_516 = vector.shape_cast %swap3A_515 : vector<16xi32> to vector<16xi32>
    %swap3A_517 = vector.shape_cast %add3A_513 : vector<16xi32> to vector<16xi32>
    tpu.vector_store %arg7[%swap3A_514], %swap3A_517 {strides = array<i32>} : memref<2048xi32, #tpu.memory_space<vmem>>, vector<16xi32>,
    %get3A_518 = arith.constant 144 : index
    %get3A_519 = tpu.vector_load %arg6[%get3A_518] {strides = array<i32>} : memref<256xi32, #tpu.memory_space<vmem>>, vector<16xi32>,
    %get3A_520 = vector.shape_cast %get3A_519 : vector<16xi32> to vector<16xi32>
    %add3A_521 = vector.broadcast %add3A_436 : i32 to vector<16xi32>
    %add3A_522 = arith.addi %get3A_520, %add3A_521 : vector<16xi32>
    %swap3A_523 = arith.constant 400 : index
    %swap3A_524 = tpu.vector_load %arg7[%swap3A_523] {strides = array<i32>} : memref<2048xi32, #tpu.memory_space<vmem>>, vector<16xi32>,
    %swap3A_525 = vector.shape_cast %swap3A_524 : vector<16xi32> to vector<16xi32>
    %swap3A_526 = vector.shape_cast %add3A_522 : vector<16xi32> to vector<16xi32>
    tpu.vector_store %arg7[%swap3A_523], %swap3A_526 {strides = array<i32>} : memref<2048xi32, #tpu.memory_space<vmem>>, vector<16xi32>,
    %get3A_527 = arith.constant 160 : index
    %get3A_528 = tpu.vector_load %arg6[%get3A_527] {strides = array<i32>} : memref<256xi32, #tpu.memory_space<vmem>>, vector<16xi32>,
    %get3A_529 = vector.shape_cast %get3A_528 : vector<16xi32> to vector<16xi32>
    %add3A_530 = vector.broadcast %add3A_436 : i32 to vector<16xi32>
    %add3A_531 = arith.addi %get3A_529, %add3A_530 : vector<16xi32>
    %swap3A_532 = arith.constant 416 : index
    %swap3A_533 = tpu.vector_load %arg7[%swap3A_532] {strides = array<i32>} : memref<2048xi32, #tpu.memory_space<vmem>>, vector<16xi32>,
    %swap3A_534 = vector.shape_cast %swap3A_533 : vector<16xi32> to vector<16xi32>
    %swap3A_535 = vector.shape_cast %add3A_531 : vector<16xi32> to vector<16xi32>
    tpu.vector_store %arg7[%swap3A_532], %swap3A_535 {strides = array<i32>} : memref<2048xi32, #tpu.memory_space<vmem>>, vector<16xi32>,
    %get3A_536 = arith.constant 176 : index
    %get3A_537 = tpu.vector_load %arg6[%get3A_536] {strides = array<i32>} : memref<256xi32, #tpu.memory_space<vmem>>, vector<16xi32>,
    %get3A_538 = vector.shape_cast %get3A_537 : vector<16xi32> to vector<16xi32>
    %add3A_539 = vector.broadcast %add3A_436 : i32 to vector<16xi32>
    %add3A_540 = arith.addi %get3A_538, %add3A_539 : vector<16xi32>
    %swap3A_541 = arith.constant 432 : index
    %swap3A_542 = tpu.vector_load %arg7[%swap3A_541] {strides = array<i32>} : memref<2048xi32, #tpu.memory_space<vmem>>, vector<16xi32>,
    %swap3A_543 = vector.shape_cast %swap3A_542 : vector<16xi32> to vector<16xi32>
    %swap3A_544 = vector.shape_cast %add3A_540 : vector<16xi32> to vector<16xi32>
    tpu.vector_store %arg7[%swap3A_541], %swap3A_544 {strides = array<i32>} : memref<2048xi32, #tpu.memory_space<vmem>>, vector<16xi32>,
    %get3A_545 = arith.constant 192 : index
    %get3A_546 = tpu.vector_load %arg6[%get3A_545] {strides = array<i32>} : memref<256xi32, #tpu.memory_space<vmem>>, vector<16xi32>,
    %get3A_547 = vector.shape_cast %get3A_546 : vector<16xi32> to vector<16xi32>
    %add3A_548 = vector.broadcast %add3A_436 : i32 to vector<16xi32>
    %add3A_549 = arith.addi %get3A_547, %add3A_548 : vector<16xi32>
    %swap3A_550 = arith.constant 448 : index
    %swap3A_551 = tpu.vector_load %arg7[%swap3A_550] {strides = array<i32>} : memref<2048xi32, #tpu.memory_space<vmem>>, vector<16xi32>,
    %swap3A_552 = vector.shape_cast %swap3A_551 : vector<16xi32> to vector<16xi32>
    %swap3A_553 = vector.shape_cast %add3A_549 : vector<16xi32> to vector<16xi32>
    tpu.vector_store %arg7[%swap3A_550], %swap3A_553 {strides = array<i32>} : memref<2048xi32, #tpu.memory_space<vmem>>, vector<16xi32>,
    %get3A_554 = arith.constant 208 : index
    %get3A_555 = tpu.vector_load %arg6[%get3A_554] {strides = array<i32>} : memref<256xi32, #tpu.memory_space<vmem>>, vector<16xi32>,
    %get3A_556 = vector.shape_cast %get3A_555 : vector<16xi32> to vector<16xi32>
    %add3A_557 = vector.broadcast %add3A_436 : i32 to vector<16xi32>
    %add3A_558 = arith.addi %get3A_556, %add3A_557 : vector<16xi32>
    %swap3A_559 = arith.constant 464 : index
    %swap3A_560 = tpu.vector_load %arg7[%swap3A_559] {strides = array<i32>} : memref<2048xi32, #tpu.memory_space<vmem>>, vector<16xi32>,
    %swap3A_561 = vector.shape_cast %swap3A_560 : vector<16xi32> to vector<16xi32>
    %swap3A_562 = vector.shape_cast %add3A_558 : vector<16xi32> to vector<16xi32>
    tpu.vector_store %arg7[%swap3A_559], %swap3A_562 {strides = array<i32>} : memref<2048xi32, #tpu.memory_space<vmem>>, vector<16xi32>,
    %get3A_563 = arith.constant 224 : index
    %get3A_564 = tpu.vector_load %arg6[%get3A_563] {strides = array<i32>} : memref<256xi32, #tpu.memory_space<vmem>>, vector<16xi32>,
    %get3A_565 = vector.shape_cast %get3A_564 : vector<16xi32> to vector<16xi32>
    %add3A_566 = vector.broadcast %add3A_436 : i32 to vector<16xi32>
    %add3A_567 = arith.addi %get3A_565, %add3A_566 : vector<16xi32>
    %swap3A_568 = arith.constant 480 : index
    %swap3A_569 = tpu.vector_load %arg7[%swap3A_568] {strides = array<i32>} : memref<2048xi32, #tpu.memory_space<vmem>>, vector<16xi32>,
    %swap3A_570 = vector.shape_cast %swap3A_569 : vector<16xi32> to vector<16xi32>
    %swap3A_571 = vector.shape_cast %add3A_567 : vector<16xi32> to vector<16xi32>
    tpu.vector_store %arg7[%swap3A_568], %swap3A_571 {strides = array<i32>} : memref<2048xi32, #tpu.memory_space<vmem>>, vector<16xi32>,
    %get3A_572 = arith.constant 240 : index
    %get3A_573 = tpu.vector_load %arg6[%get3A_572] {strides = array<i32>} : memref<256xi32, #tpu.memory_space<vmem>>, vector<16xi32>,
    %get3A_574 = vector.shape_cast %get3A_573 : vector<16xi32> to vector<16xi32>
    %add3A_575 = vector.broadcast %add3A_436 : i32 to vector<16xi32>
    %add3A_576 = arith.addi %get3A_574, %add3A_575 : vector<16xi32>
    %swap3A_577 = arith.constant 496 : index
    %swap3A_578 = tpu.vector_load %arg7[%swap3A_577] {strides = array<i32>} : memref<2048xi32, #tpu.memory_space<vmem>>, vector<16xi32>,
    %swap3A_579 = vector.shape_cast %swap3A_578 : vector<16xi32> to vector<16xi32>
    %swap3A_580 = vector.shape_cast %add3A_576 : vector<16xi32> to vector<16xi32>
    tpu.vector_store %arg7[%swap3A_577], %swap3A_580 {strides = array<i32>} : memref<2048xi32, #tpu.memory_space<vmem>>, vector<16xi32>,
    %mul3A_581 = arith.constant 8 : i32
    %mul3A_582 = arith.muli %add3A, %mul3A_581 : i32
    %add3A_583 = arith.constant 2 : i32
    %add3A_584 = arith.addi %mul3A_582, %add3A_583 : i32
    %div3A_585 = arith.constant 8 : i32
    %div3A_586 = arith.divsi %add3A_584, %div3A_585 : i32
    %mul3A_587 = arith.constant 1050624 : i32
    %mul3A_588 = arith.muli %div3A_586, %mul3A_587 : i32
    %rem3A_589 = arith.constant 8 : i32
    %rem3A_590 = arith.remsi %add3A_584, %rem3A_589 : i32
    %mul3A_591 = arith.constant 128 : i32
    %mul3A_592 = arith.muli %rem3A_590, %mul3A_591 : i32
    %add3A_593 = arith.addi %mul3A_588, %mul3A_592 : i32
    %get3A_594 = arith.constant 0 : index
    %get3A_595 = tpu.vector_load %arg6[%get3A_594] {strides = array<i32>} : memref<256xi32, #tpu.memory_space<vmem>>, vector<16xi32>,
    %get3A_596 = vector.shape_cast %get3A_595 : vector<16xi32> to vector<16xi32>
    %add3A_597 = vector.broadcast %add3A_593 : i32 to vector<16xi32>
    %add3A_598 = arith.addi %get3A_596, %add3A_597 : vector<16xi32>
    %swap3A_599 = arith.constant 512 : index
    %swap3A_600 = tpu.vector_load %arg7[%swap3A_599] {strides = array<i32>} : memref<2048xi32, #tpu.memory_space<vmem>>, vector<16xi32>,
    %swap3A_601 = vector.shape_cast %swap3A_600 : vector<16xi32> to vector<16xi32>
    %swap3A_602 = vector.shape_cast %add3A_598 : vector<16xi32> to vector<16xi32>
    tpu.vector_store %arg7[%swap3A_599], %swap3A_602 {strides = array<i32>} : memref<2048xi32, #tpu.memory_space<vmem>>, vector<16xi32>,
    %get3A_603 = arith.constant 16 : index
    %get3A_604 = tpu.vector_load %arg6[%get3A_603] {strides = array<i32>} : memref<256xi32, #tpu.memory_space<vmem>>, vector<16xi32>,
    %get3A_605 = vector.shape_cast %get3A_604 : vector<16xi32> to vector<16xi32>
    %add3A_606 = vector.broadcast %add3A_593 : i32 to vector<16xi32>
    %add3A_607 = arith.addi %get3A_605, %add3A_606 : vector<16xi32>
    %swap3A_608 = arith.constant 528 : index
    %swap3A_609 = tpu.vector_load %arg7[%swap3A_608] {strides = array<i32>} : memref<2048xi32, #tpu.memory_space<vmem>>, vector<16xi32>,
    %swap3A_610 = vector.shape_cast %swap3A_609 : vector<16xi32> to vector<16xi32>
    %swap3A_611 = vector.shape_cast %add3A_607 : vector<16xi32> to vector<16xi32>
    tpu.vector_store %arg7[%swap3A_608], %swap3A_611 {strides = array<i32>} : memref<2048xi32, #tpu.memory_space<vmem>>, vector<16xi32>,
    %get3A_612 = arith.constant 32 : index
    %get3A_613 = tpu.vector_load %arg6[%get3A_612] {strides = array<i32>} : memref<256xi32, #tpu.memory_space<vmem>>, vector<16xi32>,
    %get3A_614 = vector.shape_cast %get3A_613 : vector<16xi32> to vector<16xi32>
    %add3A_615 = vector.broadcast %add3A_593 : i32 to vector<16xi32>
    %add3A_616 = arith.addi %get3A_614, %add3A_615 : vector<16xi32>
    %swap3A_617 = arith.constant 544 : index
    %swap3A_618 = tpu.vector_load %arg7[%swap3A_617] {strides = array<i32>} : memref<2048xi32, #tpu.memory_space<vmem>>, vector<16xi32>,
    %swap3A_619 = vector.shape_cast %swap3A_618 : vector<16xi32> to vector<16xi32>
    %swap3A_620 = vector.shape_cast %add3A_616 : vector<16xi32> to vector<16xi32>
    tpu.vector_store %arg7[%swap3A_617], %swap3A_620 {strides = array<i32>} : memref<2048xi32, #tpu.memory_space<vmem>>, vector<16xi32>,
    %get3A_621 = arith.constant 48 : index
    %get3A_622 = tpu.vector_load %arg6[%get3A_621] {strides = array<i32>} : memref<256xi32, #tpu.memory_space<vmem>>, vector<16xi32>,
    %get3A_623 = vector.shape_cast %get3A_622 : vector<16xi32> to vector<16xi32>
    %add3A_624 = vector.broadcast %add3A_593 : i32 to vector<16xi32>
    %add3A_625 = arith.addi %get3A_623, %add3A_624 : vector<16xi32>
    %swap3A_626 = arith.constant 560 : index
    %swap3A_627 = tpu.vector_load %arg7[%swap3A_626] {strides = array<i32>} : memref<2048xi32, #tpu.memory_space<vmem>>, vector<16xi32>,
    %swap3A_628 = vector.shape_cast %swap3A_627 : vector<16xi32> to vector<16xi32>
    %swap3A_629 = vector.shape_cast %add3A_625 : vector<16xi32> to vector<16xi32>
    tpu.vector_store %arg7[%swap3A_626], %swap3A_629 {strides = array<i32>} : memref<2048xi32, #tpu.memory_space<vmem>>, vector<16xi32>,
    %get3A_630 = arith.constant 64 : index
    %get3A_631 = tpu.vector_load %arg6[%get3A_630] {strides = array<i32>} : memref<256xi32, #tpu.memory_space<vmem>>, vector<16xi32>,
    %get3A_632 = vector.shape_cast %get3A_631 : vector<16xi32> to vector<16xi32>
    %add3A_633 = vector.broadcast %add3A_593 : i32 to vector<16xi32>
    %add3A_634 = arith.addi %get3A_632, %add3A_633 : vector<16xi32>
    %swap3A_635 = arith.constant 576 : index
    %swap3A_636 = tpu.vector_load %arg7[%swap3A_635] {strides = array<i32>} : memref<2048xi32, #tpu.memory_space<vmem>>, vector<16xi32>,
    %swap3A_637 = vector.shape_cast %swap3A_636 : vector<16xi32> to vector<16xi32>
    %swap3A_638 = vector.shape_cast %add3A_634 : vector<16xi32> to vector<16xi32>
    tpu.vector_store %arg7[%swap3A_635], %swap3A_638 {strides = array<i32>} : memref<2048xi32, #tpu.memory_space<vmem>>, vector<16xi32>,
    %get3A_639 = arith.constant 80 : index
    %get3A_640 = tpu.vector_load %arg6[%get3A_639] {strides = array<i32>} : memref<256xi32, #tpu.memory_space<vmem>>, vector<16xi32>,
    %get3A_641 = vector.shape_cast %get3A_640 : vector<16xi32> to vector<16xi32>
    %add3A_642 = vector.broadcast %add3A_593 : i32 to vector<16xi32>
    %add3A_643 = arith.addi %get3A_641, %add3A_642 : vector<16xi32>
    %swap3A_644 = arith.constant 592 : index
    %swap3A_645 = tpu.vector_load %arg7[%swap3A_644] {strides = array<i32>} : memref<2048xi32, #tpu.memory_space<vmem>>, vector<16xi32>,
    %swap3A_646 = vector.shape_cast %swap3A_645 : vector<16xi32> to vector<16xi32>
    %swap3A_647 = vector.shape_cast %add3A_643 : vector<16xi32> to vector<16xi32>
    tpu.vector_store %arg7[%swap3A_644], %swap3A_647 {strides = array<i32>} : memref<2048xi32, #tpu.memory_space<vmem>>, vector<16xi32>,
    %get3A_648 = arith.constant 96 : index
    %get3A_649 = tpu.vector_load %arg6[%get3A_648] {strides = array<i32>} : memref<256xi32, #tpu.memory_space<vmem>>, vector<16xi32>,
    %get3A_650 = vector.shape_cast %get3A_649 : vector<16xi32> to vector<16xi32>
    %add3A_651 = vector.broadcast %add3A_593 : i32 to vector<16xi32>
    %add3A_652 = arith.addi %get3A_650, %add3A_651 : vector<16xi32>
    %swap3A_653 = arith.constant 608 : index
    %swap3A_654 = tpu.vector_load %arg7[%swap3A_653] {strides = array<i32>} : memref<2048xi32, #tpu.memory_space<vmem>>, vector<16xi32>,
    %swap3A_655 = vector.shape_cast %swap3A_654 : vector<16xi32> to vector<16xi32>
    %swap3A_656 = vector.shape_cast %add3A_652 : vector<16xi32> to vector<16xi32>
    tpu.vector_store %arg7[%swap3A_653], %swap3A_656 {strides = array<i32>} : memref<2048xi32, #tpu.memory_space<vmem>>, vector<16xi32>,
    %get3A_657 = arith.constant 112 : index
    %get3A_658 = tpu.vector_load %arg6[%get3A_657] {strides = array<i32>} : memref<256xi32, #tpu.memory_space<vmem>>, vector<16xi32>,
    %get3A_659 = vector.shape_cast %get3A_658 : vector<16xi32> to vector<16xi32>
    %add3A_660 = vector.broadcast %add3A_593 : i32 to vector<16xi32>
    %add3A_661 = arith.addi %get3A_659, %add3A_660 : vector<16xi32>
    %swap3A_662 = arith.constant 624 : index
    %swap3A_663 = tpu.vector_load %arg7[%swap3A_662] {strides = array<i32>} : memref<2048xi32, #tpu.memory_space<vmem>>, vector<16xi32>,
    %swap3A_664 = vector.shape_cast %swap3A_663 : vector<16xi32> to vector<16xi32>
    %swap3A_665 = vector.shape_cast %add3A_661 : vector<16xi32> to vector<16xi32>
    tpu.vector_store %arg7[%swap3A_662], %swap3A_665 {strides = array<i32>} : memref<2048xi32, #tpu.memory_space<vmem>>, vector<16xi32>,
    %get3A_666 = arith.constant 128 : index
    %get3A_667 = tpu.vector_load %arg6[%get3A_666] {strides = array<i32>} : memref<256xi32, #tpu.memory_space<vmem>>, vector<16xi32>,
    %get3A_668 = vector.shape_cast %get3A_667 : vector<16xi32> to vector<16xi32>
    %add3A_669 = vector.broadcast %add3A_593 : i32 to vector<16xi32>
    %add3A_670 = arith.addi %get3A_668, %add3A_669 : vector<16xi32>
    %swap3A_671 = arith.constant 640 : index
    %swap3A_672 = tpu.vector_load %arg7[%swap3A_671] {strides = array<i32>} : memref<2048xi32, #tpu.memory_space<vmem>>, vector<16xi32>,
    %swap3A_673 = vector.shape_cast %swap3A_672 : vector<16xi32> to vector<16xi32>
    %swap3A_674 = vector.shape_cast %add3A_670 : vector<16xi32> to vector<16xi32>
    tpu.vector_store %arg7[%swap3A_671], %swap3A_674 {strides = array<i32>} : memref<2048xi32, #tpu.memory_space<vmem>>, vector<16xi32>,
    %get3A_675 = arith.constant 144 : index
    %get3A_676 = tpu.vector_load %arg6[%get3A_675] {strides = array<i32>} : memref<256xi32, #tpu.memory_space<vmem>>, vector<16xi32>,
    %get3A_677 = vector.shape_cast %get3A_676 : vector<16xi32> to vector<16xi32>
    %add3A_678 = vector.broadcast %add3A_593 : i32 to vector<16xi32>
    %add3A_679 = arith.addi %get3A_677, %add3A_678 : vector<16xi32>
    %swap3A_680 = arith.constant 656 : index
    %swap3A_681 = tpu.vector_load %arg7[%swap3A_680] {strides = array<i32>} : memref<2048xi32, #tpu.memory_space<vmem>>, vector<16xi32>,
    %swap3A_682 = vector.shape_cast %swap3A_681 : vector<16xi32> to vector<16xi32>
    %swap3A_683 = vector.shape_cast %add3A_679 : vector<16xi32> to vector<16xi32>
    tpu.vector_store %arg7[%swap3A_680], %swap3A_683 {strides = array<i32>} : memref<2048xi32, #tpu.memory_space<vmem>>, vector<16xi32>,
    %get3A_684 = arith.constant 160 : index
    %get3A_685 = tpu.vector_load %arg6[%get3A_684] {strides = array<i32>} : memref<256xi32, #tpu.memory_space<vmem>>, vector<16xi32>,
    %get3A_686 = vector.shape_cast %get3A_685 : vector<16xi32> to vector<16xi32>
    %add3A_687 = vector.broadcast %add3A_593 : i32 to vector<16xi32>
    %add3A_688 = arith.addi %get3A_686, %add3A_687 : vector<16xi32>
    %swap3A_689 = arith.constant 672 : index
    %swap3A_690 = tpu.vector_load %arg7[%swap3A_689] {strides = array<i32>} : memref<2048xi32, #tpu.memory_space<vmem>>, vector<16xi32>,
    %swap3A_691 = vector.shape_cast %swap3A_690 : vector<16xi32> to vector<16xi32>
    %swap3A_692 = vector.shape_cast %add3A_688 : vector<16xi32> to vector<16xi32>
    tpu.vector_store %arg7[%swap3A_689], %swap3A_692 {strides = array<i32>} : memref<2048xi32, #tpu.memory_space<vmem>>, vector<16xi32>,
    %get3A_693 = arith.constant 176 : index
    %get3A_694 = tpu.vector_load %arg6[%get3A_693] {strides = array<i32>} : memref<256xi32, #tpu.memory_space<vmem>>, vector<16xi32>,
    %get3A_695 = vector.shape_cast %get3A_694 : vector<16xi32> to vector<16xi32>
    %add3A_696 = vector.broadcast %add3A_593 : i32 to vector<16xi32>
    %add3A_697 = arith.addi %get3A_695, %add3A_696 : vector<16xi32>
    %swap3A_698 = arith.constant 688 : index
    %swap3A_699 = tpu.vector_load %arg7[%swap3A_698] {strides = array<i32>} : memref<2048xi32, #tpu.memory_space<vmem>>, vector<16xi32>,
    %swap3A_700 = vector.shape_cast %swap3A_699 : vector<16xi32> to vector<16xi32>
    %swap3A_701 = vector.shape_cast %add3A_697 : vector<16xi32> to vector<16xi32>
    tpu.vector_store %arg7[%swap3A_698], %swap3A_701 {strides = array<i32>} : memref<2048xi32, #tpu.memory_space<vmem>>, vector<16xi32>,
    %get3A_702 = arith.constant 192 : index
    %get3A_703 = tpu.vector_load %arg6[%get3A_702] {strides = array<i32>} : memref<256xi32, #tpu.memory_space<vmem>>, vector<16xi32>,
    %get3A_704 = vector.shape_cast %get3A_703 : vector<16xi32> to vector<16xi32>
    %add3A_705 = vector.broadcast %add3A_593 : i32 to vector<16xi32>
    %add3A_706 = arith.addi %get3A_704, %add3A_705 : vector<16xi32>
    %swap3A_707 = arith.constant 704 : index
    %swap3A_708 = tpu.vector_load %arg7[%swap3A_707] {strides = array<i32>} : memref<2048xi32, #tpu.memory_space<vmem>>, vector<16xi32>,
    %swap3A_709 = vector.shape_cast %swap3A_708 : vector<16xi32> to vector<16xi32>
    %swap3A_710 = vector.shape_cast %add3A_706 : vector<16xi32> to vector<16xi32>
    tpu.vector_store %arg7[%swap3A_707], %swap3A_710 {strides = array<i32>} : memref<2048xi32, #tpu.memory_space<vmem>>, vector<16xi32>,
    %get3A_711 = arith.constant 208 : index
    %get3A_712 = tpu.vector_load %arg6[%get3A_711] {strides = array<i32>} : memref<256xi32, #tpu.memory_space<vmem>>, vector<16xi32>,
    %get3A_713 = vector.shape_cast %get3A_712 : vector<16xi32> to vector<16xi32>
    %add3A_714 = vector.broadcast %add3A_593 : i32 to vector<16xi32>
    %add3A_715 = arith.addi %get3A_713, %add3A_714 : vector<16xi32>
    %swap3A_716 = arith.constant 720 : index
    %swap3A_717 = tpu.vector_load %arg7[%swap3A_716] {strides = array<i32>} : memref<2048xi32, #tpu.memory_space<vmem>>, vector<16xi32>,
    %swap3A_718 = vector.shape_cast %swap3A_717 : vector<16xi32> to vector<16xi32>
    %swap3A_719 = vector.shape_cast %add3A_715 : vector<16xi32> to vector<16xi32>
    tpu.vector_store %arg7[%swap3A_716], %swap3A_719 {strides = array<i32>} : memref<2048xi32, #tpu.memory_space<vmem>>, vector<16xi32>,
    %get3A_720 = arith.constant 224 : index
    %get3A_721 = tpu.vector_load %arg6[%get3A_720] {strides = array<i32>} : memref<256xi32, #tpu.memory_space<vmem>>, vector<16xi32>,
    %get3A_722 = vector.shape_cast %get3A_721 : vector<16xi32> to vector<16xi32>
    %add3A_723 = vector.broadcast %add3A_593 : i32 to vector<16xi32>
    %add3A_724 = arith.addi %get3A_722, %add3A_723 : vector<16xi32>
    %swap3A_725 = arith.constant 736 : index
    %swap3A_726 = tpu.vector_load %arg7[%swap3A_725] {strides = array<i32>} : memref<2048xi32, #tpu.memory_space<vmem>>, vector<16xi32>,
    %swap3A_727 = vector.shape_cast %swap3A_726 : vector<16xi32> to vector<16xi32>
    %swap3A_728 = vector.shape_cast %add3A_724 : vector<16xi32> to vector<16xi32>
    tpu.vector_store %arg7[%swap3A_725], %swap3A_728 {strides = array<i32>} : memref<2048xi32, #tpu.memory_space<vmem>>, vector<16xi32>,
    %get3A_729 = arith.constant 240 : index
    %get3A_730 = tpu.vector_load %arg6[%get3A_729] {strides = array<i32>} : memref<256xi32, #tpu.memory_space<vmem>>, vector<16xi32>,
    %get3A_731 = vector.shape_cast %get3A_730 : vector<16xi32> to vector<16xi32>
    %add3A_732 = vector.broadcast %add3A_593 : i32 to vector<16xi32>
    %add3A_733 = arith.addi %get3A_731, %add3A_732 : vector<16xi32>
    %swap3A_734 = arith.constant 752 : index
    %swap3A_735 = tpu.vector_load %arg7[%swap3A_734] {strides = array<i32>} : memref<2048xi32, #tpu.memory_space<vmem>>, vector<16xi32>,
    %swap3A_736 = vector.shape_cast %swap3A_735 : vector<16xi32> to vector<16xi32>
    %swap3A_737 = vector.shape_cast %add3A_733 : vector<16xi32> to vector<16xi32>
    tpu.vector_store %arg7[%swap3A_734], %swap3A_737 {strides = array<i32>} : memref<2048xi32, #tpu.memory_space<vmem>>, vector<16xi32>,
    %mul3A_738 = arith.constant 8 : i32
    %mul3A_739 = arith.muli %add3A, %mul3A_738 : i32
    %add3A_740 = arith.constant 3 : i32
    %add3A_741 = arith.addi %mul3A_739, %add3A_740 : i32
    %div3A_742 = arith.constant 8 : i32
    %div3A_743 = arith.divsi %add3A_741, %div3A_742 : i32
    %mul3A_744 = arith.constant 1050624 : i32
    %mul3A_745 = arith.muli %div3A_743, %mul3A_744 : i32
    %rem3A_746 = arith.constant 8 : i32
    %rem3A_747 = arith.remsi %add3A_741, %rem3A_746 : i32
    %mul3A_748 = arith.constant 128 : i32
    %mul3A_749 = arith.muli %rem3A_747, %mul3A_748 : i32
    %add3A_750 = arith.addi %mul3A_745, %mul3A_749 : i32
    %get3A_751 = arith.constant 0 : index
    %get3A_752 = tpu.vector_load %arg6[%get3A_751] {strides = array<i32>} : memref<256xi32, #tpu.memory_space<vmem>>, vector<16xi32>,
    %get3A_753 = vector.shape_cast %get3A_752 : vector<16xi32> to vector<16xi32>
    %add3A_754 = vector.broadcast %add3A_750 : i32 to vector<16xi32>
    %add3A_755 = arith.addi %get3A_753, %add3A_754 : vector<16xi32>
    %swap3A_756 = arith.constant 768 : index
    %swap3A_757 = tpu.vector_load %arg7[%swap3A_756] {strides = array<i32>} : memref<2048xi32, #tpu.memory_space<vmem>>, vector<16xi32>,
    %swap3A_758 = vector.shape_cast %swap3A_757 : vector<16xi32> to vector<16xi32>
    %swap3A_759 = vector.shape_cast %add3A_755 : vector<16xi32> to vector<16xi32>
    tpu.vector_store %arg7[%swap3A_756], %swap3A_759 {strides = array<i32>} : memref<2048xi32, #tpu.memory_space<vmem>>, vector<16xi32>,
    %get3A_760 = arith.constant 16 : index
    %get3A_761 = tpu.vector_load %arg6[%get3A_760] {strides = array<i32>} : memref<256xi32, #tpu.memory_space<vmem>>, vector<16xi32>,
    %get3A_762 = vector.shape_cast %get3A_761 : vector<16xi32> to vector<16xi32>
    %add3A_763 = vector.broadcast %add3A_750 : i32 to vector<16xi32>
    %add3A_764 = arith.addi %get3A_762, %add3A_763 : vector<16xi32>
    %swap3A_765 = arith.constant 784 : index
    %swap3A_766 = tpu.vector_load %arg7[%swap3A_765] {strides = array<i32>} : memref<2048xi32, #tpu.memory_space<vmem>>, vector<16xi32>,
    %swap3A_767 = vector.shape_cast %swap3A_766 : vector<16xi32> to vector<16xi32>
    %swap3A_768 = vector.shape_cast %add3A_764 : vector<16xi32> to vector<16xi32>
    tpu.vector_store %arg7[%swap3A_765], %swap3A_768 {strides = array<i32>} : memref<2048xi32, #tpu.memory_space<vmem>>, vector<16xi32>,
    %get3A_769 = arith.constant 32 : index
    %get3A_770 = tpu.vector_load %arg6[%get3A_769] {strides = array<i32>} : memref<256xi32, #tpu.memory_space<vmem>>, vector<16xi32>,
    %get3A_771 = vector.shape_cast %get3A_770 : vector<16xi32> to vector<16xi32>
    %add3A_772 = vector.broadcast %add3A_750 : i32 to vector<16xi32>
    %add3A_773 = arith.addi %get3A_771, %add3A_772 : vector<16xi32>
    %swap3A_774 = arith.constant 800 : index
    %swap3A_775 = tpu.vector_load %arg7[%swap3A_774] {strides = array<i32>} : memref<2048xi32, #tpu.memory_space<vmem>>, vector<16xi32>,
    %swap3A_776 = vector.shape_cast %swap3A_775 : vector<16xi32> to vector<16xi32>
    %swap3A_777 = vector.shape_cast %add3A_773 : vector<16xi32> to vector<16xi32>
    tpu.vector_store %arg7[%swap3A_774], %swap3A_777 {strides = array<i32>} : memref<2048xi32, #tpu.memory_space<vmem>>, vector<16xi32>,
    %get3A_778 = arith.constant 48 : index
    %get3A_779 = tpu.vector_load %arg6[%get3A_778] {strides = array<i32>} : memref<256xi32, #tpu.memory_space<vmem>>, vector<16xi32>,
    %get3A_780 = vector.shape_cast %get3A_779 : vector<16xi32> to vector<16xi32>
    %add3A_781 = vector.broadcast %add3A_750 : i32 to vector<16xi32>
    %add3A_782 = arith.addi %get3A_780, %add3A_781 : vector<16xi32>
    %swap3A_783 = arith.constant 816 : index
    %swap3A_784 = tpu.vector_load %arg7[%swap3A_783] {strides = array<i32>} : memref<2048xi32, #tpu.memory_space<vmem>>, vector<16xi32>,
    %swap3A_785 = vector.shape_cast %swap3A_784 : vector<16xi32> to vector<16xi32>
    %swap3A_786 = vector.shape_cast %add3A_782 : vector<16xi32> to vector<16xi32>
    tpu.vector_store %arg7[%swap3A_783], %swap3A_786 {strides = array<i32>} : memref<2048xi32, #tpu.memory_space<vmem>>, vector<16xi32>,
    %get3A_787 = arith.constant 64 : index
    %get3A_788 = tpu.vector_load %arg6[%get3A_787] {strides = array<i32>} : memref<256xi32, #tpu.memory_space<vmem>>, vector<16xi32>,
    %get3A_789 = vector.shape_cast %get3A_788 : vector<16xi32> to vector<16xi32>
    %add3A_790 = vector.broadcast %add3A_750 : i32 to vector<16xi32>
    %add3A_791 = arith.addi %get3A_789, %add3A_790 : vector<16xi32>
    %swap3A_792 = arith.constant 832 : index
    %swap3A_793 = tpu.vector_load %arg7[%swap3A_792] {strides = array<i32>} : memref<2048xi32, #tpu.memory_space<vmem>>, vector<16xi32>,
    %swap3A_794 = vector.shape_cast %swap3A_793 : vector<16xi32> to vector<16xi32>
    %swap3A_795 = vector.shape_cast %add3A_791 : vector<16xi32> to vector<16xi32>
    tpu.vector_store %arg7[%swap3A_792], %swap3A_795 {strides = array<i32>} : memref<2048xi32, #tpu.memory_space<vmem>>, vector<16xi32>,
    %get3A_796 = arith.constant 80 : index
    %get3A_797 = tpu.vector_load %arg6[%get3A_796] {strides = array<i32>} : memref<256xi32, #tpu.memory_space<vmem>>, vector<16xi32>,
    %get3A_798 = vector.shape_cast %get3A_797 : vector<16xi32> to vector<16xi32>
    %add3A_799 = vector.broadcast %add3A_750 : i32 to vector<16xi32>
    %add3A_800 = arith.addi %get3A_798, %add3A_799 : vector<16xi32>
    %swap3A_801 = arith.constant 848 : index
    %swap3A_802 = tpu.vector_load %arg7[%swap3A_801] {strides = array<i32>} : memref<2048xi32, #tpu.memory_space<vmem>>, vector<16xi32>,
    %swap3A_803 = vector.shape_cast %swap3A_802 : vector<16xi32> to vector<16xi32>
    %swap3A_804 = vector.shape_cast %add3A_800 : vector<16xi32> to vector<16xi32>
    tpu.vector_store %arg7[%swap3A_801], %swap3A_804 {strides = array<i32>} : memref<2048xi32, #tpu.memory_space<vmem>>, vector<16xi32>,
    %get3A_805 = arith.constant 96 : index
    %get3A_806 = tpu.vector_load %arg6[%get3A_805] {strides = array<i32>} : memref<256xi32, #tpu.memory_space<vmem>>, vector<16xi32>,
    %get3A_807 = vector.shape_cast %get3A_806 : vector<16xi32> to vector<16xi32>
    %add3A_808 = vector.broadcast %add3A_750 : i32 to vector<16xi32>
    %add3A_809 = arith.addi %get3A_807, %add3A_808 : vector<16xi32>
    %swap3A_810 = arith.constant 864 : index
    %swap3A_811 = tpu.vector_load %arg7[%swap3A_810] {strides = array<i32>} : memref<2048xi32, #tpu.memory_space<vmem>>, vector<16xi32>,
    %swap3A_812 = vector.shape_cast %swap3A_811 : vector<16xi32> to vector<16xi32>
    %swap3A_813 = vector.shape_cast %add3A_809 : vector<16xi32> to vector<16xi32>
    tpu.vector_store %arg7[%swap3A_810], %swap3A_813 {strides = array<i32>} : memref<2048xi32, #tpu.memory_space<vmem>>, vector<16xi32>,
    %get3A_814 = arith.constant 112 : index
    %get3A_815 = tpu.vector_load %arg6[%get3A_814] {strides = array<i32>} : memref<256xi32, #tpu.memory_space<vmem>>, vector<16xi32>,
    %get3A_816 = vector.shape_cast %get3A_815 : vector<16xi32> to vector<16xi32>
    %add3A_817 = vector.broadcast %add3A_750 : i32 to vector<16xi32>
    %add3A_818 = arith.addi %get3A_816, %add3A_817 : vector<16xi32>
    %swap3A_819 = arith.constant 880 : index
    %swap3A_820 = tpu.vector_load %arg7[%swap3A_819] {strides = array<i32>} : memref<2048xi32, #tpu.memory_space<vmem>>, vector<16xi32>,
    %swap3A_821 = vector.shape_cast %swap3A_820 : vector<16xi32> to vector<16xi32>
    %swap3A_822 = vector.shape_cast %add3A_818 : vector<16xi32> to vector<16xi32>
    tpu.vector_store %arg7[%swap3A_819], %swap3A_822 {strides = array<i32>} : memref<2048xi32, #tpu.memory_space<vmem>>, vector<16xi32>,
    %get3A_823 = arith.constant 128 : index
    %get3A_824 = tpu.vector_load %arg6[%get3A_823] {strides = array<i32>} : memref<256xi32, #tpu.memory_space<vmem>>, vector<16xi32>,
    %get3A_825 = vector.shape_cast %get3A_824 : vector<16xi32> to vector<16xi32>
    %add3A_826 = vector.broadcast %add3A_750 : i32 to vector<16xi32>
    %add3A_827 = arith.addi %get3A_825, %add3A_826 : vector<16xi32>
    %swap3A_828 = arith.constant 896 : index
    %swap3A_829 = tpu.vector_load %arg7[%swap3A_828] {strides = array<i32>} : memref<2048xi32, #tpu.memory_space<vmem>>, vector<16xi32>,
    %swap3A_830 = vector.shape_cast %swap3A_829 : vector<16xi32> to vector<16xi32>
    %swap3A_831 = vector.shape_cast %add3A_827 : vector<16xi32> to vector<16xi32>
    tpu.vector_store %arg7[%swap3A_828], %swap3A_831 {strides = array<i32>} : memref<2048xi32, #tpu.memory_space<vmem>>, vector<16xi32>,
    %get3A_832 = arith.constant 144 : index
    %get3A_833 = tpu.vector_load %arg6[%get3A_832] {strides = array<i32>} : memref<256xi32, #tpu.memory_space<vmem>>, vector<16xi32>,
    %get3A_834 = vector.shape_cast %get3A_833 : vector<16xi32> to vector<16xi32>
    %add3A_835 = vector.broadcast %add3A_750 : i32 to vector<16xi32>
    %add3A_836 = arith.addi %get3A_834, %add3A_835 : vector<16xi32>
    %swap3A_837 = arith.constant 912 : index
    %swap3A_838 = tpu.vector_load %arg7[%swap3A_837] {strides = array<i32>} : memref<2048xi32, #tpu.memory_space<vmem>>, vector<16xi32>,
    %swap3A_839 = vector.shape_cast %swap3A_838 : vector<16xi32> to vector<16xi32>
    %swap3A_840 = vector.shape_cast %add3A_836 : vector<16xi32> to vector<16xi32>
    tpu.vector_store %arg7[%swap3A_837], %swap3A_840 {strides = array<i32>} : memref<2048xi32, #tpu.memory_space<vmem>>, vector<16xi32>,
    %get3A_841 = arith.constant 160 : index
    %get3A_842 = tpu.vector_load %arg6[%get3A_841] {strides = array<i32>} : memref<256xi32, #tpu.memory_space<vmem>>, vector<16xi32>,
    %get3A_843 = vector.shape_cast %get3A_842 : vector<16xi32> to vector<16xi32>
    %add3A_844 = vector.broadcast %add3A_750 : i32 to vector<16xi32>
    %add3A_845 = arith.addi %get3A_843, %add3A_844 : vector<16xi32>
    %swap3A_846 = arith.constant 928 : index
    %swap3A_847 = tpu.vector_load %arg7[%swap3A_846] {strides = array<i32>} : memref<2048xi32, #tpu.memory_space<vmem>>, vector<16xi32>,
    %swap3A_848 = vector.shape_cast %swap3A_847 : vector<16xi32> to vector<16xi32>
    %swap3A_849 = vector.shape_cast %add3A_845 : vector<16xi32> to vector<16xi32>
    tpu.vector_store %arg7[%swap3A_846], %swap3A_849 {strides = array<i32>} : memref<2048xi32, #tpu.memory_space<vmem>>, vector<16xi32>,
    %get3A_850 = arith.constant 176 : index
    %get3A_851 = tpu.vector_load %arg6[%get3A_850] {strides = array<i32>} : memref<256xi32, #tpu.memory_space<vmem>>, vector<16xi32>,
    %get3A_852 = vector.shape_cast %get3A_851 : vector<16xi32> to vector<16xi32>
    %add3A_853 = vector.broadcast %add3A_750 : i32 to vector<16xi32>
    %add3A_854 = arith.addi %get3A_852, %add3A_853 : vector<16xi32>
    %swap3A_855 = arith.constant 944 : index
    %swap3A_856 = tpu.vector_load %arg7[%swap3A_855] {strides = array<i32>} : memref<2048xi32, #tpu.memory_space<vmem>>, vector<16xi32>,
    %swap3A_857 = vector.shape_cast %swap3A_856 : vector<16xi32> to vector<16xi32>
    %swap3A_858 = vector.shape_cast %add3A_854 : vector<16xi32> to vector<16xi32>
    tpu.vector_store %arg7[%swap3A_855], %swap3A_858 {strides = array<i32>} : memref<2048xi32, #tpu.memory_space<vmem>>, vector<16xi32>,
    %get3A_859 = arith.constant 192 : index
    %get3A_860 = tpu.vector_load %arg6[%get3A_859] {strides = array<i32>} : memref<256xi32, #tpu.memory_space<vmem>>, vector<16xi32>,
    %get3A_861 = vector.shape_cast %get3A_860 : vector<16xi32> to vector<16xi32>
    %add3A_862 = vector.broadcast %add3A_750 : i32 to vector<16xi32>
    %add3A_863 = arith.addi %get3A_861, %add3A_862 : vector<16xi32>
    %swap3A_864 = arith.constant 960 : index
    %swap3A_865 = tpu.vector_load %arg7[%swap3A_864] {strides = array<i32>} : memref<2048xi32, #tpu.memory_space<vmem>>, vector<16xi32>,
    %swap3A_866 = vector.shape_cast %swap3A_865 : vector<16xi32> to vector<16xi32>
    %swap3A_867 = vector.shape_cast %add3A_863 : vector<16xi32> to vector<16xi32>
    tpu.vector_store %arg7[%swap3A_864], %swap3A_867 {strides = array<i32>} : memref<2048xi32, #tpu.memory_space<vmem>>, vector<16xi32>,
    %get3A_868 = arith.constant 208 : index
    %get3A_869 = tpu.vector_load %arg6[%get3A_868] {strides = array<i32>} : memref<256xi32, #tpu.memory_space<vmem>>, vector<16xi32>,
    %get3A_870 = vector.shape_cast %get3A_869 : vector<16xi32> to vector<16xi32>
    %add3A_871 = vector.broadcast %add3A_750 : i32 to vector<16xi32>
    %add3A_872 = arith.addi %get3A_870, %add3A_871 : vector<16xi32>
    %swap3A_873 = arith.constant 976 : index
    %swap3A_874 = tpu.vector_load %arg7[%swap3A_873] {strides = array<i32>} : memref<2048xi32, #tpu.memory_space<vmem>>, vector<16xi32>,
    %swap3A_875 = vector.shape_cast %swap3A_874 : vector<16xi32> to vector<16xi32>
    %swap3A_876 = vector.shape_cast %add3A_872 : vector<16xi32> to vector<16xi32>
    tpu.vector_store %arg7[%swap3A_873], %swap3A_876 {strides = array<i32>} : memref<2048xi32, #tpu.memory_space<vmem>>, vector<16xi32>,
    %get3A_877 = arith.constant 224 : index
    %get3A_878 = tpu.vector_load %arg6[%get3A_877] {strides = array<i32>} : memref<256xi32, #tpu.memory_space<vmem>>, vector<16xi32>,
    %get3A_879 = vector.shape_cast %get3A_878 : vector<16xi32> to vector<16xi32>
    %add3A_880 = vector.broadcast %add3A_750 : i32 to vector<16xi32>
    %add3A_881 = arith.addi %get3A_879, %add3A_880 : vector<16xi32>
    %swap3A_882 = arith.constant 992 : index
    %swap3A_883 = tpu.vector_load %arg7[%swap3A_882] {strides = array<i32>} : memref<2048xi32, #tpu.memory_space<vmem>>, vector<16xi32>,
    %swap3A_884 = vector.shape_cast %swap3A_883 : vector<16xi32> to vector<16xi32>
    %swap3A_885 = vector.shape_cast %add3A_881 : vector<16xi32> to vector<16xi32>
    tpu.vector_store %arg7[%swap3A_882], %swap3A_885 {strides = array<i32>} : memref<2048xi32, #tpu.memory_space<vmem>>, vector<16xi32>,
    %get3A_886 = arith.constant 240 : index
    %get3A_887 = tpu.vector_load %arg6[%get3A_886] {strides = array<i32>} : memref<256xi32, #tpu.memory_space<vmem>>, vector<16xi32>,
    %get3A_888 = vector.shape_cast %get3A_887 : vector<16xi32> to vector<16xi32>
    %add3A_889 = vector.broadcast %add3A_750 : i32 to vector<16xi32>
    %add3A_890 = arith.addi %get3A_888, %add3A_889 : vector<16xi32>
    %swap3A_891 = arith.constant 1008 : index
    %swap3A_892 = tpu.vector_load %arg7[%swap3A_891] {strides = array<i32>} : memref<2048xi32, #tpu.memory_space<vmem>>, vector<16xi32>,
    %swap3A_893 = vector.shape_cast %swap3A_892 : vector<16xi32> to vector<16xi32>
    %swap3A_894 = vector.shape_cast %add3A_890 : vector<16xi32> to vector<16xi32>
    tpu.vector_store %arg7[%swap3A_891], %swap3A_894 {strides = array<i32>} : memref<2048xi32, #tpu.memory_space<vmem>>, vector<16xi32>,
    %mul3A_895 = arith.constant 8 : i32
    %mul3A_896 = arith.muli %add3A, %mul3A_895 : i32
    %add3A_897 = arith.constant 4 : i32
    %add3A_898 = arith.addi %mul3A_896, %add3A_897 : i32
    %div3A_899 = arith.constant 8 : i32
    %div3A_900 = arith.divsi %add3A_898, %div3A_899 : i32
    %mul3A_901 = arith.constant 1050624 : i32
    %mul3A_902 = arith.muli %div3A_900, %mul3A_901 : i32
    %rem3A_903 = arith.constant 8 : i32
    %rem3A_904 = arith.remsi %add3A_898, %rem3A_903 : i32
    %mul3A_905 = arith.constant 128 : i32
    %mul3A_906 = arith.muli %rem3A_904, %mul3A_905 : i32
    %add3A_907 = arith.addi %mul3A_902, %mul3A_906 : i32
    %get3A_908 = arith.constant 0 : index
    %get3A_909 = tpu.vector_load %arg6[%get3A_908] {strides = array<i32>} : memref<256xi32, #tpu.memory_space<vmem>>, vector<16xi32>,
    %get3A_910 = vector.shape_cast %get3A_909 : vector<16xi32> to vector<16xi32>
    %add3A_911 = vector.broadcast %add3A_907 : i32 to vector<16xi32>
    %add3A_912 = arith.addi %get3A_910, %add3A_911 : vector<16xi32>
    %swap3A_913 = arith.constant 1024 : index
    %swap3A_914 = tpu.vector_load %arg7[%swap3A_913] {strides = array<i32>} : memref<2048xi32, #tpu.memory_space<vmem>>, vector<16xi32>,
    %swap3A_915 = vector.shape_cast %swap3A_914 : vector<16xi32> to vector<16xi32>
    %swap3A_916 = vector.shape_cast %add3A_912 : vector<16xi32> to vector<16xi32>
    tpu.vector_store %arg7[%swap3A_913], %swap3A_916 {strides = array<i32>} : memref<2048xi32, #tpu.memory_space<vmem>>, vector<16xi32>,
    %get3A_917 = arith.constant 16 : index
    %get3A_918 = tpu.vector_load %arg6[%get3A_917] {strides = array<i32>} : memref<256xi32, #tpu.memory_space<vmem>>, vector<16xi32>,
    %get3A_919 = vector.shape_cast %get3A_918 : vector<16xi32> to vector<16xi32>
    %add3A_920 = vector.broadcast %add3A_907 : i32 to vector<16xi32>
    %add3A_921 = arith.addi %get3A_919, %add3A_920 : vector<16xi32>
    %swap3A_922 = arith.constant 1040 : index
    %swap3A_923 = tpu.vector_load %arg7[%swap3A_922] {strides = array<i32>} : memref<2048xi32, #tpu.memory_space<vmem>>, vector<16xi32>,
    %swap3A_924 = vector.shape_cast %swap3A_923 : vector<16xi32> to vector<16xi32>
    %swap3A_925 = vector.shape_cast %add3A_921 : vector<16xi32> to vector<16xi32>
    tpu.vector_store %arg7[%swap3A_922], %swap3A_925 {strides = array<i32>} : memref<2048xi32, #tpu.memory_space<vmem>>, vector<16xi32>,
    %get3A_926 = arith.constant 32 : index
    %get3A_927 = tpu.vector_load %arg6[%get3A_926] {strides = array<i32>} : memref<256xi32, #tpu.memory_space<vmem>>, vector<16xi32>,
    %get3A_928 = vector.shape_cast %get3A_927 : vector<16xi32> to vector<16xi32>
    %add3A_929 = vector.broadcast %add3A_907 : i32 to vector<16xi32>
    %add3A_930 = arith.addi %get3A_928, %add3A_929 : vector<16xi32>
    %swap3A_931 = arith.constant 1056 : index
    %swap3A_932 = tpu.vector_load %arg7[%swap3A_931] {strides = array<i32>} : memref<2048xi32, #tpu.memory_space<vmem>>, vector<16xi32>,
    %swap3A_933 = vector.shape_cast %swap3A_932 : vector<16xi32> to vector<16xi32>
    %swap3A_934 = vector.shape_cast %add3A_930 : vector<16xi32> to vector<16xi32>
    tpu.vector_store %arg7[%swap3A_931], %swap3A_934 {strides = array<i32>} : memref<2048xi32, #tpu.memory_space<vmem>>, vector<16xi32>,
    %get3A_935 = arith.constant 48 : index
    %get3A_936 = tpu.vector_load %arg6[%get3A_935] {strides = array<i32>} : memref<256xi32, #tpu.memory_space<vmem>>, vector<16xi32>,
    %get3A_937 = vector.shape_cast %get3A_936 : vector<16xi32> to vector<16xi32>
    %add3A_938 = vector.broadcast %add3A_907 : i32 to vector<16xi32>
    %add3A_939 = arith.addi %get3A_937, %add3A_938 : vector<16xi32>
    %swap3A_940 = arith.constant 1072 : index
    %swap3A_941 = tpu.vector_load %arg7[%swap3A_940] {strides = array<i32>} : memref<2048xi32, #tpu.memory_space<vmem>>, vector<16xi32>,
    %swap3A_942 = vector.shape_cast %swap3A_941 : vector<16xi32> to vector<16xi32>
    %swap3A_943 = vector.shape_cast %add3A_939 : vector<16xi32> to vector<16xi32>
    tpu.vector_store %arg7[%swap3A_940], %swap3A_943 {strides = array<i32>} : memref<2048xi32, #tpu.memory_space<vmem>>, vector<16xi32>,
    %get3A_944 = arith.constant 64 : index
    %get3A_945 = tpu.vector_load %arg6[%get3A_944] {strides = array<i32>} : memref<256xi32, #tpu.memory_space<vmem>>, vector<16xi32>,
    %get3A_946 = vector.shape_cast %get3A_945 : vector<16xi32> to vector<16xi32>
    %add3A_947 = vector.broadcast %add3A_907 : i32 to vector<16xi32>
    %add3A_948 = arith.addi %get3A_946, %add3A_947 : vector<16xi32>
    %swap3A_949 = arith.constant 1088 : index
    %swap3A_950 = tpu.vector_load %arg7[%swap3A_949] {strides = array<i32>} : memref<2048xi32, #tpu.memory_space<vmem>>, vector<16xi32>,
    %swap3A_951 = vector.shape_cast %swap3A_950 : vector<16xi32> to vector<16xi32>
    %swap3A_952 = vector.shape_cast %add3A_948 : vector<16xi32> to vector<16xi32>
    tpu.vector_store %arg7[%swap3A_949], %swap3A_952 {strides = array<i32>} : memref<2048xi32, #tpu.memory_space<vmem>>, vector<16xi32>,
    %get3A_953 = arith.constant 80 : index
    %get3A_954 = tpu.vector_load %arg6[%get3A_953] {strides = array<i32>} : memref<256xi32, #tpu.memory_space<vmem>>, vector<16xi32>,
    %get3A_955 = vector.shape_cast %get3A_954 : vector<16xi32> to vector<16xi32>
    %add3A_956 = vector.broadcast %add3A_907 : i32 to vector<16xi32>
    %add3A_957 = arith.addi %get3A_955, %add3A_956 : vector<16xi32>
    %swap3A_958 = arith.constant 1104 : index
    %swap3A_959 = tpu.vector_load %arg7[%swap3A_958] {strides = array<i32>} : memref<2048xi32, #tpu.memory_space<vmem>>, vector<16xi32>,
    %swap3A_960 = vector.shape_cast %swap3A_959 : vector<16xi32> to vector<16xi32>
    %swap3A_961 = vector.shape_cast %add3A_957 : vector<16xi32> to vector<16xi32>
    tpu.vector_store %arg7[%swap3A_958], %swap3A_961 {strides = array<i32>} : memref<2048xi32, #tpu.memory_space<vmem>>, vector<16xi32>,
    %get3A_962 = arith.constant 96 : index
    %get3A_963 = tpu.vector_load %arg6[%get3A_962] {strides = array<i32>} : memref<256xi32, #tpu.memory_space<vmem>>, vector<16xi32>,
    %get3A_964 = vector.shape_cast %get3A_963 : vector<16xi32> to vector<16xi32>
    %add3A_965 = vector.broadcast %add3A_907 : i32 to vector<16xi32>
    %add3A_966 = arith.addi %get3A_964, %add3A_965 : vector<16xi32>
    %swap3A_967 = arith.constant 1120 : index
    %swap3A_968 = tpu.vector_load %arg7[%swap3A_967] {strides = array<i32>} : memref<2048xi32, #tpu.memory_space<vmem>>, vector<16xi32>,
    %swap3A_969 = vector.shape_cast %swap3A_968 : vector<16xi32> to vector<16xi32>
    %swap3A_970 = vector.shape_cast %add3A_966 : vector<16xi32> to vector<16xi32>
    tpu.vector_store %arg7[%swap3A_967], %swap3A_970 {strides = array<i32>} : memref<2048xi32, #tpu.memory_space<vmem>>, vector<16xi32>,
    %get3A_971 = arith.constant 112 : index
    %get3A_972 = tpu.vector_load %arg6[%get3A_971] {strides = array<i32>} : memref<256xi32, #tpu.memory_space<vmem>>, vector<16xi32>,
    %get3A_973 = vector.shape_cast %get3A_972 : vector<16xi32> to vector<16xi32>
    %add3A_974 = vector.broadcast %add3A_907 : i32 to vector<16xi32>
    %add3A_975 = arith.addi %get3A_973, %add3A_974 : vector<16xi32>
    %swap3A_976 = arith.constant 1136 : index
    %swap3A_977 = tpu.vector_load %arg7[%swap3A_976] {strides = array<i32>} : memref<2048xi32, #tpu.memory_space<vmem>>, vector<16xi32>,
    %swap3A_978 = vector.shape_cast %swap3A_977 : vector<16xi32> to vector<16xi32>
    %swap3A_979 = vector.shape_cast %add3A_975 : vector<16xi32> to vector<16xi32>
    tpu.vector_store %arg7[%swap3A_976], %swap3A_979 {strides = array<i32>} : memref<2048xi32, #tpu.memory_space<vmem>>, vector<16xi32>,
    %get3A_980 = arith.constant 128 : index
    %get3A_981 = tpu.vector_load %arg6[%get3A_980] {strides = array<i32>} : memref<256xi32, #tpu.memory_space<vmem>>, vector<16xi32>,
    %get3A_982 = vector.shape_cast %get3A_981 : vector<16xi32> to vector<16xi32>
    %add3A_983 = vector.broadcast %add3A_907 : i32 to vector<16xi32>
    %add3A_984 = arith.addi %get3A_982, %add3A_983 : vector<16xi32>
    %swap3A_985 = arith.constant 1152 : index
    %swap3A_986 = tpu.vector_load %arg7[%swap3A_985] {strides = array<i32>} : memref<2048xi32, #tpu.memory_space<vmem>>, vector<16xi32>,
    %swap3A_987 = vector.shape_cast %swap3A_986 : vector<16xi32> to vector<16xi32>
    %swap3A_988 = vector.shape_cast %add3A_984 : vector<16xi32> to vector<16xi32>
    tpu.vector_store %arg7[%swap3A_985], %swap3A_988 {strides = array<i32>} : memref<2048xi32, #tpu.memory_space<vmem>>, vector<16xi32>,
    %get3A_989 = arith.constant 144 : index
    %get3A_990 = tpu.vector_load %arg6[%get3A_989] {strides = array<i32>} : memref<256xi32, #tpu.memory_space<vmem>>, vector<16xi32>,
    %get3A_991 = vector.shape_cast %get3A_990 : vector<16xi32> to vector<16xi32>
    %add3A_992 = vector.broadcast %add3A_907 : i32 to vector<16xi32>
    %add3A_993 = arith.addi %get3A_991, %add3A_992 : vector<16xi32>
    %swap3A_994 = arith.constant 1168 : index
    %swap3A_995 = tpu.vector_load %arg7[%swap3A_994] {strides = array<i32>} : memref<2048xi32, #tpu.memory_space<vmem>>, vector<16xi32>,
    %swap3A_996 = vector.shape_cast %swap3A_995 : vector<16xi32> to vector<16xi32>
    %swap3A_997 = vector.shape_cast %add3A_993 : vector<16xi32> to vector<16xi32>
    tpu.vector_store %arg7[%swap3A_994], %swap3A_997 {strides = array<i32>} : memref<2048xi32, #tpu.memory_space<vmem>>, vector<16xi32>,
    %get3A_998 = arith.constant 160 : index
    %get3A_999 = tpu.vector_load %arg6[%get3A_998] {strides = array<i32>} : memref<256xi32, #tpu.memory_space<vmem>>, vector<16xi32>,
    %get3A_1000 = vector.shape_cast %get3A_999 : vector<16xi32> to vector<16xi32>
    %add3A_1001 = vector.broadcast %add3A_907 : i32 to vector<16xi32>
    %add3A_1002 = arith.addi %get3A_1000, %add3A_1001 : vector<16xi32>
    %swap3A_1003 = arith.constant 1184 : index
    %swap3A_1004 = tpu.vector_load %arg7[%swap3A_1003] {strides = array<i32>} : memref<2048xi32, #tpu.memory_space<vmem>>, vector<16xi32>,
    %swap3A_1005 = vector.shape_cast %swap3A_1004 : vector<16xi32> to vector<16xi32>
    %swap3A_1006 = vector.shape_cast %add3A_1002 : vector<16xi32> to vector<16xi32>
    tpu.vector_store %arg7[%swap3A_1003], %swap3A_1006 {strides = array<i32>} : memref<2048xi32, #tpu.memory_space<vmem>>, vector<16xi32>,
    %get3A_1007 = arith.constant 176 : index
    %get3A_1008 = tpu.vector_load %arg6[%get3A_1007] {strides = array<i32>} : memref<256xi32, #tpu.memory_space<vmem>>, vector<16xi32>,
    %get3A_1009 = vector.shape_cast %get3A_1008 : vector<16xi32> to vector<16xi32>
    %add3A_1010 = vector.broadcast %add3A_907 : i32 to vector<16xi32>
    %add3A_1011 = arith.addi %get3A_1009, %add3A_1010 : vector<16xi32>
    %swap3A_1012 = arith.constant 1200 : index
    %swap3A_1013 = tpu.vector_load %arg7[%swap3A_1012] {strides = array<i32>} : memref<2048xi32, #tpu.memory_space<vmem>>, vector<16xi32>,
    %swap3A_1014 = vector.shape_cast %swap3A_1013 : vector<16xi32> to vector<16xi32>
    %swap3A_1015 = vector.shape_cast %add3A_1011 : vector<16xi32> to vector<16xi32>
    tpu.vector_store %arg7[%swap3A_1012], %swap3A_1015 {strides = array<i32>} : memref<2048xi32, #tpu.memory_space<vmem>>, vector<16xi32>,
    %get3A_1016 = arith.constant 192 : index
    %get3A_1017 = tpu.vector_load %arg6[%get3A_1016] {strides = array<i32>} : memref<256xi32, #tpu.memory_space<vmem>>, vector<16xi32>,
    %get3A_1018 = vector.shape_cast %get3A_1017 : vector<16xi32> to vector<16xi32>
    %add3A_1019 = vector.broadcast %add3A_907 : i32 to vector<16xi32>
    %add3A_1020 = arith.addi %get3A_1018, %add3A_1019 : vector<16xi32>
    %swap3A_1021 = arith.constant 1216 : index
    %swap3A_1022 = tpu.vector_load %arg7[%swap3A_1021] {strides = array<i32>} : memref<2048xi32, #tpu.memory_space<vmem>>, vector<16xi32>,
    %swap3A_1023 = vector.shape_cast %swap3A_1022 : vector<16xi32> to vector<16xi32>
    %swap3A_1024 = vector.shape_cast %add3A_1020 : vector<16xi32> to vector<16xi32>
    tpu.vector_store %arg7[%swap3A_1021], %swap3A_1024 {strides = array<i32>} : memref<2048xi32, #tpu.memory_space<vmem>>, vector<16xi32>,
    %get3A_1025 = arith.constant 208 : index
    %get3A_1026 = tpu.vector_load %arg6[%get3A_1025] {strides = array<i32>} : memref<256xi32, #tpu.memory_space<vmem>>, vector<16xi32>,
    %get3A_1027 = vector.shape_cast %get3A_1026 : vector<16xi32> to vector<16xi32>
    %add3A_1028 = vector.broadcast %add3A_907 : i32 to vector<16xi32>
    %add3A_1029 = arith.addi %get3A_1027, %add3A_1028 : vector<16xi32>
    %swap3A_1030 = arith.constant 1232 : index
    %swap3A_1031 = tpu.vector_load %arg7[%swap3A_1030] {strides = array<i32>} : memref<2048xi32, #tpu.memory_space<vmem>>, vector<16xi32>,
    %swap3A_1032 = vector.shape_cast %swap3A_1031 : vector<16xi32> to vector<16xi32>
    %swap3A_1033 = vector.shape_cast %add3A_1029 : vector<16xi32> to vector<16xi32>
    tpu.vector_store %arg7[%swap3A_1030], %swap3A_1033 {strides = array<i32>} : memref<2048xi32, #tpu.memory_space<vmem>>, vector<16xi32>,
    %get3A_1034 = arith.constant 224 : index
    %get3A_1035 = tpu.vector_load %arg6[%get3A_1034] {strides = array<i32>} : memref<256xi32, #tpu.memory_space<vmem>>, vector<16xi32>,
    %get3A_1036 = vector.shape_cast %get3A_1035 : vector<16xi32> to vector<16xi32>
    %add3A_1037 = vector.broadcast %add3A_907 : i32 to vector<16xi32>
    %add3A_1038 = arith.addi %get3A_1036, %add3A_1037 : vector<16xi32>
    %swap3A_1039 = arith.constant 1248 : index
    %swap3A_1040 = tpu.vector_load %arg7[%swap3A_1039] {strides = array<i32>} : memref<2048xi32, #tpu.memory_space<vmem>>, vector<16xi32>,
    %swap3A_1041 = vector.shape_cast %swap3A_1040 : vector<16xi32> to vector<16xi32>
    %swap3A_1042 = vector.shape_cast %add3A_1038 : vector<16xi32> to vector<16xi32>
    tpu.vector_store %arg7[%swap3A_1039], %swap3A_1042 {strides = array<i32>} : memref<2048xi32, #tpu.memory_space<vmem>>, vector<16xi32>,
    %get3A_1043 = arith.constant 240 : index
    %get3A_1044 = tpu.vector_load %arg6[%get3A_1043] {strides = array<i32>} : memref<256xi32, #tpu.memory_space<vmem>>, vector<16xi32>,
    %get3A_1045 = vector.shape_cast %get3A_1044 : vector<16xi32> to vector<16xi32>
    %add3A_1046 = vector.broadcast %add3A_907 : i32 to vector<16xi32>
    %add3A_1047 = arith.addi %get3A_1045, %add3A_1046 : vector<16xi32>
    %swap3A_1048 = arith.constant 1264 : index
    %swap3A_1049 = tpu.vector_load %arg7[%swap3A_1048] {strides = array<i32>} : memref<2048xi32, #tpu.memory_space<vmem>>, vector<16xi32>,
    %swap3A_1050 = vector.shape_cast %swap3A_1049 : vector<16xi32> to vector<16xi32>
    %swap3A_1051 = vector.shape_cast %add3A_1047 : vector<16xi32> to vector<16xi32>
    tpu.vector_store %arg7[%swap3A_1048], %swap3A_1051 {strides = array<i32>} : memref<2048xi32, #tpu.memory_space<vmem>>, vector<16xi32>,
    %mul3A_1052 = arith.constant 8 : i32
    %mul3A_1053 = arith.muli %add3A, %mul3A_1052 : i32
    %add3A_1054 = arith.constant 5 : i32
    %add3A_1055 = arith.addi %mul3A_1053, %add3A_1054 : i32
    %div3A_1056 = arith.constant 8 : i32
    %div3A_1057 = arith.divsi %add3A_1055, %div3A_1056 : i32
    %mul3A_1058 = arith.constant 1050624 : i32
    %mul3A_1059 = arith.muli %div3A_1057, %mul3A_1058 : i32
    %rem3A_1060 = arith.constant 8 : i32
    %rem3A_1061 = arith.remsi %add3A_1055, %rem3A_1060 : i32
    %mul3A_1062 = arith.constant 128 : i32
    %mul3A_1063 = arith.muli %rem3A_1061, %mul3A_1062 : i32
    %add3A_1064 = arith.addi %mul3A_1059, %mul3A_1063 : i32
    %get3A_1065 = arith.constant 0 : index
    %get3A_1066 = tpu.vector_load %arg6[%get3A_1065] {strides = array<i32>} : memref<256xi32, #tpu.memory_space<vmem>>, vector<16xi32>,
    %get3A_1067 = vector.shape_cast %get3A_1066 : vector<16xi32> to vector<16xi32>
    %add3A_1068 = vector.broadcast %add3A_1064 : i32 to vector<16xi32>
    %add3A_1069 = arith.addi %get3A_1067, %add3A_1068 : vector<16xi32>
    %swap3A_1070 = arith.constant 1280 : index
    %swap3A_1071 = tpu.vector_load %arg7[%swap3A_1070] {strides = array<i32>} : memref<2048xi32, #tpu.memory_space<vmem>>, vector<16xi32>,
    %swap3A_1072 = vector.shape_cast %swap3A_1071 : vector<16xi32> to vector<16xi32>
    %swap3A_1073 = vector.shape_cast %add3A_1069 : vector<16xi32> to vector<16xi32>
    tpu.vector_store %arg7[%swap3A_1070], %swap3A_1073 {strides = array<i32>} : memref<2048xi32, #tpu.memory_space<vmem>>, vector<16xi32>,
    %get3A_1074 = arith.constant 16 : index
    %get3A_1075 = tpu.vector_load %arg6[%get3A_1074] {strides = array<i32>} : memref<256xi32, #tpu.memory_space<vmem>>, vector<16xi32>,
    %get3A_1076 = vector.shape_cast %get3A_1075 : vector<16xi32> to vector<16xi32>
    %add3A_1077 = vector.broadcast %add3A_1064 : i32 to vector<16xi32>
    %add3A_1078 = arith.addi %get3A_1076, %add3A_1077 : vector<16xi32>
    %swap3A_1079 = arith.constant 1296 : index
    %swap3A_1080 = tpu.vector_load %arg7[%swap3A_1079] {strides = array<i32>} : memref<2048xi32, #tpu.memory_space<vmem>>, vector<16xi32>,
    %swap3A_1081 = vector.shape_cast %swap3A_1080 : vector<16xi32> to vector<16xi32>
    %swap3A_1082 = vector.shape_cast %add3A_1078 : vector<16xi32> to vector<16xi32>
    tpu.vector_store %arg7[%swap3A_1079], %swap3A_1082 {strides = array<i32>} : memref<2048xi32, #tpu.memory_space<vmem>>, vector<16xi32>,
    %get3A_1083 = arith.constant 32 : index
    %get3A_1084 = tpu.vector_load %arg6[%get3A_1083] {strides = array<i32>} : memref<256xi32, #tpu.memory_space<vmem>>, vector<16xi32>,
    %get3A_1085 = vector.shape_cast %get3A_1084 : vector<16xi32> to vector<16xi32>
    %add3A_1086 = vector.broadcast %add3A_1064 : i32 to vector<16xi32>
    %add3A_1087 = arith.addi %get3A_1085, %add3A_1086 : vector<16xi32>
    %swap3A_1088 = arith.constant 1312 : index
    %swap3A_1089 = tpu.vector_load %arg7[%swap3A_1088] {strides = array<i32>} : memref<2048xi32, #tpu.memory_space<vmem>>, vector<16xi32>,
    %swap3A_1090 = vector.shape_cast %swap3A_1089 : vector<16xi32> to vector<16xi32>
    %swap3A_1091 = vector.shape_cast %add3A_1087 : vector<16xi32> to vector<16xi32>
    tpu.vector_store %arg7[%swap3A_1088], %swap3A_1091 {strides = array<i32>} : memref<2048xi32, #tpu.memory_space<vmem>>, vector<16xi32>,
    %get3A_1092 = arith.constant 48 : index
    %get3A_1093 = tpu.vector_load %arg6[%get3A_1092] {strides = array<i32>} : memref<256xi32, #tpu.memory_space<vmem>>, vector<16xi32>,
    %get3A_1094 = vector.shape_cast %get3A_1093 : vector<16xi32> to vector<16xi32>
    %add3A_1095 = vector.broadcast %add3A_1064 : i32 to vector<16xi32>
    %add3A_1096 = arith.addi %get3A_1094, %add3A_1095 : vector<16xi32>
    %swap3A_1097 = arith.constant 1328 : index
    %swap3A_1098 = tpu.vector_load %arg7[%swap3A_1097] {strides = array<i32>} : memref<2048xi32, #tpu.memory_space<vmem>>, vector<16xi32>,
    %swap3A_1099 = vector.shape_cast %swap3A_1098 : vector<16xi32> to vector<16xi32>
    %swap3A_1100 = vector.shape_cast %add3A_1096 : vector<16xi32> to vector<16xi32>
    tpu.vector_store %arg7[%swap3A_1097], %swap3A_1100 {strides = array<i32>} : memref<2048xi32, #tpu.memory_space<vmem>>, vector<16xi32>,
    %get3A_1101 = arith.constant 64 : index
    %get3A_1102 = tpu.vector_load %arg6[%get3A_1101] {strides = array<i32>} : memref<256xi32, #tpu.memory_space<vmem>>, vector<16xi32>,
    %get3A_1103 = vector.shape_cast %get3A_1102 : vector<16xi32> to vector<16xi32>
    %add3A_1104 = vector.broadcast %add3A_1064 : i32 to vector<16xi32>
    %add3A_1105 = arith.addi %get3A_1103, %add3A_1104 : vector<16xi32>
    %swap3A_1106 = arith.constant 1344 : index
    %swap3A_1107 = tpu.vector_load %arg7[%swap3A_1106] {strides = array<i32>} : memref<2048xi32, #tpu.memory_space<vmem>>, vector<16xi32>,
    %swap3A_1108 = vector.shape_cast %swap3A_1107 : vector<16xi32> to vector<16xi32>
    %swap3A_1109 = vector.shape_cast %add3A_1105 : vector<16xi32> to vector<16xi32>
    tpu.vector_store %arg7[%swap3A_1106], %swap3A_1109 {strides = array<i32>} : memref<2048xi32, #tpu.memory_space<vmem>>, vector<16xi32>,
    %get3A_1110 = arith.constant 80 : index
    %get3A_1111 = tpu.vector_load %arg6[%get3A_1110] {strides = array<i32>} : memref<256xi32, #tpu.memory_space<vmem>>, vector<16xi32>,
    %get3A_1112 = vector.shape_cast %get3A_1111 : vector<16xi32> to vector<16xi32>
    %add3A_1113 = vector.broadcast %add3A_1064 : i32 to vector<16xi32>
    %add3A_1114 = arith.addi %get3A_1112, %add3A_1113 : vector<16xi32>
    %swap3A_1115 = arith.constant 1360 : index
    %swap3A_1116 = tpu.vector_load %arg7[%swap3A_1115] {strides = array<i32>} : memref<2048xi32, #tpu.memory_space<vmem>>, vector<16xi32>,
    %swap3A_1117 = vector.shape_cast %swap3A_1116 : vector<16xi32> to vector<16xi32>
    %swap3A_1118 = vector.shape_cast %add3A_1114 : vector<16xi32> to vector<16xi32>
    tpu.vector_store %arg7[%swap3A_1115], %swap3A_1118 {strides = array<i32>} : memref<2048xi32, #tpu.memory_space<vmem>>, vector<16xi32>,
    %get3A_1119 = arith.constant 96 : index
    %get3A_1120 = tpu.vector_load %arg6[%get3A_1119] {strides = array<i32>} : memref<256xi32, #tpu.memory_space<vmem>>, vector<16xi32>,
    %get3A_1121 = vector.shape_cast %get3A_1120 : vector<16xi32> to vector<16xi32>
    %add3A_1122 = vector.broadcast %add3A_1064 : i32 to vector<16xi32>
    %add3A_1123 = arith.addi %get3A_1121, %add3A_1122 : vector<16xi32>
    %swap3A_1124 = arith.constant 1376 : index
    %swap3A_1125 = tpu.vector_load %arg7[%swap3A_1124] {strides = array<i32>} : memref<2048xi32, #tpu.memory_space<vmem>>, vector<16xi32>,
    %swap3A_1126 = vector.shape_cast %swap3A_1125 : vector<16xi32> to vector<16xi32>
    %swap3A_1127 = vector.shape_cast %add3A_1123 : vector<16xi32> to vector<16xi32>
    tpu.vector_store %arg7[%swap3A_1124], %swap3A_1127 {strides = array<i32>} : memref<2048xi32, #tpu.memory_space<vmem>>, vector<16xi32>,
    %get3A_1128 = arith.constant 112 : index
    %get3A_1129 = tpu.vector_load %arg6[%get3A_1128] {strides = array<i32>} : memref<256xi32, #tpu.memory_space<vmem>>, vector<16xi32>,
    %get3A_1130 = vector.shape_cast %get3A_1129 : vector<16xi32> to vector<16xi32>
    %add3A_1131 = vector.broadcast %add3A_1064 : i32 to vector<16xi32>
    %add3A_1132 = arith.addi %get3A_1130, %add3A_1131 : vector<16xi32>
    %swap3A_1133 = arith.constant 1392 : index
    %swap3A_1134 = tpu.vector_load %arg7[%swap3A_1133] {strides = array<i32>} : memref<2048xi32, #tpu.memory_space<vmem>>, vector<16xi32>,
    %swap3A_1135 = vector.shape_cast %swap3A_1134 : vector<16xi32> to vector<16xi32>
    %swap3A_1136 = vector.shape_cast %add3A_1132 : vector<16xi32> to vector<16xi32>
    tpu.vector_store %arg7[%swap3A_1133], %swap3A_1136 {strides = array<i32>} : memref<2048xi32, #tpu.memory_space<vmem>>, vector<16xi32>,
    %get3A_1137 = arith.constant 128 : index
    %get3A_1138 = tpu.vector_load %arg6[%get3A_1137] {strides = array<i32>} : memref<256xi32, #tpu.memory_space<vmem>>, vector<16xi32>,
    %get3A_1139 = vector.shape_cast %get3A_1138 : vector<16xi32> to vector<16xi32>
    %add3A_1140 = vector.broadcast %add3A_1064 : i32 to vector<16xi32>
    %add3A_1141 = arith.addi %get3A_1139, %add3A_1140 : vector<16xi32>
    %swap3A_1142 = arith.constant 1408 : index
    %swap3A_1143 = tpu.vector_load %arg7[%swap3A_1142] {strides = array<i32>} : memref<2048xi32, #tpu.memory_space<vmem>>, vector<16xi32>,
    %swap3A_1144 = vector.shape_cast %swap3A_1143 : vector<16xi32> to vector<16xi32>
    %swap3A_1145 = vector.shape_cast %add3A_1141 : vector<16xi32> to vector<16xi32>
    tpu.vector_store %arg7[%swap3A_1142], %swap3A_1145 {strides = array<i32>} : memref<2048xi32, #tpu.memory_space<vmem>>, vector<16xi32>,
    %get3A_1146 = arith.constant 144 : index
    %get3A_1147 = tpu.vector_load %arg6[%get3A_1146] {strides = array<i32>} : memref<256xi32, #tpu.memory_space<vmem>>, vector<16xi32>,
    %get3A_1148 = vector.shape_cast %get3A_1147 : vector<16xi32> to vector<16xi32>
    %add3A_1149 = vector.broadcast %add3A_1064 : i32 to vector<16xi32>
    %add3A_1150 = arith.addi %get3A_1148, %add3A_1149 : vector<16xi32>
    %swap3A_1151 = arith.constant 1424 : index
    %swap3A_1152 = tpu.vector_load %arg7[%swap3A_1151] {strides = array<i32>} : memref<2048xi32, #tpu.memory_space<vmem>>, vector<16xi32>,
    %swap3A_1153 = vector.shape_cast %swap3A_1152 : vector<16xi32> to vector<16xi32>
    %swap3A_1154 = vector.shape_cast %add3A_1150 : vector<16xi32> to vector<16xi32>
    tpu.vector_store %arg7[%swap3A_1151], %swap3A_1154 {strides = array<i32>} : memref<2048xi32, #tpu.memory_space<vmem>>, vector<16xi32>,
    %get3A_1155 = arith.constant 160 : index
    %get3A_1156 = tpu.vector_load %arg6[%get3A_1155] {strides = array<i32>} : memref<256xi32, #tpu.memory_space<vmem>>, vector<16xi32>,
    %get3A_1157 = vector.shape_cast %get3A_1156 : vector<16xi32> to vector<16xi32>
    %add3A_1158 = vector.broadcast %add3A_1064 : i32 to vector<16xi32>
    %add3A_1159 = arith.addi %get3A_1157, %add3A_1158 : vector<16xi32>
    %swap3A_1160 = arith.constant 1440 : index
    %swap3A_1161 = tpu.vector_load %arg7[%swap3A_1160] {strides = array<i32>} : memref<2048xi32, #tpu.memory_space<vmem>>, vector<16xi32>,
    %swap3A_1162 = vector.shape_cast %swap3A_1161 : vector<16xi32> to vector<16xi32>
    %swap3A_1163 = vector.shape_cast %add3A_1159 : vector<16xi32> to vector<16xi32>
    tpu.vector_store %arg7[%swap3A_1160], %swap3A_1163 {strides = array<i32>} : memref<2048xi32, #tpu.memory_space<vmem>>, vector<16xi32>,
    %get3A_1164 = arith.constant 176 : index
    %get3A_1165 = tpu.vector_load %arg6[%get3A_1164] {strides = array<i32>} : memref<256xi32, #tpu.memory_space<vmem>>, vector<16xi32>,
    %get3A_1166 = vector.shape_cast %get3A_1165 : vector<16xi32> to vector<16xi32>
    %add3A_1167 = vector.broadcast %add3A_1064 : i32 to vector<16xi32>
    %add3A_1168 = arith.addi %get3A_1166, %add3A_1167 : vector<16xi32>
    %swap3A_1169 = arith.constant 1456 : index
    %swap3A_1170 = tpu.vector_load %arg7[%swap3A_1169] {strides = array<i32>} : memref<2048xi32, #tpu.memory_space<vmem>>, vector<16xi32>,
    %swap3A_1171 = vector.shape_cast %swap3A_1170 : vector<16xi32> to vector<16xi32>
    %swap3A_1172 = vector.shape_cast %add3A_1168 : vector<16xi32> to vector<16xi32>
    tpu.vector_store %arg7[%swap3A_1169], %swap3A_1172 {strides = array<i32>} : memref<2048xi32, #tpu.memory_space<vmem>>, vector<16xi32>,
    %get3A_1173 = arith.constant 192 : index
    %get3A_1174 = tpu.vector_load %arg6[%get3A_1173] {strides = array<i32>} : memref<256xi32, #tpu.memory_space<vmem>>, vector<16xi32>,
    %get3A_1175 = vector.shape_cast %get3A_1174 : vector<16xi32> to vector<16xi32>
    %add3A_1176 = vector.broadcast %add3A_1064 : i32 to vector<16xi32>
    %add3A_1177 = arith.addi %get3A_1175, %add3A_1176 : vector<16xi32>
    %swap3A_1178 = arith.constant 1472 : index
    %swap3A_1179 = tpu.vector_load %arg7[%swap3A_1178] {strides = array<i32>} : memref<2048xi32, #tpu.memory_space<vmem>>, vector<16xi32>,
    %swap3A_1180 = vector.shape_cast %swap3A_1179 : vector<16xi32> to vector<16xi32>
    %swap3A_1181 = vector.shape_cast %add3A_1177 : vector<16xi32> to vector<16xi32>
    tpu.vector_store %arg7[%swap3A_1178], %swap3A_1181 {strides = array<i32>} : memref<2048xi32, #tpu.memory_space<vmem>>, vector<16xi32>,
    %get3A_1182 = arith.constant 208 : index
    %get3A_1183 = tpu.vector_load %arg6[%get3A_1182] {strides = array<i32>} : memref<256xi32, #tpu.memory_space<vmem>>, vector<16xi32>,
    %get3A_1184 = vector.shape_cast %get3A_1183 : vector<16xi32> to vector<16xi32>
    %add3A_1185 = vector.broadcast %add3A_1064 : i32 to vector<16xi32>
    %add3A_1186 = arith.addi %get3A_1184, %add3A_1185 : vector<16xi32>
    %swap3A_1187 = arith.constant 1488 : index
    %swap3A_1188 = tpu.vector_load %arg7[%swap3A_1187] {strides = array<i32>} : memref<2048xi32, #tpu.memory_space<vmem>>, vector<16xi32>,
    %swap3A_1189 = vector.shape_cast %swap3A_1188 : vector<16xi32> to vector<16xi32>
    %swap3A_1190 = vector.shape_cast %add3A_1186 : vector<16xi32> to vector<16xi32>
    tpu.vector_store %arg7[%swap3A_1187], %swap3A_1190 {strides = array<i32>} : memref<2048xi32, #tpu.memory_space<vmem>>, vector<16xi32>,
    %get3A_1191 = arith.constant 224 : index
    %get3A_1192 = tpu.vector_load %arg6[%get3A_1191] {strides = array<i32>} : memref<256xi32, #tpu.memory_space<vmem>>, vector<16xi32>,
    %get3A_1193 = vector.shape_cast %get3A_1192 : vector<16xi32> to vector<16xi32>
    %add3A_1194 = vector.broadcast %add3A_1064 : i32 to vector<16xi32>
    %add3A_1195 = arith.addi %get3A_1193, %add3A_1194 : vector<16xi32>
    %swap3A_1196 = arith.constant 1504 : index
    %swap3A_1197 = tpu.vector_load %arg7[%swap3A_1196] {strides = array<i32>} : memref<2048xi32, #tpu.memory_space<vmem>>, vector<16xi32>,
    %swap3A_1198 = vector.shape_cast %swap3A_1197 : vector<16xi32> to vector<16xi32>
    %swap3A_1199 = vector.shape_cast %add3A_1195 : vector<16xi32> to vector<16xi32>
    tpu.vector_store %arg7[%swap3A_1196], %swap3A_1199 {strides = array<i32>} : memref<2048xi32, #tpu.memory_space<vmem>>, vector<16xi32>,
    %get3A_1200 = arith.constant 240 : index
    %get3A_1201 = tpu.vector_load %arg6[%get3A_1200] {strides = array<i32>} : memref<256xi32, #tpu.memory_space<vmem>>, vector<16xi32>,
    %get3A_1202 = vector.shape_cast %get3A_1201 : vector<16xi32> to vector<16xi32>
    %add3A_1203 = vector.broadcast %add3A_1064 : i32 to vector<16xi32>
    %add3A_1204 = arith.addi %get3A_1202, %add3A_1203 : vector<16xi32>
    %swap3A_1205 = arith.constant 1520 : index
    %swap3A_1206 = tpu.vector_load %arg7[%swap3A_1205] {strides = array<i32>} : memref<2048xi32, #tpu.memory_space<vmem>>, vector<16xi32>,
    %swap3A_1207 = vector.shape_cast %swap3A_1206 : vector<16xi32> to vector<16xi32>
    %swap3A_1208 = vector.shape_cast %add3A_1204 : vector<16xi32> to vector<16xi32>
    tpu.vector_store %arg7[%swap3A_1205], %swap3A_1208 {strides = array<i32>} : memref<2048xi32, #tpu.memory_space<vmem>>, vector<16xi32>,
    %mul3A_1209 = arith.constant 8 : i32
    %mul3A_1210 = arith.muli %add3A, %mul3A_1209 : i32
    %add3A_1211 = arith.constant 6 : i32
    %add3A_1212 = arith.addi %mul3A_1210, %add3A_1211 : i32
    %div3A_1213 = arith.constant 8 : i32
    %div3A_1214 = arith.divsi %add3A_1212, %div3A_1213 : i32
    %mul3A_1215 = arith.constant 1050624 : i32
    %mul3A_1216 = arith.muli %div3A_1214, %mul3A_1215 : i32
    %rem3A_1217 = arith.constant 8 : i32
    %rem3A_1218 = arith.remsi %add3A_1212, %rem3A_1217 : i32
    %mul3A_1219 = arith.constant 128 : i32
    %mul3A_1220 = arith.muli %rem3A_1218, %mul3A_1219 : i32
    %add3A_1221 = arith.addi %mul3A_1216, %mul3A_1220 : i32
    %get3A_1222 = arith.constant 0 : index
    %get3A_1223 = tpu.vector_load %arg6[%get3A_1222] {strides = array<i32>} : memref<256xi32, #tpu.memory_space<vmem>>, vector<16xi32>,
    %get3A_1224 = vector.shape_cast %get3A_1223 : vector<16xi32> to vector<16xi32>
    %add3A_1225 = vector.broadcast %add3A_1221 : i32 to vector<16xi32>
    %add3A_1226 = arith.addi %get3A_1224, %add3A_1225 : vector<16xi32>
    %swap3A_1227 = arith.constant 1536 : index
    %swap3A_1228 = tpu.vector_load %arg7[%swap3A_1227] {strides = array<i32>} : memref<2048xi32, #tpu.memory_space<vmem>>, vector<16xi32>,
    %swap3A_1229 = vector.shape_cast %swap3A_1228 : vector<16xi32> to vector<16xi32>
    %swap3A_1230 = vector.shape_cast %add3A_1226 : vector<16xi32> to vector<16xi32>
    tpu.vector_store %arg7[%swap3A_1227], %swap3A_1230 {strides = array<i32>} : memref<2048xi32, #tpu.memory_space<vmem>>, vector<16xi32>,
    %get3A_1231 = arith.constant 16 : index
    %get3A_1232 = tpu.vector_load %arg6[%get3A_1231] {strides = array<i32>} : memref<256xi32, #tpu.memory_space<vmem>>, vector<16xi32>,
    %get3A_1233 = vector.shape_cast %get3A_1232 : vector<16xi32> to vector<16xi32>
    %add3A_1234 = vector.broadcast %add3A_1221 : i32 to vector<16xi32>
    %add3A_1235 = arith.addi %get3A_1233, %add3A_1234 : vector<16xi32>
    %swap3A_1236 = arith.constant 1552 : index
    %swap3A_1237 = tpu.vector_load %arg7[%swap3A_1236] {strides = array<i32>} : memref<2048xi32, #tpu.memory_space<vmem>>, vector<16xi32>,
    %swap3A_1238 = vector.shape_cast %swap3A_1237 : vector<16xi32> to vector<16xi32>
    %swap3A_1239 = vector.shape_cast %add3A_1235 : vector<16xi32> to vector<16xi32>
    tpu.vector_store %arg7[%swap3A_1236], %swap3A_1239 {strides = array<i32>} : memref<2048xi32, #tpu.memory_space<vmem>>, vector<16xi32>,
    %get3A_1240 = arith.constant 32 : index
    %get3A_1241 = tpu.vector_load %arg6[%get3A_1240] {strides = array<i32>} : memref<256xi32, #tpu.memory_space<vmem>>, vector<16xi32>,
    %get3A_1242 = vector.shape_cast %get3A_1241 : vector<16xi32> to vector<16xi32>
    %add3A_1243 = vector.broadcast %add3A_1221 : i32 to vector<16xi32>
    %add3A_1244 = arith.addi %get3A_1242, %add3A_1243 : vector<16xi32>
    %swap3A_1245 = arith.constant 1568 : index
    %swap3A_1246 = tpu.vector_load %arg7[%swap3A_1245] {strides = array<i32>} : memref<2048xi32, #tpu.memory_space<vmem>>, vector<16xi32>,
    %swap3A_1247 = vector.shape_cast %swap3A_1246 : vector<16xi32> to vector<16xi32>
    %swap3A_1248 = vector.shape_cast %add3A_1244 : vector<16xi32> to vector<16xi32>
    tpu.vector_store %arg7[%swap3A_1245], %swap3A_1248 {strides = array<i32>} : memref<2048xi32, #tpu.memory_space<vmem>>, vector<16xi32>,
    %get3A_1249 = arith.constant 48 : index
    %get3A_1250 = tpu.vector_load %arg6[%get3A_1249] {strides = array<i32>} : memref<256xi32, #tpu.memory_space<vmem>>, vector<16xi32>,
    %get3A_1251 = vector.shape_cast %get3A_1250 : vector<16xi32> to vector<16xi32>
    %add3A_1252 = vector.broadcast %add3A_1221 : i32 to vector<16xi32>
    %add3A_1253 = arith.addi %get3A_1251, %add3A_1252 : vector<16xi32>
    %swap3A_1254 = arith.constant 1584 : index
    %swap3A_1255 = tpu.vector_load %arg7[%swap3A_1254] {strides = array<i32>} : memref<2048xi32, #tpu.memory_space<vmem>>, vector<16xi32>,
    %swap3A_1256 = vector.shape_cast %swap3A_1255 : vector<16xi32> to vector<16xi32>
    %swap3A_1257 = vector.shape_cast %add3A_1253 : vector<16xi32> to vector<16xi32>
    tpu.vector_store %arg7[%swap3A_1254], %swap3A_1257 {strides = array<i32>} : memref<2048xi32, #tpu.memory_space<vmem>>, vector<16xi32>,
    %get3A_1258 = arith.constant 64 : index
    %get3A_1259 = tpu.vector_load %arg6[%get3A_1258] {strides = array<i32>} : memref<256xi32, #tpu.memory_space<vmem>>, vector<16xi32>,
    %get3A_1260 = vector.shape_cast %get3A_1259 : vector<16xi32> to vector<16xi32>
    %add3A_1261 = vector.broadcast %add3A_1221 : i32 to vector<16xi32>
    %add3A_1262 = arith.addi %get3A_1260, %add3A_1261 : vector<16xi32>
    %swap3A_1263 = arith.constant 1600 : index
    %swap3A_1264 = tpu.vector_load %arg7[%swap3A_1263] {strides = array<i32>} : memref<2048xi32, #tpu.memory_space<vmem>>, vector<16xi32>,
    %swap3A_1265 = vector.shape_cast %swap3A_1264 : vector<16xi32> to vector<16xi32>
    %swap3A_1266 = vector.shape_cast %add3A_1262 : vector<16xi32> to vector<16xi32>
    tpu.vector_store %arg7[%swap3A_1263], %swap3A_1266 {strides = array<i32>} : memref<2048xi32, #tpu.memory_space<vmem>>, vector<16xi32>,
    %get3A_1267 = arith.constant 80 : index
    %get3A_1268 = tpu.vector_load %arg6[%get3A_1267] {strides = array<i32>} : memref<256xi32, #tpu.memory_space<vmem>>, vector<16xi32>,
    %get3A_1269 = vector.shape_cast %get3A_1268 : vector<16xi32> to vector<16xi32>
    %add3A_1270 = vector.broadcast %add3A_1221 : i32 to vector<16xi32>
    %add3A_1271 = arith.addi %get3A_1269, %add3A_1270 : vector<16xi32>
    %swap3A_1272 = arith.constant 1616 : index
    %swap3A_1273 = tpu.vector_load %arg7[%swap3A_1272] {strides = array<i32>} : memref<2048xi32, #tpu.memory_space<vmem>>, vector<16xi32>,
    %swap3A_1274 = vector.shape_cast %swap3A_1273 : vector<16xi32> to vector<16xi32>
    %swap3A_1275 = vector.shape_cast %add3A_1271 : vector<16xi32> to vector<16xi32>
    tpu.vector_store %arg7[%swap3A_1272], %swap3A_1275 {strides = array<i32>} : memref<2048xi32, #tpu.memory_space<vmem>>, vector<16xi32>,
    %get3A_1276 = arith.constant 96 : index
    %get3A_1277 = tpu.vector_load %arg6[%get3A_1276] {strides = array<i32>} : memref<256xi32, #tpu.memory_space<vmem>>, vector<16xi32>,
    %get3A_1278 = vector.shape_cast %get3A_1277 : vector<16xi32> to vector<16xi32>
    %add3A_1279 = vector.broadcast %add3A_1221 : i32 to vector<16xi32>
    %add3A_1280 = arith.addi %get3A_1278, %add3A_1279 : vector<16xi32>
    %swap3A_1281 = arith.constant 1632 : index
    %swap3A_1282 = tpu.vector_load %arg7[%swap3A_1281] {strides = array<i32>} : memref<2048xi32, #tpu.memory_space<vmem>>, vector<16xi32>,
    %swap3A_1283 = vector.shape_cast %swap3A_1282 : vector<16xi32> to vector<16xi32>
    %swap3A_1284 = vector.shape_cast %add3A_1280 : vector<16xi32> to vector<16xi32>
    tpu.vector_store %arg7[%swap3A_1281], %swap3A_1284 {strides = array<i32>} : memref<2048xi32, #tpu.memory_space<vmem>>, vector<16xi32>,
    %get3A_1285 = arith.constant 112 : index
    %get3A_1286 = tpu.vector_load %arg6[%get3A_1285] {strides = array<i32>} : memref<256xi32, #tpu.memory_space<vmem>>, vector<16xi32>,
    %get3A_1287 = vector.shape_cast %get3A_1286 : vector<16xi32> to vector<16xi32>
    %add3A_1288 = vector.broadcast %add3A_1221 : i32 to vector<16xi32>
    %add3A_1289 = arith.addi %get3A_1287, %add3A_1288 : vector<16xi32>
    %swap3A_1290 = arith.constant 1648 : index
    %swap3A_1291 = tpu.vector_load %arg7[%swap3A_1290] {strides = array<i32>} : memref<2048xi32, #tpu.memory_space<vmem>>, vector<16xi32>,
    %swap3A_1292 = vector.shape_cast %swap3A_1291 : vector<16xi32> to vector<16xi32>
    %swap3A_1293 = vector.shape_cast %add3A_1289 : vector<16xi32> to vector<16xi32>
    tpu.vector_store %arg7[%swap3A_1290], %swap3A_1293 {strides = array<i32>} : memref<2048xi32, #tpu.memory_space<vmem>>, vector<16xi32>,
    %get3A_1294 = arith.constant 128 : index
    %get3A_1295 = tpu.vector_load %arg6[%get3A_1294] {strides = array<i32>} : memref<256xi32, #tpu.memory_space<vmem>>, vector<16xi32>,
    %get3A_1296 = vector.shape_cast %get3A_1295 : vector<16xi32> to vector<16xi32>
    %add3A_1297 = vector.broadcast %add3A_1221 : i32 to vector<16xi32>
    %add3A_1298 = arith.addi %get3A_1296, %add3A_1297 : vector<16xi32>
    %swap3A_1299 = arith.constant 1664 : index
    %swap3A_1300 = tpu.vector_load %arg7[%swap3A_1299] {strides = array<i32>} : memref<2048xi32, #tpu.memory_space<vmem>>, vector<16xi32>,
    %swap3A_1301 = vector.shape_cast %swap3A_1300 : vector<16xi32> to vector<16xi32>
    %swap3A_1302 = vector.shape_cast %add3A_1298 : vector<16xi32> to vector<16xi32>
    tpu.vector_store %arg7[%swap3A_1299], %swap3A_1302 {strides = array<i32>} : memref<2048xi32, #tpu.memory_space<vmem>>, vector<16xi32>,
    %get3A_1303 = arith.constant 144 : index
    %get3A_1304 = tpu.vector_load %arg6[%get3A_1303] {strides = array<i32>} : memref<256xi32, #tpu.memory_space<vmem>>, vector<16xi32>,
    %get3A_1305 = vector.shape_cast %get3A_1304 : vector<16xi32> to vector<16xi32>
    %add3A_1306 = vector.broadcast %add3A_1221 : i32 to vector<16xi32>
    %add3A_1307 = arith.addi %get3A_1305, %add3A_1306 : vector<16xi32>
    %swap3A_1308 = arith.constant 1680 : index
    %swap3A_1309 = tpu.vector_load %arg7[%swap3A_1308] {strides = array<i32>} : memref<2048xi32, #tpu.memory_space<vmem>>, vector<16xi32>,
    %swap3A_1310 = vector.shape_cast %swap3A_1309 : vector<16xi32> to vector<16xi32>
    %swap3A_1311 = vector.shape_cast %add3A_1307 : vector<16xi32> to vector<16xi32>
    tpu.vector_store %arg7[%swap3A_1308], %swap3A_1311 {strides = array<i32>} : memref<2048xi32, #tpu.memory_space<vmem>>, vector<16xi32>,
    %get3A_1312 = arith.constant 160 : index
    %get3A_1313 = tpu.vector_load %arg6[%get3A_1312] {strides = array<i32>} : memref<256xi32, #tpu.memory_space<vmem>>, vector<16xi32>,
    %get3A_1314 = vector.shape_cast %get3A_1313 : vector<16xi32> to vector<16xi32>
    %add3A_1315 = vector.broadcast %add3A_1221 : i32 to vector<16xi32>
    %add3A_1316 = arith.addi %get3A_1314, %add3A_1315 : vector<16xi32>
    %swap3A_1317 = arith.constant 1696 : index
    %swap3A_1318 = tpu.vector_load %arg7[%swap3A_1317] {strides = array<i32>} : memref<2048xi32, #tpu.memory_space<vmem>>, vector<16xi32>,
    %swap3A_1319 = vector.shape_cast %swap3A_1318 : vector<16xi32> to vector<16xi32>
    %swap3A_1320 = vector.shape_cast %add3A_1316 : vector<16xi32> to vector<16xi32>
    tpu.vector_store %arg7[%swap3A_1317], %swap3A_1320 {strides = array<i32>} : memref<2048xi32, #tpu.memory_space<vmem>>, vector<16xi32>,
    %get3A_1321 = arith.constant 176 : index
    %get3A_1322 = tpu.vector_load %arg6[%get3A_1321] {strides = array<i32>} : memref<256xi32, #tpu.memory_space<vmem>>, vector<16xi32>,
    %get3A_1323 = vector.shape_cast %get3A_1322 : vector<16xi32> to vector<16xi32>
    %add3A_1324 = vector.broadcast %add3A_1221 : i32 to vector<16xi32>
    %add3A_1325 = arith.addi %get3A_1323, %add3A_1324 : vector<16xi32>
    %swap3A_1326 = arith.constant 1712 : index
    %swap3A_1327 = tpu.vector_load %arg7[%swap3A_1326] {strides = array<i32>} : memref<2048xi32, #tpu.memory_space<vmem>>, vector<16xi32>,
    %swap3A_1328 = vector.shape_cast %swap3A_1327 : vector<16xi32> to vector<16xi32>
    %swap3A_1329 = vector.shape_cast %add3A_1325 : vector<16xi32> to vector<16xi32>
    tpu.vector_store %arg7[%swap3A_1326], %swap3A_1329 {strides = array<i32>} : memref<2048xi32, #tpu.memory_space<vmem>>, vector<16xi32>,
    %get3A_1330 = arith.constant 192 : index
    %get3A_1331 = tpu.vector_load %arg6[%get3A_1330] {strides = array<i32>} : memref<256xi32, #tpu.memory_space<vmem>>, vector<16xi32>,
    %get3A_1332 = vector.shape_cast %get3A_1331 : vector<16xi32> to vector<16xi32>
    %add3A_1333 = vector.broadcast %add3A_1221 : i32 to vector<16xi32>
    %add3A_1334 = arith.addi %get3A_1332, %add3A_1333 : vector<16xi32>
    %swap3A_1335 = arith.constant 1728 : index
    %swap3A_1336 = tpu.vector_load %arg7[%swap3A_1335] {strides = array<i32>} : memref<2048xi32, #tpu.memory_space<vmem>>, vector<16xi32>,
    %swap3A_1337 = vector.shape_cast %swap3A_1336 : vector<16xi32> to vector<16xi32>
    %swap3A_1338 = vector.shape_cast %add3A_1334 : vector<16xi32> to vector<16xi32>
    tpu.vector_store %arg7[%swap3A_1335], %swap3A_1338 {strides = array<i32>} : memref<2048xi32, #tpu.memory_space<vmem>>, vector<16xi32>,
    %get3A_1339 = arith.constant 208 : index
    %get3A_1340 = tpu.vector_load %arg6[%get3A_1339] {strides = array<i32>} : memref<256xi32, #tpu.memory_space<vmem>>, vector<16xi32>,
    %get3A_1341 = vector.shape_cast %get3A_1340 : vector<16xi32> to vector<16xi32>
    %add3A_1342 = vector.broadcast %add3A_1221 : i32 to vector<16xi32>
    %add3A_1343 = arith.addi %get3A_1341, %add3A_1342 : vector<16xi32>
    %swap3A_1344 = arith.constant 1744 : index
    %swap3A_1345 = tpu.vector_load %arg7[%swap3A_1344] {strides = array<i32>} : memref<2048xi32, #tpu.memory_space<vmem>>, vector<16xi32>,
    %swap3A_1346 = vector.shape_cast %swap3A_1345 : vector<16xi32> to vector<16xi32>
    %swap3A_1347 = vector.shape_cast %add3A_1343 : vector<16xi32> to vector<16xi32>
    tpu.vector_store %arg7[%swap3A_1344], %swap3A_1347 {strides = array<i32>} : memref<2048xi32, #tpu.memory_space<vmem>>, vector<16xi32>,
    %get3A_1348 = arith.constant 224 : index
    %get3A_1349 = tpu.vector_load %arg6[%get3A_1348] {strides = array<i32>} : memref<256xi32, #tpu.memory_space<vmem>>, vector<16xi32>,
    %get3A_1350 = vector.shape_cast %get3A_1349 : vector<16xi32> to vector<16xi32>
    %add3A_1351 = vector.broadcast %add3A_1221 : i32 to vector<16xi32>
    %add3A_1352 = arith.addi %get3A_1350, %add3A_1351 : vector<16xi32>
    %swap3A_1353 = arith.constant 1760 : index
    %swap3A_1354 = tpu.vector_load %arg7[%swap3A_1353] {strides = array<i32>} : memref<2048xi32, #tpu.memory_space<vmem>>, vector<16xi32>,
    %swap3A_1355 = vector.shape_cast %swap3A_1354 : vector<16xi32> to vector<16xi32>
    %swap3A_1356 = vector.shape_cast %add3A_1352 : vector<16xi32> to vector<16xi32>
    tpu.vector_store %arg7[%swap3A_1353], %swap3A_1356 {strides = array<i32>} : memref<2048xi32, #tpu.memory_space<vmem>>, vector<16xi32>,
    %get3A_1357 = arith.constant 240 : index
    %get3A_1358 = tpu.vector_load %arg6[%get3A_1357] {strides = array<i32>} : memref<256xi32, #tpu.memory_space<vmem>>, vector<16xi32>,
    %get3A_1359 = vector.shape_cast %get3A_1358 : vector<16xi32> to vector<16xi32>
    %add3A_1360 = vector.broadcast %add3A_1221 : i32 to vector<16xi32>
    %add3A_1361 = arith.addi %get3A_1359, %add3A_1360 : vector<16xi32>
    %swap3A_1362 = arith.constant 1776 : index
    %swap3A_1363 = tpu.vector_load %arg7[%swap3A_1362] {strides = array<i32>} : memref<2048xi32, #tpu.memory_space<vmem>>, vector<16xi32>,
    %swap3A_1364 = vector.shape_cast %swap3A_1363 : vector<16xi32> to vector<16xi32>
    %swap3A_1365 = vector.shape_cast %add3A_1361 : vector<16xi32> to vector<16xi32>
    tpu.vector_store %arg7[%swap3A_1362], %swap3A_1365 {strides = array<i32>} : memref<2048xi32, #tpu.memory_space<vmem>>, vector<16xi32>,
    %mul3A_1366 = arith.constant 8 : i32
    %mul3A_1367 = arith.muli %add3A, %mul3A_1366 : i32
    %add3A_1368 = arith.constant 7 : i32
    %add3A_1369 = arith.addi %mul3A_1367, %add3A_1368 : i32
    %div3A_1370 = arith.constant 8 : i32
    %div3A_1371 = arith.divsi %add3A_1369, %div3A_1370 : i32
    %mul3A_1372 = arith.constant 1050624 : i32
    %mul3A_1373 = arith.muli %div3A_1371, %mul3A_1372 : i32
    %rem3A_1374 = arith.constant 8 : i32
    %rem3A_1375 = arith.remsi %add3A_1369, %rem3A_1374 : i32
    %mul3A_1376 = arith.constant 128 : i32
    %mul3A_1377 = arith.muli %rem3A_1375, %mul3A_1376 : i32
    %add3A_1378 = arith.addi %mul3A_1373, %mul3A_1377 : i32
    %get3A_1379 = arith.constant 0 : index
    %get3A_1380 = tpu.vector_load %arg6[%get3A_1379] {strides = array<i32>} : memref<256xi32, #tpu.memory_space<vmem>>, vector<16xi32>,
    %get3A_1381 = vector.shape_cast %get3A_1380 : vector<16xi32> to vector<16xi32>
    %add3A_1382 = vector.broadcast %add3A_1378 : i32 to vector<16xi32>
    %add3A_1383 = arith.addi %get3A_1381, %add3A_1382 : vector<16xi32>
    %swap3A_1384 = arith.constant 1792 : index
    %swap3A_1385 = tpu.vector_load %arg7[%swap3A_1384] {strides = array<i32>} : memref<2048xi32, #tpu.memory_space<vmem>>, vector<16xi32>,
    %swap3A_1386 = vector.shape_cast %swap3A_1385 : vector<16xi32> to vector<16xi32>
    %swap3A_1387 = vector.shape_cast %add3A_1383 : vector<16xi32> to vector<16xi32>
    tpu.vector_store %arg7[%swap3A_1384], %swap3A_1387 {strides = array<i32>} : memref<2048xi32, #tpu.memory_space<vmem>>, vector<16xi32>,
    %get3A_1388 = arith.constant 16 : index
    %get3A_1389 = tpu.vector_load %arg6[%get3A_1388] {strides = array<i32>} : memref<256xi32, #tpu.memory_space<vmem>>, vector<16xi32>,
    %get3A_1390 = vector.shape_cast %get3A_1389 : vector<16xi32> to vector<16xi32>
    %add3A_1391 = vector.broadcast %add3A_1378 : i32 to vector<16xi32>
    %add3A_1392 = arith.addi %get3A_1390, %add3A_1391 : vector<16xi32>
    %swap3A_1393 = arith.constant 1808 : index
    %swap3A_1394 = tpu.vector_load %arg7[%swap3A_1393] {strides = array<i32>} : memref<2048xi32, #tpu.memory_space<vmem>>, vector<16xi32>,
    %swap3A_1395 = vector.shape_cast %swap3A_1394 : vector<16xi32> to vector<16xi32>
    %swap3A_1396 = vector.shape_cast %add3A_1392 : vector<16xi32> to vector<16xi32>
    tpu.vector_store %arg7[%swap3A_1393], %swap3A_1396 {strides = array<i32>} : memref<2048xi32, #tpu.memory_space<vmem>>, vector<16xi32>,
    %get3A_1397 = arith.constant 32 : index
    %get3A_1398 = tpu.vector_load %arg6[%get3A_1397] {strides = array<i32>} : memref<256xi32, #tpu.memory_space<vmem>>, vector<16xi32>,
    %get3A_1399 = vector.shape_cast %get3A_1398 : vector<16xi32> to vector<16xi32>
    %add3A_1400 = vector.broadcast %add3A_1378 : i32 to vector<16xi32>
    %add3A_1401 = arith.addi %get3A_1399, %add3A_1400 : vector<16xi32>
    %swap3A_1402 = arith.constant 1824 : index
    %swap3A_1403 = tpu.vector_load %arg7[%swap3A_1402] {strides = array<i32>} : memref<2048xi32, #tpu.memory_space<vmem>>, vector<16xi32>,
    %swap3A_1404 = vector.shape_cast %swap3A_1403 : vector<16xi32> to vector<16xi32>
    %swap3A_1405 = vector.shape_cast %add3A_1401 : vector<16xi32> to vector<16xi32>
    tpu.vector_store %arg7[%swap3A_1402], %swap3A_1405 {strides = array<i32>} : memref<2048xi32, #tpu.memory_space<vmem>>, vector<16xi32>,
    %get3A_1406 = arith.constant 48 : index
    %get3A_1407 = tpu.vector_load %arg6[%get3A_1406] {strides = array<i32>} : memref<256xi32, #tpu.memory_space<vmem>>, vector<16xi32>,
    %get3A_1408 = vector.shape_cast %get3A_1407 : vector<16xi32> to vector<16xi32>
    %add3A_1409 = vector.broadcast %add3A_1378 : i32 to vector<16xi32>
    %add3A_1410 = arith.addi %get3A_1408, %add3A_1409 : vector<16xi32>
    %swap3A_1411 = arith.constant 1840 : index
    %swap3A_1412 = tpu.vector_load %arg7[%swap3A_1411] {strides = array<i32>} : memref<2048xi32, #tpu.memory_space<vmem>>, vector<16xi32>,
    %swap3A_1413 = vector.shape_cast %swap3A_1412 : vector<16xi32> to vector<16xi32>
    %swap3A_1414 = vector.shape_cast %add3A_1410 : vector<16xi32> to vector<16xi32>
    tpu.vector_store %arg7[%swap3A_1411], %swap3A_1414 {strides = array<i32>} : memref<2048xi32, #tpu.memory_space<vmem>>, vector<16xi32>,
    %get3A_1415 = arith.constant 64 : index
    %get3A_1416 = tpu.vector_load %arg6[%get3A_1415] {strides = array<i32>} : memref<256xi32, #tpu.memory_space<vmem>>, vector<16xi32>,
    %get3A_1417 = vector.shape_cast %get3A_1416 : vector<16xi32> to vector<16xi32>
    %add3A_1418 = vector.broadcast %add3A_1378 : i32 to vector<16xi32>
    %add3A_1419 = arith.addi %get3A_1417, %add3A_1418 : vector<16xi32>
    %swap3A_1420 = arith.constant 1856 : index
    %swap3A_1421 = tpu.vector_load %arg7[%swap3A_1420] {strides = array<i32>} : memref<2048xi32, #tpu.memory_space<vmem>>, vector<16xi32>,
    %swap3A_1422 = vector.shape_cast %swap3A_1421 : vector<16xi32> to vector<16xi32>
    %swap3A_1423 = vector.shape_cast %add3A_1419 : vector<16xi32> to vector<16xi32>
    tpu.vector_store %arg7[%swap3A_1420], %swap3A_1423 {strides = array<i32>} : memref<2048xi32, #tpu.memory_space<vmem>>, vector<16xi32>,
    %get3A_1424 = arith.constant 80 : index
    %get3A_1425 = tpu.vector_load %arg6[%get3A_1424] {strides = array<i32>} : memref<256xi32, #tpu.memory_space<vmem>>, vector<16xi32>,
    %get3A_1426 = vector.shape_cast %get3A_1425 : vector<16xi32> to vector<16xi32>
    %add3A_1427 = vector.broadcast %add3A_1378 : i32 to vector<16xi32>
    %add3A_1428 = arith.addi %get3A_1426, %add3A_1427 : vector<16xi32>
    %swap3A_1429 = arith.constant 1872 : index
    %swap3A_1430 = tpu.vector_load %arg7[%swap3A_1429] {strides = array<i32>} : memref<2048xi32, #tpu.memory_space<vmem>>, vector<16xi32>,
    %swap3A_1431 = vector.shape_cast %swap3A_1430 : vector<16xi32> to vector<16xi32>
    %swap3A_1432 = vector.shape_cast %add3A_1428 : vector<16xi32> to vector<16xi32>
    tpu.vector_store %arg7[%swap3A_1429], %swap3A_1432 {strides = array<i32>} : memref<2048xi32, #tpu.memory_space<vmem>>, vector<16xi32>,
    %get3A_1433 = arith.constant 96 : index
    %get3A_1434 = tpu.vector_load %arg6[%get3A_1433] {strides = array<i32>} : memref<256xi32, #tpu.memory_space<vmem>>, vector<16xi32>,
    %get3A_1435 = vector.shape_cast %get3A_1434 : vector<16xi32> to vector<16xi32>
    %add3A_1436 = vector.broadcast %add3A_1378 : i32 to vector<16xi32>
    %add3A_1437 = arith.addi %get3A_1435, %add3A_1436 : vector<16xi32>
    %swap3A_1438 = arith.constant 1888 : index
    %swap3A_1439 = tpu.vector_load %arg7[%swap3A_1438] {strides = array<i32>} : memref<2048xi32, #tpu.memory_space<vmem>>, vector<16xi32>,
    %swap3A_1440 = vector.shape_cast %swap3A_1439 : vector<16xi32> to vector<16xi32>
    %swap3A_1441 = vector.shape_cast %add3A_1437 : vector<16xi32> to vector<16xi32>
    tpu.vector_store %arg7[%swap3A_1438], %swap3A_1441 {strides = array<i32>} : memref<2048xi32, #tpu.memory_space<vmem>>, vector<16xi32>,
    %get3A_1442 = arith.constant 112 : index
    %get3A_1443 = tpu.vector_load %arg6[%get3A_1442] {strides = array<i32>} : memref<256xi32, #tpu.memory_space<vmem>>, vector<16xi32>,
    %get3A_1444 = vector.shape_cast %get3A_1443 : vector<16xi32> to vector<16xi32>
    %add3A_1445 = vector.broadcast %add3A_1378 : i32 to vector<16xi32>
    %add3A_1446 = arith.addi %get3A_1444, %add3A_1445 : vector<16xi32>
    %swap3A_1447 = arith.constant 1904 : index
    %swap3A_1448 = tpu.vector_load %arg7[%swap3A_1447] {strides = array<i32>} : memref<2048xi32, #tpu.memory_space<vmem>>, vector<16xi32>,
    %swap3A_1449 = vector.shape_cast %swap3A_1448 : vector<16xi32> to vector<16xi32>
    %swap3A_1450 = vector.shape_cast %add3A_1446 : vector<16xi32> to vector<16xi32>
    tpu.vector_store %arg7[%swap3A_1447], %swap3A_1450 {strides = array<i32>} : memref<2048xi32, #tpu.memory_space<vmem>>, vector<16xi32>,
    %get3A_1451 = arith.constant 128 : index
    %get3A_1452 = tpu.vector_load %arg6[%get3A_1451] {strides = array<i32>} : memref<256xi32, #tpu.memory_space<vmem>>, vector<16xi32>,
    %get3A_1453 = vector.shape_cast %get3A_1452 : vector<16xi32> to vector<16xi32>
    %add3A_1454 = vector.broadcast %add3A_1378 : i32 to vector<16xi32>
    %add3A_1455 = arith.addi %get3A_1453, %add3A_1454 : vector<16xi32>
    %swap3A_1456 = arith.constant 1920 : index
    %swap3A_1457 = tpu.vector_load %arg7[%swap3A_1456] {strides = array<i32>} : memref<2048xi32, #tpu.memory_space<vmem>>, vector<16xi32>,
    %swap3A_1458 = vector.shape_cast %swap3A_1457 : vector<16xi32> to vector<16xi32>
    %swap3A_1459 = vector.shape_cast %add3A_1455 : vector<16xi32> to vector<16xi32>
    tpu.vector_store %arg7[%swap3A_1456], %swap3A_1459 {strides = array<i32>} : memref<2048xi32, #tpu.memory_space<vmem>>, vector<16xi32>,
    %get3A_1460 = arith.constant 144 : index
    %get3A_1461 = tpu.vector_load %arg6[%get3A_1460] {strides = array<i32>} : memref<256xi32, #tpu.memory_space<vmem>>, vector<16xi32>,
    %get3A_1462 = vector.shape_cast %get3A_1461 : vector<16xi32> to vector<16xi32>
    %add3A_1463 = vector.broadcast %add3A_1378 : i32 to vector<16xi32>
    %add3A_1464 = arith.addi %get3A_1462, %add3A_1463 : vector<16xi32>
    %swap3A_1465 = arith.constant 1936 : index
    %swap3A_1466 = tpu.vector_load %arg7[%swap3A_1465] {strides = array<i32>} : memref<2048xi32, #tpu.memory_space<vmem>>, vector<16xi32>,
    %swap3A_1467 = vector.shape_cast %swap3A_1466 : vector<16xi32> to vector<16xi32>
    %swap3A_1468 = vector.shape_cast %add3A_1464 : vector<16xi32> to vector<16xi32>
    tpu.vector_store %arg7[%swap3A_1465], %swap3A_1468 {strides = array<i32>} : memref<2048xi32, #tpu.memory_space<vmem>>, vector<16xi32>,
    %get3A_1469 = arith.constant 160 : index
    %get3A_1470 = tpu.vector_load %arg6[%get3A_1469] {strides = array<i32>} : memref<256xi32, #tpu.memory_space<vmem>>, vector<16xi32>,
    %get3A_1471 = vector.shape_cast %get3A_1470 : vector<16xi32> to vector<16xi32>
    %add3A_1472 = vector.broadcast %add3A_1378 : i32 to vector<16xi32>
    %add3A_1473 = arith.addi %get3A_1471, %add3A_1472 : vector<16xi32>
    %swap3A_1474 = arith.constant 1952 : index
    %swap3A_1475 = tpu.vector_load %arg7[%swap3A_1474] {strides = array<i32>} : memref<2048xi32, #tpu.memory_space<vmem>>, vector<16xi32>,
    %swap3A_1476 = vector.shape_cast %swap3A_1475 : vector<16xi32> to vector<16xi32>
    %swap3A_1477 = vector.shape_cast %add3A_1473 : vector<16xi32> to vector<16xi32>
    tpu.vector_store %arg7[%swap3A_1474], %swap3A_1477 {strides = array<i32>} : memref<2048xi32, #tpu.memory_space<vmem>>, vector<16xi32>,
    %get3A_1478 = arith.constant 176 : index
    %get3A_1479 = tpu.vector_load %arg6[%get3A_1478] {strides = array<i32>} : memref<256xi32, #tpu.memory_space<vmem>>, vector<16xi32>,
    %get3A_1480 = vector.shape_cast %get3A_1479 : vector<16xi32> to vector<16xi32>
    %add3A_1481 = vector.broadcast %add3A_1378 : i32 to vector<16xi32>
    %add3A_1482 = arith.addi %get3A_1480, %add3A_1481 : vector<16xi32>
    %swap3A_1483 = arith.constant 1968 : index
    %swap3A_1484 = tpu.vector_load %arg7[%swap3A_1483] {strides = array<i32>} : memref<2048xi32, #tpu.memory_space<vmem>>, vector<16xi32>,
    %swap3A_1485 = vector.shape_cast %swap3A_1484 : vector<16xi32> to vector<16xi32>
    %swap3A_1486 = vector.shape_cast %add3A_1482 : vector<16xi32> to vector<16xi32>
    tpu.vector_store %arg7[%swap3A_1483], %swap3A_1486 {strides = array<i32>} : memref<2048xi32, #tpu.memory_space<vmem>>, vector<16xi32>,
    %get3A_1487 = arith.constant 192 : index
    %get3A_1488 = tpu.vector_load %arg6[%get3A_1487] {strides = array<i32>} : memref<256xi32, #tpu.memory_space<vmem>>, vector<16xi32>,
    %get3A_1489 = vector.shape_cast %get3A_1488 : vector<16xi32> to vector<16xi32>
    %add3A_1490 = vector.broadcast %add3A_1378 : i32 to vector<16xi32>
    %add3A_1491 = arith.addi %get3A_1489, %add3A_1490 : vector<16xi32>
    %swap3A_1492 = arith.constant 1984 : index
    %swap3A_1493 = tpu.vector_load %arg7[%swap3A_1492] {strides = array<i32>} : memref<2048xi32, #tpu.memory_space<vmem>>, vector<16xi32>,
    %swap3A_1494 = vector.shape_cast %swap3A_1493 : vector<16xi32> to vector<16xi32>
    %swap3A_1495 = vector.shape_cast %add3A_1491 : vector<16xi32> to vector<16xi32>
    tpu.vector_store %arg7[%swap3A_1492], %swap3A_1495 {strides = array<i32>} : memref<2048xi32, #tpu.memory_space<vmem>>, vector<16xi32>,
    %get3A_1496 = arith.constant 208 : index
    %get3A_1497 = tpu.vector_load %arg6[%get3A_1496] {strides = array<i32>} : memref<256xi32, #tpu.memory_space<vmem>>, vector<16xi32>,
    %get3A_1498 = vector.shape_cast %get3A_1497 : vector<16xi32> to vector<16xi32>
    %add3A_1499 = vector.broadcast %add3A_1378 : i32 to vector<16xi32>
    %add3A_1500 = arith.addi %get3A_1498, %add3A_1499 : vector<16xi32>
    %swap3A_1501 = arith.constant 2000 : index
    %swap3A_1502 = tpu.vector_load %arg7[%swap3A_1501] {strides = array<i32>} : memref<2048xi32, #tpu.memory_space<vmem>>, vector<16xi32>,
    %swap3A_1503 = vector.shape_cast %swap3A_1502 : vector<16xi32> to vector<16xi32>
    %swap3A_1504 = vector.shape_cast %add3A_1500 : vector<16xi32> to vector<16xi32>
    tpu.vector_store %arg7[%swap3A_1501], %swap3A_1504 {strides = array<i32>} : memref<2048xi32, #tpu.memory_space<vmem>>, vector<16xi32>,
    %get3A_1505 = arith.constant 224 : index
    %get3A_1506 = tpu.vector_load %arg6[%get3A_1505] {strides = array<i32>} : memref<256xi32, #tpu.memory_space<vmem>>, vector<16xi32>,
    %get3A_1507 = vector.shape_cast %get3A_1506 : vector<16xi32> to vector<16xi32>
    %add3A_1508 = vector.broadcast %add3A_1378 : i32 to vector<16xi32>
    %add3A_1509 = arith.addi %get3A_1507, %add3A_1508 : vector<16xi32>
    %swap3A_1510 = arith.constant 2016 : index
    %swap3A_1511 = tpu.vector_load %arg7[%swap3A_1510] {strides = array<i32>} : memref<2048xi32, #tpu.memory_space<vmem>>, vector<16xi32>,
    %swap3A_1512 = vector.shape_cast %swap3A_1511 : vector<16xi32> to vector<16xi32>
    %swap3A_1513 = vector.shape_cast %add3A_1509 : vector<16xi32> to vector<16xi32>
    tpu.vector_store %arg7[%swap3A_1510], %swap3A_1513 {strides = array<i32>} : memref<2048xi32, #tpu.memory_space<vmem>>, vector<16xi32>,
    %get3A_1514 = arith.constant 240 : index
    %get3A_1515 = tpu.vector_load %arg6[%get3A_1514] {strides = array<i32>} : memref<256xi32, #tpu.memory_space<vmem>>, vector<16xi32>,
    %get3A_1516 = vector.shape_cast %get3A_1515 : vector<16xi32> to vector<16xi32>
    %add3A_1517 = vector.broadcast %add3A_1378 : i32 to vector<16xi32>
    %add3A_1518 = arith.addi %get3A_1516, %add3A_1517 : vector<16xi32>
    %swap3A_1519 = arith.constant 2032 : index
    %swap3A_1520 = tpu.vector_load %arg7[%swap3A_1519] {strides = array<i32>} : memref<2048xi32, #tpu.memory_space<vmem>>, vector<16xi32>,
    %swap3A_1521 = vector.shape_cast %swap3A_1520 : vector<16xi32> to vector<16xi32>
    %swap3A_1522 = vector.shape_cast %add3A_1518 : vector<16xi32> to vector<16xi32>
    tpu.vector_store %arg7[%swap3A_1519], %swap3A_1522 {strides = array<i32>} : memref<2048xi32, #tpu.memory_space<vmem>>, vector<16xi32>,
    %dma_start3A = arith.constant 0 : i32
    %dma_start3A_1523 = tpu.memref_slice %arg8[%dma_start3A] : memref<2048xf32, #tpu.memory_space<vmem>> -> memref<512xf32, #tpu.memory_space<vmem>>
    %dma_start3A_1524 = arith.constant 0 : i32
    %dma_start3A_1525 = tpu.memref_slice %arg7[%dma_start3A_1524] : memref<2048xi32, #tpu.memory_space<vmem>> -> memref<512xi32, #tpu.memory_space<vmem>>
    %dma_start3A_1526 = arith.constant 0 : i32
    %dma_start3A_1527 = tpu.memref_slice %arg2[%dma_start3A_1526] : memref<33619968xf32, #tpu.memory_space<hbm>> -> memref<33619968xf32, #tpu.memory_space<hbm>>
    tpu.enqueue_indirect_dma source(%dma_start3A_1527 : memref<33619968xf32, #tpu.memory_space<hbm>>) target(%dma_start3A_1523 : memref<512xf32, #tpu.memory_space<vmem>>) offsets(%dma_start3A_1525 : memref<512xi32, #tpu.memory_space<vmem>>) semaphore(%arg11 : memref<!tpu.dma_semaphore, #tpu.memory_space<semaphore_mem>>)
    %dma_start3A_1528 = arith.constant 0 : i32
    %dma_start3A_1529 = tpu.memref_slice %arg9[%dma_start3A_1528] : memref<2048xf32, #tpu.memory_space<vmem>> -> memref<512xf32, #tpu.memory_space<vmem>>
    %dma_start3A_1530 = arith.constant 0 : i32
    %dma_start3A_1531 = tpu.memref_slice %arg7[%dma_start3A_1530] : memref<2048xi32, #tpu.memory_space<vmem>> -> memref<512xi32, #tpu.memory_space<vmem>>
    %dma_start3A_1532 = arith.constant 0 : i32
    %dma_start3A_1533 = tpu.memref_slice %arg3[%dma_start3A_1532] : memref<33619968xf32, #tpu.memory_space<hbm>> -> memref<33619968xf32, #tpu.memory_space<hbm>>
    tpu.enqueue_indirect_dma source(%dma_start3A_1533 : memref<33619968xf32, #tpu.memory_space<hbm>>) target(%dma_start3A_1529 : memref<512xf32, #tpu.memory_space<vmem>>) offsets(%dma_start3A_1531 : memref<512xi32, #tpu.memory_space<vmem>>) semaphore(%arg11 : memref<!tpu.dma_semaphore, #tpu.memory_space<semaphore_mem>>)
    %dma_start3A_1534 = arith.constant 512 : i32
    %dma_start3A_1535 = tpu.memref_slice %arg8[%dma_start3A_1534] : memref<2048xf32, #tpu.memory_space<vmem>> -> memref<512xf32, #tpu.memory_space<vmem>>
    %dma_start3A_1536 = arith.constant 512 : i32
    %dma_start3A_1537 = tpu.memref_slice %arg7[%dma_start3A_1536] : memref<2048xi32, #tpu.memory_space<vmem>> -> memref<512xi32, #tpu.memory_space<vmem>>
    %dma_start3A_1538 = arith.constant 0 : i32
    %dma_start3A_1539 = tpu.memref_slice %arg2[%dma_start3A_1538] : memref<33619968xf32, #tpu.memory_space<hbm>> -> memref<33619968xf32, #tpu.memory_space<hbm>>
    tpu.enqueue_indirect_dma source(%dma_start3A_1539 : memref<33619968xf32, #tpu.memory_space<hbm>>) target(%dma_start3A_1535 : memref<512xf32, #tpu.memory_space<vmem>>) offsets(%dma_start3A_1537 : memref<512xi32, #tpu.memory_space<vmem>>) semaphore(%arg11 : memref<!tpu.dma_semaphore, #tpu.memory_space<semaphore_mem>>)
    %dma_start3A_1540 = arith.constant 512 : i32
    %dma_start3A_1541 = tpu.memref_slice %arg9[%dma_start3A_1540] : memref<2048xf32, #tpu.memory_space<vmem>> -> memref<512xf32, #tpu.memory_space<vmem>>
    %dma_start3A_1542 = arith.constant 512 : i32
    %dma_start3A_1543 = tpu.memref_slice %arg7[%dma_start3A_1542] : memref<2048xi32, #tpu.memory_space<vmem>> -> memref<512xi32, #tpu.memory_space<vmem>>
    %dma_start3A_1544 = arith.constant 0 : i32
    %dma_start3A_1545 = tpu.memref_slice %arg3[%dma_start3A_1544] : memref<33619968xf32, #tpu.memory_space<hbm>> -> memref<33619968xf32, #tpu.memory_space<hbm>>
    tpu.enqueue_indirect_dma source(%dma_start3A_1545 : memref<33619968xf32, #tpu.memory_space<hbm>>) target(%dma_start3A_1541 : memref<512xf32, #tpu.memory_space<vmem>>) offsets(%dma_start3A_1543 : memref<512xi32, #tpu.memory_space<vmem>>) semaphore(%arg11 : memref<!tpu.dma_semaphore, #tpu.memory_space<semaphore_mem>>)
    %dma_start3A_1546 = arith.constant 1024 : i32
    %dma_start3A_1547 = tpu.memref_slice %arg8[%dma_start3A_1546] : memref<2048xf32, #tpu.memory_space<vmem>> -> memref<512xf32, #tpu.memory_space<vmem>>
    %dma_start3A_1548 = arith.constant 1024 : i32
    %dma_start3A_1549 = tpu.memref_slice %arg7[%dma_start3A_1548] : memref<2048xi32, #tpu.memory_space<vmem>> -> memref<512xi32, #tpu.memory_space<vmem>>
    %dma_start3A_1550 = arith.constant 0 : i32
    %dma_start3A_1551 = tpu.memref_slice %arg2[%dma_start3A_1550] : memref<33619968xf32, #tpu.memory_space<hbm>> -> memref<33619968xf32, #tpu.memory_space<hbm>>
    tpu.enqueue_indirect_dma source(%dma_start3A_1551 : memref<33619968xf32, #tpu.memory_space<hbm>>) target(%dma_start3A_1547 : memref<512xf32, #tpu.memory_space<vmem>>) offsets(%dma_start3A_1549 : memref<512xi32, #tpu.memory_space<vmem>>) semaphore(%arg11 : memref<!tpu.dma_semaphore, #tpu.memory_space<semaphore_mem>>)
    %dma_start3A_1552 = arith.constant 1024 : i32
    %dma_start3A_1553 = tpu.memref_slice %arg9[%dma_start3A_1552] : memref<2048xf32, #tpu.memory_space<vmem>> -> memref<512xf32, #tpu.memory_space<vmem>>
    %dma_start3A_1554 = arith.constant 1024 : i32
    %dma_start3A_1555 = tpu.memref_slice %arg7[%dma_start3A_1554] : memref<2048xi32, #tpu.memory_space<vmem>> -> memref<512xi32, #tpu.memory_space<vmem>>
    %dma_start3A_1556 = arith.constant 0 : i32
    %dma_start3A_1557 = tpu.memref_slice %arg3[%dma_start3A_1556] : memref<33619968xf32, #tpu.memory_space<hbm>> -> memref<33619968xf32, #tpu.memory_space<hbm>>
    tpu.enqueue_indirect_dma source(%dma_start3A_1557 : memref<33619968xf32, #tpu.memory_space<hbm>>) target(%dma_start3A_1553 : memref<512xf32, #tpu.memory_space<vmem>>) offsets(%dma_start3A_1555 : memref<512xi32, #tpu.memory_space<vmem>>) semaphore(%arg11 : memref<!tpu.dma_semaphore, #tpu.memory_space<semaphore_mem>>)
    %dma_start3A_1558 = arith.constant 1536 : i32
    %dma_start3A_1559 = tpu.memref_slice %arg8[%dma_start3A_1558] : memref<2048xf32, #tpu.memory_space<vmem>> -> memref<512xf32, #tpu.memory_space<vmem>>
    %dma_start3A_1560 = arith.constant 1536 : i32
    %dma_start3A_1561 = tpu.memref_slice %arg7[%dma_start3A_1560] : memref<2048xi32, #tpu.memory_space<vmem>> -> memref<512xi32, #tpu.memory_space<vmem>>
    %dma_start3A_1562 = arith.constant 0 : i32
    %dma_start3A_1563 = tpu.memref_slice %arg2[%dma_start3A_1562] : memref<33619968xf32, #tpu.memory_space<hbm>> -> memref<33619968xf32, #tpu.memory_space<hbm>>
    tpu.enqueue_indirect_dma source(%dma_start3A_1563 : memref<33619968xf32, #tpu.memory_space<hbm>>) target(%dma_start3A_1559 : memref<512xf32, #tpu.memory_space<vmem>>) offsets(%dma_start3A_1561 : memref<512xi32, #tpu.memory_space<vmem>>) semaphore(%arg11 : memref<!tpu.dma_semaphore, #tpu.memory_space<semaphore_mem>>)
    %dma_start3A_1564 = arith.constant 1536 : i32
    %dma_start3A_1565 = tpu.memref_slice %arg9[%dma_start3A_1564] : memref<2048xf32, #tpu.memory_space<vmem>> -> memref<512xf32, #tpu.memory_space<vmem>>
    %dma_start3A_1566 = arith.constant 1536 : i32
    %dma_start3A_1567 = tpu.memref_slice %arg7[%dma_start3A_1566] : memref<2048xi32, #tpu.memory_space<vmem>> -> memref<512xi32, #tpu.memory_space<vmem>>
    %dma_start3A_1568 = arith.constant 0 : i32
    %dma_start3A_1569 = tpu.memref_slice %arg3[%dma_start3A_1568] : memref<33619968xf32, #tpu.memory_space<hbm>> -> memref<33619968xf32, #tpu.memory_space<hbm>>
    tpu.enqueue_indirect_dma source(%dma_start3A_1569 : memref<33619968xf32, #tpu.memory_space<hbm>>) target(%dma_start3A_1565 : memref<512xf32, #tpu.memory_space<vmem>>) offsets(%dma_start3A_1567 : memref<512xi32, #tpu.memory_space<vmem>>) semaphore(%arg11 : memref<!tpu.dma_semaphore, #tpu.memory_space<semaphore_mem>>)
    %broadcast_in_dim3A = arith.constant 0.000000e+00 : f32
    %broadcast_in_dim3A_1570 = vector.broadcast %broadcast_in_dim3A : f32 to vector<16xf32>
    %dma_wait3A = arith.constant 0 : i32
    %dma_wait3A_1571 = tpu.memref_slice %arg8[%dma_wait3A] : memref<2048xf32, #tpu.memory_space<vmem>> -> memref<512xf32, #tpu.memory_space<vmem>>
    %dma_wait3A_1572 = arith.constant 0 : i32
    %dma_wait3A_1573 = tpu.memref_slice %arg7[%dma_wait3A_1572] : memref<2048xi32, #tpu.memory_space<vmem>> -> memref<512xi32, #tpu.memory_space<vmem>>
    %dma_wait3A_1574 = arith.constant 0 : i32
    %dma_wait3A_1575 = tpu.memref_slice %arg2[%dma_wait3A_1574] : memref<33619968xf32, #tpu.memory_space<hbm>> -> memref<33619968xf32, #tpu.memory_space<hbm>>
    tpu.wait_indirect_dma semaphore(%arg11 : memref<!tpu.dma_semaphore, #tpu.memory_space<semaphore_mem>>) src(%dma_wait3A_1575 : memref<33619968xf32, #tpu.memory_space<hbm>>) dst(%dma_wait3A_1571 : memref<512xf32, #tpu.memory_space<vmem>>)
    %dma_wait3A_1576 = arith.constant 0 : i32
    %dma_wait3A_1577 = tpu.memref_slice %arg9[%dma_wait3A_1576] : memref<2048xf32, #tpu.memory_space<vmem>> -> memref<512xf32, #tpu.memory_space<vmem>>
    %dma_wait3A_1578 = arith.constant 0 : i32
    %dma_wait3A_1579 = tpu.memref_slice %arg7[%dma_wait3A_1578] : memref<2048xi32, #tpu.memory_space<vmem>> -> memref<512xi32, #tpu.memory_space<vmem>>
    %dma_wait3A_1580 = arith.constant 0 : i32
    %dma_wait3A_1581 = tpu.memref_slice %arg3[%dma_wait3A_1580] : memref<33619968xf32, #tpu.memory_space<hbm>> -> memref<33619968xf32, #tpu.memory_space<hbm>>
    tpu.wait_indirect_dma semaphore(%arg11 : memref<!tpu.dma_semaphore, #tpu.memory_space<semaphore_mem>>) src(%dma_wait3A_1581 : memref<33619968xf32, #tpu.memory_space<hbm>>) dst(%dma_wait3A_1577 : memref<512xf32, #tpu.memory_space<vmem>>)
    %get3A_1582 = arith.constant 0 : index
    %get3A_1583 = tpu.vector_load %arg8[%get3A_1582] {strides = array<i32>} : memref<2048xf32, #tpu.memory_space<vmem>>, vector<16xf32>,
    %get3A_1584 = vector.shape_cast %get3A_1583 : vector<16xf32> to vector<16xf32>
    %get3A_1585 = arith.constant 0 : index
    %get3A_1586 = tpu.vector_load %arg9[%get3A_1585] {strides = array<i32>} : memref<2048xf32, #tpu.memory_space<vmem>>, vector<16xf32>,
    %get3A_1587 = vector.shape_cast %get3A_1586 : vector<16xf32> to vector<16xf32>
    %sub3A = arith.subf %get3A_1584, %get3A_1587 : vector<16xf32>
    %abs3A = math.absf %sub3A : vector<16xf32>
    %add3A_1588 = arith.addf %broadcast_in_dim3A_1570, %abs3A : vector<16xf32>
    %get3A_1589 = arith.constant 16 : index
    %get3A_1590 = tpu.vector_load %arg8[%get3A_1589] {strides = array<i32>} : memref<2048xf32, #tpu.memory_space<vmem>>, vector<16xf32>,
    %get3A_1591 = vector.shape_cast %get3A_1590 : vector<16xf32> to vector<16xf32>
    %get3A_1592 = arith.constant 16 : index
    %get3A_1593 = tpu.vector_load %arg9[%get3A_1592] {strides = array<i32>} : memref<2048xf32, #tpu.memory_space<vmem>>, vector<16xf32>,
    %get3A_1594 = vector.shape_cast %get3A_1593 : vector<16xf32> to vector<16xf32>
    %sub3A_1595 = arith.subf %get3A_1591, %get3A_1594 : vector<16xf32>
    %abs3A_1596 = math.absf %sub3A_1595 : vector<16xf32>
    %add3A_1597 = arith.addf %add3A_1588, %abs3A_1596 : vector<16xf32>
    %get3A_1598 = arith.constant 32 : index
    %get3A_1599 = tpu.vector_load %arg8[%get3A_1598] {strides = array<i32>} : memref<2048xf32, #tpu.memory_space<vmem>>, vector<16xf32>,
    %get3A_1600 = vector.shape_cast %get3A_1599 : vector<16xf32> to vector<16xf32>
    %get3A_1601 = arith.constant 32 : index
    %get3A_1602 = tpu.vector_load %arg9[%get3A_1601] {strides = array<i32>} : memref<2048xf32, #tpu.memory_space<vmem>>, vector<16xf32>,
    %get3A_1603 = vector.shape_cast %get3A_1602 : vector<16xf32> to vector<16xf32>
    %sub3A_1604 = arith.subf %get3A_1600, %get3A_1603 : vector<16xf32>
    %abs3A_1605 = math.absf %sub3A_1604 : vector<16xf32>
    %add3A_1606 = arith.addf %add3A_1597, %abs3A_1605 : vector<16xf32>
    %get3A_1607 = arith.constant 48 : index
    %get3A_1608 = tpu.vector_load %arg8[%get3A_1607] {strides = array<i32>} : memref<2048xf32, #tpu.memory_space<vmem>>, vector<16xf32>,
    %get3A_1609 = vector.shape_cast %get3A_1608 : vector<16xf32> to vector<16xf32>
    %get3A_1610 = arith.constant 48 : index
    %get3A_1611 = tpu.vector_load %arg9[%get3A_1610] {strides = array<i32>} : memref<2048xf32, #tpu.memory_space<vmem>>, vector<16xf32>,
    %get3A_1612 = vector.shape_cast %get3A_1611 : vector<16xf32> to vector<16xf32>
    %sub3A_1613 = arith.subf %get3A_1609, %get3A_1612 : vector<16xf32>
    %abs3A_1614 = math.absf %sub3A_1613 : vector<16xf32>
    %add3A_1615 = arith.addf %add3A_1606, %abs3A_1614 : vector<16xf32>
    %get3A_1616 = arith.constant 64 : index
    %get3A_1617 = tpu.vector_load %arg8[%get3A_1616] {strides = array<i32>} : memref<2048xf32, #tpu.memory_space<vmem>>, vector<16xf32>,
    %get3A_1618 = vector.shape_cast %get3A_1617 : vector<16xf32> to vector<16xf32>
    %get3A_1619 = arith.constant 64 : index
    %get3A_1620 = tpu.vector_load %arg9[%get3A_1619] {strides = array<i32>} : memref<2048xf32, #tpu.memory_space<vmem>>, vector<16xf32>,
    %get3A_1621 = vector.shape_cast %get3A_1620 : vector<16xf32> to vector<16xf32>
    %sub3A_1622 = arith.subf %get3A_1618, %get3A_1621 : vector<16xf32>
    %abs3A_1623 = math.absf %sub3A_1622 : vector<16xf32>
    %add3A_1624 = arith.addf %add3A_1615, %abs3A_1623 : vector<16xf32>
    %get3A_1625 = arith.constant 80 : index
    %get3A_1626 = tpu.vector_load %arg8[%get3A_1625] {strides = array<i32>} : memref<2048xf32, #tpu.memory_space<vmem>>, vector<16xf32>,
    %get3A_1627 = vector.shape_cast %get3A_1626 : vector<16xf32> to vector<16xf32>
    %get3A_1628 = arith.constant 80 : index
    %get3A_1629 = tpu.vector_load %arg9[%get3A_1628] {strides = array<i32>} : memref<2048xf32, #tpu.memory_space<vmem>>, vector<16xf32>,
    %get3A_1630 = vector.shape_cast %get3A_1629 : vector<16xf32> to vector<16xf32>
    %sub3A_1631 = arith.subf %get3A_1627, %get3A_1630 : vector<16xf32>
    %abs3A_1632 = math.absf %sub3A_1631 : vector<16xf32>
    %add3A_1633 = arith.addf %add3A_1624, %abs3A_1632 : vector<16xf32>
    %get3A_1634 = arith.constant 96 : index
    %get3A_1635 = tpu.vector_load %arg8[%get3A_1634] {strides = array<i32>} : memref<2048xf32, #tpu.memory_space<vmem>>, vector<16xf32>,
    %get3A_1636 = vector.shape_cast %get3A_1635 : vector<16xf32> to vector<16xf32>
    %get3A_1637 = arith.constant 96 : index
    %get3A_1638 = tpu.vector_load %arg9[%get3A_1637] {strides = array<i32>} : memref<2048xf32, #tpu.memory_space<vmem>>, vector<16xf32>,
    %get3A_1639 = vector.shape_cast %get3A_1638 : vector<16xf32> to vector<16xf32>
    %sub3A_1640 = arith.subf %get3A_1636, %get3A_1639 : vector<16xf32>
    %abs3A_1641 = math.absf %sub3A_1640 : vector<16xf32>
    %add3A_1642 = arith.addf %add3A_1633, %abs3A_1641 : vector<16xf32>
    %get3A_1643 = arith.constant 112 : index
    %get3A_1644 = tpu.vector_load %arg8[%get3A_1643] {strides = array<i32>} : memref<2048xf32, #tpu.memory_space<vmem>>, vector<16xf32>,
    %get3A_1645 = vector.shape_cast %get3A_1644 : vector<16xf32> to vector<16xf32>
    %get3A_1646 = arith.constant 112 : index
    %get3A_1647 = tpu.vector_load %arg9[%get3A_1646] {strides = array<i32>} : memref<2048xf32, #tpu.memory_space<vmem>>, vector<16xf32>,
    %get3A_1648 = vector.shape_cast %get3A_1647 : vector<16xf32> to vector<16xf32>
    %sub3A_1649 = arith.subf %get3A_1645, %get3A_1648 : vector<16xf32>
    %abs3A_1650 = math.absf %sub3A_1649 : vector<16xf32>
    %add3A_1651 = arith.addf %add3A_1642, %abs3A_1650 : vector<16xf32>
    %get3A_1652 = arith.constant 128 : index
    %get3A_1653 = tpu.vector_load %arg8[%get3A_1652] {strides = array<i32>} : memref<2048xf32, #tpu.memory_space<vmem>>, vector<16xf32>,
    %get3A_1654 = vector.shape_cast %get3A_1653 : vector<16xf32> to vector<16xf32>
    %get3A_1655 = arith.constant 128 : index
    %get3A_1656 = tpu.vector_load %arg9[%get3A_1655] {strides = array<i32>} : memref<2048xf32, #tpu.memory_space<vmem>>, vector<16xf32>,
    %get3A_1657 = vector.shape_cast %get3A_1656 : vector<16xf32> to vector<16xf32>
    %sub3A_1658 = arith.subf %get3A_1654, %get3A_1657 : vector<16xf32>
    %abs3A_1659 = math.absf %sub3A_1658 : vector<16xf32>
    %add3A_1660 = arith.addf %add3A_1651, %abs3A_1659 : vector<16xf32>
    %get3A_1661 = arith.constant 144 : index
    %get3A_1662 = tpu.vector_load %arg8[%get3A_1661] {strides = array<i32>} : memref<2048xf32, #tpu.memory_space<vmem>>, vector<16xf32>,
    %get3A_1663 = vector.shape_cast %get3A_1662 : vector<16xf32> to vector<16xf32>
    %get3A_1664 = arith.constant 144 : index
    %get3A_1665 = tpu.vector_load %arg9[%get3A_1664] {strides = array<i32>} : memref<2048xf32, #tpu.memory_space<vmem>>, vector<16xf32>,
    %get3A_1666 = vector.shape_cast %get3A_1665 : vector<16xf32> to vector<16xf32>
    %sub3A_1667 = arith.subf %get3A_1663, %get3A_1666 : vector<16xf32>
    %abs3A_1668 = math.absf %sub3A_1667 : vector<16xf32>
    %add3A_1669 = arith.addf %add3A_1660, %abs3A_1668 : vector<16xf32>
    %get3A_1670 = arith.constant 160 : index
    %get3A_1671 = tpu.vector_load %arg8[%get3A_1670] {strides = array<i32>} : memref<2048xf32, #tpu.memory_space<vmem>>, vector<16xf32>,
    %get3A_1672 = vector.shape_cast %get3A_1671 : vector<16xf32> to vector<16xf32>
    %get3A_1673 = arith.constant 160 : index
    %get3A_1674 = tpu.vector_load %arg9[%get3A_1673] {strides = array<i32>} : memref<2048xf32, #tpu.memory_space<vmem>>, vector<16xf32>,
    %get3A_1675 = vector.shape_cast %get3A_1674 : vector<16xf32> to vector<16xf32>
    %sub3A_1676 = arith.subf %get3A_1672, %get3A_1675 : vector<16xf32>
    %abs3A_1677 = math.absf %sub3A_1676 : vector<16xf32>
    %add3A_1678 = arith.addf %add3A_1669, %abs3A_1677 : vector<16xf32>
    %get3A_1679 = arith.constant 176 : index
    %get3A_1680 = tpu.vector_load %arg8[%get3A_1679] {strides = array<i32>} : memref<2048xf32, #tpu.memory_space<vmem>>, vector<16xf32>,
    %get3A_1681 = vector.shape_cast %get3A_1680 : vector<16xf32> to vector<16xf32>
    %get3A_1682 = arith.constant 176 : index
    %get3A_1683 = tpu.vector_load %arg9[%get3A_1682] {strides = array<i32>} : memref<2048xf32, #tpu.memory_space<vmem>>, vector<16xf32>,
    %get3A_1684 = vector.shape_cast %get3A_1683 : vector<16xf32> to vector<16xf32>
    %sub3A_1685 = arith.subf %get3A_1681, %get3A_1684 : vector<16xf32>
    %abs3A_1686 = math.absf %sub3A_1685 : vector<16xf32>
    %add3A_1687 = arith.addf %add3A_1678, %abs3A_1686 : vector<16xf32>
    %get3A_1688 = arith.constant 192 : index
    %get3A_1689 = tpu.vector_load %arg8[%get3A_1688] {strides = array<i32>} : memref<2048xf32, #tpu.memory_space<vmem>>, vector<16xf32>,
    %get3A_1690 = vector.shape_cast %get3A_1689 : vector<16xf32> to vector<16xf32>
    %get3A_1691 = arith.constant 192 : index
    %get3A_1692 = tpu.vector_load %arg9[%get3A_1691] {strides = array<i32>} : memref<2048xf32, #tpu.memory_space<vmem>>, vector<16xf32>,
    %get3A_1693 = vector.shape_cast %get3A_1692 : vector<16xf32> to vector<16xf32>
    %sub3A_1694 = arith.subf %get3A_1690, %get3A_1693 : vector<16xf32>
    %abs3A_1695 = math.absf %sub3A_1694 : vector<16xf32>
    %add3A_1696 = arith.addf %add3A_1687, %abs3A_1695 : vector<16xf32>
    %get3A_1697 = arith.constant 208 : index
    %get3A_1698 = tpu.vector_load %arg8[%get3A_1697] {strides = array<i32>} : memref<2048xf32, #tpu.memory_space<vmem>>, vector<16xf32>,
    %get3A_1699 = vector.shape_cast %get3A_1698 : vector<16xf32> to vector<16xf32>
    %get3A_1700 = arith.constant 208 : index
    %get3A_1701 = tpu.vector_load %arg9[%get3A_1700] {strides = array<i32>} : memref<2048xf32, #tpu.memory_space<vmem>>, vector<16xf32>,
    %get3A_1702 = vector.shape_cast %get3A_1701 : vector<16xf32> to vector<16xf32>
    %sub3A_1703 = arith.subf %get3A_1699, %get3A_1702 : vector<16xf32>
    %abs3A_1704 = math.absf %sub3A_1703 : vector<16xf32>
    %add3A_1705 = arith.addf %add3A_1696, %abs3A_1704 : vector<16xf32>
    %get3A_1706 = arith.constant 224 : index
    %get3A_1707 = tpu.vector_load %arg8[%get3A_1706] {strides = array<i32>} : memref<2048xf32, #tpu.memory_space<vmem>>, vector<16xf32>,
    %get3A_1708 = vector.shape_cast %get3A_1707 : vector<16xf32> to vector<16xf32>
    %get3A_1709 = arith.constant 224 : index
    %get3A_1710 = tpu.vector_load %arg9[%get3A_1709] {strides = array<i32>} : memref<2048xf32, #tpu.memory_space<vmem>>, vector<16xf32>,
    %get3A_1711 = vector.shape_cast %get3A_1710 : vector<16xf32> to vector<16xf32>
    %sub3A_1712 = arith.subf %get3A_1708, %get3A_1711 : vector<16xf32>
    %abs3A_1713 = math.absf %sub3A_1712 : vector<16xf32>
    %add3A_1714 = arith.addf %add3A_1705, %abs3A_1713 : vector<16xf32>
    %get3A_1715 = arith.constant 240 : index
    %get3A_1716 = tpu.vector_load %arg8[%get3A_1715] {strides = array<i32>} : memref<2048xf32, #tpu.memory_space<vmem>>, vector<16xf32>,
    %get3A_1717 = vector.shape_cast %get3A_1716 : vector<16xf32> to vector<16xf32>
    %get3A_1718 = arith.constant 240 : index
    %get3A_1719 = tpu.vector_load %arg9[%get3A_1718] {strides = array<i32>} : memref<2048xf32, #tpu.memory_space<vmem>>, vector<16xf32>,
    %get3A_1720 = vector.shape_cast %get3A_1719 : vector<16xf32> to vector<16xf32>
    %sub3A_1721 = arith.subf %get3A_1717, %get3A_1720 : vector<16xf32>
    %abs3A_1722 = math.absf %sub3A_1721 : vector<16xf32>
    %add3A_1723 = arith.addf %add3A_1714, %abs3A_1722 : vector<16xf32>
    %get3A_1724 = arith.constant 256 : index
    %get3A_1725 = tpu.vector_load %arg8[%get3A_1724] {strides = array<i32>} : memref<2048xf32, #tpu.memory_space<vmem>>, vector<16xf32>,
    %get3A_1726 = vector.shape_cast %get3A_1725 : vector<16xf32> to vector<16xf32>
    %get3A_1727 = arith.constant 256 : index
    %get3A_1728 = tpu.vector_load %arg9[%get3A_1727] {strides = array<i32>} : memref<2048xf32, #tpu.memory_space<vmem>>, vector<16xf32>,
    %get3A_1729 = vector.shape_cast %get3A_1728 : vector<16xf32> to vector<16xf32>
    %sub3A_1730 = arith.subf %get3A_1726, %get3A_1729 : vector<16xf32>
    %abs3A_1731 = math.absf %sub3A_1730 : vector<16xf32>
    %add3A_1732 = arith.addf %add3A_1723, %abs3A_1731 : vector<16xf32>
    %get3A_1733 = arith.constant 272 : index
    %get3A_1734 = tpu.vector_load %arg8[%get3A_1733] {strides = array<i32>} : memref<2048xf32, #tpu.memory_space<vmem>>, vector<16xf32>,
    %get3A_1735 = vector.shape_cast %get3A_1734 : vector<16xf32> to vector<16xf32>
    %get3A_1736 = arith.constant 272 : index
    %get3A_1737 = tpu.vector_load %arg9[%get3A_1736] {strides = array<i32>} : memref<2048xf32, #tpu.memory_space<vmem>>, vector<16xf32>,
    %get3A_1738 = vector.shape_cast %get3A_1737 : vector<16xf32> to vector<16xf32>
    %sub3A_1739 = arith.subf %get3A_1735, %get3A_1738 : vector<16xf32>
    %abs3A_1740 = math.absf %sub3A_1739 : vector<16xf32>
    %add3A_1741 = arith.addf %add3A_1732, %abs3A_1740 : vector<16xf32>
    %get3A_1742 = arith.constant 288 : index
    %get3A_1743 = tpu.vector_load %arg8[%get3A_1742] {strides = array<i32>} : memref<2048xf32, #tpu.memory_space<vmem>>, vector<16xf32>,
    %get3A_1744 = vector.shape_cast %get3A_1743 : vector<16xf32> to vector<16xf32>
    %get3A_1745 = arith.constant 288 : index
    %get3A_1746 = tpu.vector_load %arg9[%get3A_1745] {strides = array<i32>} : memref<2048xf32, #tpu.memory_space<vmem>>, vector<16xf32>,
    %get3A_1747 = vector.shape_cast %get3A_1746 : vector<16xf32> to vector<16xf32>
    %sub3A_1748 = arith.subf %get3A_1744, %get3A_1747 : vector<16xf32>
    %abs3A_1749 = math.absf %sub3A_1748 : vector<16xf32>
    %add3A_1750 = arith.addf %add3A_1741, %abs3A_1749 : vector<16xf32>
    %get3A_1751 = arith.constant 304 : index
    %get3A_1752 = tpu.vector_load %arg8[%get3A_1751] {strides = array<i32>} : memref<2048xf32, #tpu.memory_space<vmem>>, vector<16xf32>,
    %get3A_1753 = vector.shape_cast %get3A_1752 : vector<16xf32> to vector<16xf32>
    %get3A_1754 = arith.constant 304 : index
    %get3A_1755 = tpu.vector_load %arg9[%get3A_1754] {strides = array<i32>} : memref<2048xf32, #tpu.memory_space<vmem>>, vector<16xf32>,
    %get3A_1756 = vector.shape_cast %get3A_1755 : vector<16xf32> to vector<16xf32>
    %sub3A_1757 = arith.subf %get3A_1753, %get3A_1756 : vector<16xf32>
    %abs3A_1758 = math.absf %sub3A_1757 : vector<16xf32>
    %add3A_1759 = arith.addf %add3A_1750, %abs3A_1758 : vector<16xf32>
    %get3A_1760 = arith.constant 320 : index
    %get3A_1761 = tpu.vector_load %arg8[%get3A_1760] {strides = array<i32>} : memref<2048xf32, #tpu.memory_space<vmem>>, vector<16xf32>,
    %get3A_1762 = vector.shape_cast %get3A_1761 : vector<16xf32> to vector<16xf32>
    %get3A_1763 = arith.constant 320 : index
    %get3A_1764 = tpu.vector_load %arg9[%get3A_1763] {strides = array<i32>} : memref<2048xf32, #tpu.memory_space<vmem>>, vector<16xf32>,
    %get3A_1765 = vector.shape_cast %get3A_1764 : vector<16xf32> to vector<16xf32>
    %sub3A_1766 = arith.subf %get3A_1762, %get3A_1765 : vector<16xf32>
    %abs3A_1767 = math.absf %sub3A_1766 : vector<16xf32>
    %add3A_1768 = arith.addf %add3A_1759, %abs3A_1767 : vector<16xf32>
    %get3A_1769 = arith.constant 336 : index
    %get3A_1770 = tpu.vector_load %arg8[%get3A_1769] {strides = array<i32>} : memref<2048xf32, #tpu.memory_space<vmem>>, vector<16xf32>,
    %get3A_1771 = vector.shape_cast %get3A_1770 : vector<16xf32> to vector<16xf32>
    %get3A_1772 = arith.constant 336 : index
    %get3A_1773 = tpu.vector_load %arg9[%get3A_1772] {strides = array<i32>} : memref<2048xf32, #tpu.memory_space<vmem>>, vector<16xf32>,
    %get3A_1774 = vector.shape_cast %get3A_1773 : vector<16xf32> to vector<16xf32>
    %sub3A_1775 = arith.subf %get3A_1771, %get3A_1774 : vector<16xf32>
    %abs3A_1776 = math.absf %sub3A_1775 : vector<16xf32>
    %add3A_1777 = arith.addf %add3A_1768, %abs3A_1776 : vector<16xf32>
    %get3A_1778 = arith.constant 352 : index
    %get3A_1779 = tpu.vector_load %arg8[%get3A_1778] {strides = array<i32>} : memref<2048xf32, #tpu.memory_space<vmem>>, vector<16xf32>,
    %get3A_1780 = vector.shape_cast %get3A_1779 : vector<16xf32> to vector<16xf32>
    %get3A_1781 = arith.constant 352 : index
    %get3A_1782 = tpu.vector_load %arg9[%get3A_1781] {strides = array<i32>} : memref<2048xf32, #tpu.memory_space<vmem>>, vector<16xf32>,
    %get3A_1783 = vector.shape_cast %get3A_1782 : vector<16xf32> to vector<16xf32>
    %sub3A_1784 = arith.subf %get3A_1780, %get3A_1783 : vector<16xf32>
    %abs3A_1785 = math.absf %sub3A_1784 : vector<16xf32>
    %add3A_1786 = arith.addf %add3A_1777, %abs3A_1785 : vector<16xf32>
    %get3A_1787 = arith.constant 368 : index
    %get3A_1788 = tpu.vector_load %arg8[%get3A_1787] {strides = array<i32>} : memref<2048xf32, #tpu.memory_space<vmem>>, vector<16xf32>,
    %get3A_1789 = vector.shape_cast %get3A_1788 : vector<16xf32> to vector<16xf32>
    %get3A_1790 = arith.constant 368 : index
    %get3A_1791 = tpu.vector_load %arg9[%get3A_1790] {strides = array<i32>} : memref<2048xf32, #tpu.memory_space<vmem>>, vector<16xf32>,
    %get3A_1792 = vector.shape_cast %get3A_1791 : vector<16xf32> to vector<16xf32>
    %sub3A_1793 = arith.subf %get3A_1789, %get3A_1792 : vector<16xf32>
    %abs3A_1794 = math.absf %sub3A_1793 : vector<16xf32>
    %add3A_1795 = arith.addf %add3A_1786, %abs3A_1794 : vector<16xf32>
    %get3A_1796 = arith.constant 384 : index
    %get3A_1797 = tpu.vector_load %arg8[%get3A_1796] {strides = array<i32>} : memref<2048xf32, #tpu.memory_space<vmem>>, vector<16xf32>,
    %get3A_1798 = vector.shape_cast %get3A_1797 : vector<16xf32> to vector<16xf32>
    %get3A_1799 = arith.constant 384 : index
    %get3A_1800 = tpu.vector_load %arg9[%get3A_1799] {strides = array<i32>} : memref<2048xf32, #tpu.memory_space<vmem>>, vector<16xf32>,
    %get3A_1801 = vector.shape_cast %get3A_1800 : vector<16xf32> to vector<16xf32>
    %sub3A_1802 = arith.subf %get3A_1798, %get3A_1801 : vector<16xf32>
    %abs3A_1803 = math.absf %sub3A_1802 : vector<16xf32>
    %add3A_1804 = arith.addf %add3A_1795, %abs3A_1803 : vector<16xf32>
    %get3A_1805 = arith.constant 400 : index
    %get3A_1806 = tpu.vector_load %arg8[%get3A_1805] {strides = array<i32>} : memref<2048xf32, #tpu.memory_space<vmem>>, vector<16xf32>,
    %get3A_1807 = vector.shape_cast %get3A_1806 : vector<16xf32> to vector<16xf32>
    %get3A_1808 = arith.constant 400 : index
    %get3A_1809 = tpu.vector_load %arg9[%get3A_1808] {strides = array<i32>} : memref<2048xf32, #tpu.memory_space<vmem>>, vector<16xf32>,
    %get3A_1810 = vector.shape_cast %get3A_1809 : vector<16xf32> to vector<16xf32>
    %sub3A_1811 = arith.subf %get3A_1807, %get3A_1810 : vector<16xf32>
    %abs3A_1812 = math.absf %sub3A_1811 : vector<16xf32>
    %add3A_1813 = arith.addf %add3A_1804, %abs3A_1812 : vector<16xf32>
    %get3A_1814 = arith.constant 416 : index
    %get3A_1815 = tpu.vector_load %arg8[%get3A_1814] {strides = array<i32>} : memref<2048xf32, #tpu.memory_space<vmem>>, vector<16xf32>,
    %get3A_1816 = vector.shape_cast %get3A_1815 : vector<16xf32> to vector<16xf32>
    %get3A_1817 = arith.constant 416 : index
    %get3A_1818 = tpu.vector_load %arg9[%get3A_1817] {strides = array<i32>} : memref<2048xf32, #tpu.memory_space<vmem>>, vector<16xf32>,
    %get3A_1819 = vector.shape_cast %get3A_1818 : vector<16xf32> to vector<16xf32>
    %sub3A_1820 = arith.subf %get3A_1816, %get3A_1819 : vector<16xf32>
    %abs3A_1821 = math.absf %sub3A_1820 : vector<16xf32>
    %add3A_1822 = arith.addf %add3A_1813, %abs3A_1821 : vector<16xf32>
    %get3A_1823 = arith.constant 432 : index
    %get3A_1824 = tpu.vector_load %arg8[%get3A_1823] {strides = array<i32>} : memref<2048xf32, #tpu.memory_space<vmem>>, vector<16xf32>,
    %get3A_1825 = vector.shape_cast %get3A_1824 : vector<16xf32> to vector<16xf32>
    %get3A_1826 = arith.constant 432 : index
    %get3A_1827 = tpu.vector_load %arg9[%get3A_1826] {strides = array<i32>} : memref<2048xf32, #tpu.memory_space<vmem>>, vector<16xf32>,
    %get3A_1828 = vector.shape_cast %get3A_1827 : vector<16xf32> to vector<16xf32>
    %sub3A_1829 = arith.subf %get3A_1825, %get3A_1828 : vector<16xf32>
    %abs3A_1830 = math.absf %sub3A_1829 : vector<16xf32>
    %add3A_1831 = arith.addf %add3A_1822, %abs3A_1830 : vector<16xf32>
    %get3A_1832 = arith.constant 448 : index
    %get3A_1833 = tpu.vector_load %arg8[%get3A_1832] {strides = array<i32>} : memref<2048xf32, #tpu.memory_space<vmem>>, vector<16xf32>,
    %get3A_1834 = vector.shape_cast %get3A_1833 : vector<16xf32> to vector<16xf32>
    %get3A_1835 = arith.constant 448 : index
    %get3A_1836 = tpu.vector_load %arg9[%get3A_1835] {strides = array<i32>} : memref<2048xf32, #tpu.memory_space<vmem>>, vector<16xf32>,
    %get3A_1837 = vector.shape_cast %get3A_1836 : vector<16xf32> to vector<16xf32>
    %sub3A_1838 = arith.subf %get3A_1834, %get3A_1837 : vector<16xf32>
    %abs3A_1839 = math.absf %sub3A_1838 : vector<16xf32>
    %add3A_1840 = arith.addf %add3A_1831, %abs3A_1839 : vector<16xf32>
    %get3A_1841 = arith.constant 464 : index
    %get3A_1842 = tpu.vector_load %arg8[%get3A_1841] {strides = array<i32>} : memref<2048xf32, #tpu.memory_space<vmem>>, vector<16xf32>,
    %get3A_1843 = vector.shape_cast %get3A_1842 : vector<16xf32> to vector<16xf32>
    %get3A_1844 = arith.constant 464 : index
    %get3A_1845 = tpu.vector_load %arg9[%get3A_1844] {strides = array<i32>} : memref<2048xf32, #tpu.memory_space<vmem>>, vector<16xf32>,
    %get3A_1846 = vector.shape_cast %get3A_1845 : vector<16xf32> to vector<16xf32>
    %sub3A_1847 = arith.subf %get3A_1843, %get3A_1846 : vector<16xf32>
    %abs3A_1848 = math.absf %sub3A_1847 : vector<16xf32>
    %add3A_1849 = arith.addf %add3A_1840, %abs3A_1848 : vector<16xf32>
    %get3A_1850 = arith.constant 480 : index
    %get3A_1851 = tpu.vector_load %arg8[%get3A_1850] {strides = array<i32>} : memref<2048xf32, #tpu.memory_space<vmem>>, vector<16xf32>,
    %get3A_1852 = vector.shape_cast %get3A_1851 : vector<16xf32> to vector<16xf32>
    %get3A_1853 = arith.constant 480 : index
    %get3A_1854 = tpu.vector_load %arg9[%get3A_1853] {strides = array<i32>} : memref<2048xf32, #tpu.memory_space<vmem>>, vector<16xf32>,
    %get3A_1855 = vector.shape_cast %get3A_1854 : vector<16xf32> to vector<16xf32>
    %sub3A_1856 = arith.subf %get3A_1852, %get3A_1855 : vector<16xf32>
    %abs3A_1857 = math.absf %sub3A_1856 : vector<16xf32>
    %add3A_1858 = arith.addf %add3A_1849, %abs3A_1857 : vector<16xf32>
    %get3A_1859 = arith.constant 496 : index
    %get3A_1860 = tpu.vector_load %arg8[%get3A_1859] {strides = array<i32>} : memref<2048xf32, #tpu.memory_space<vmem>>, vector<16xf32>,
    %get3A_1861 = vector.shape_cast %get3A_1860 : vector<16xf32> to vector<16xf32>
    %get3A_1862 = arith.constant 496 : index
    %get3A_1863 = tpu.vector_load %arg9[%get3A_1862] {strides = array<i32>} : memref<2048xf32, #tpu.memory_space<vmem>>, vector<16xf32>,
    %get3A_1864 = vector.shape_cast %get3A_1863 : vector<16xf32> to vector<16xf32>
    %sub3A_1865 = arith.subf %get3A_1861, %get3A_1864 : vector<16xf32>
    %abs3A_1866 = math.absf %sub3A_1865 : vector<16xf32>
    %add3A_1867 = arith.addf %add3A_1858, %abs3A_1866 : vector<16xf32>
    %dma_wait3A_1868 = arith.constant 512 : i32
    %dma_wait3A_1869 = tpu.memref_slice %arg8[%dma_wait3A_1868] : memref<2048xf32, #tpu.memory_space<vmem>> -> memref<512xf32, #tpu.memory_space<vmem>>
    %dma_wait3A_1870 = arith.constant 512 : i32
    %dma_wait3A_1871 = tpu.memref_slice %arg7[%dma_wait3A_1870] : memref<2048xi32, #tpu.memory_space<vmem>> -> memref<512xi32, #tpu.memory_space<vmem>>
    %dma_wait3A_1872 = arith.constant 0 : i32
    %dma_wait3A_1873 = tpu.memref_slice %arg2[%dma_wait3A_1872] : memref<33619968xf32, #tpu.memory_space<hbm>> -> memref<33619968xf32, #tpu.memory_space<hbm>>
    tpu.wait_indirect_dma semaphore(%arg11 : memref<!tpu.dma_semaphore, #tpu.memory_space<semaphore_mem>>) src(%dma_wait3A_1873 : memref<33619968xf32, #tpu.memory_space<hbm>>) dst(%dma_wait3A_1869 : memref<512xf32, #tpu.memory_space<vmem>>)
    %dma_wait3A_1874 = arith.constant 512 : i32
    %dma_wait3A_1875 = tpu.memref_slice %arg9[%dma_wait3A_1874] : memref<2048xf32, #tpu.memory_space<vmem>> -> memref<512xf32, #tpu.memory_space<vmem>>
    %dma_wait3A_1876 = arith.constant 512 : i32
    %dma_wait3A_1877 = tpu.memref_slice %arg7[%dma_wait3A_1876] : memref<2048xi32, #tpu.memory_space<vmem>> -> memref<512xi32, #tpu.memory_space<vmem>>
    %dma_wait3A_1878 = arith.constant 0 : i32
    %dma_wait3A_1879 = tpu.memref_slice %arg3[%dma_wait3A_1878] : memref<33619968xf32, #tpu.memory_space<hbm>> -> memref<33619968xf32, #tpu.memory_space<hbm>>
    tpu.wait_indirect_dma semaphore(%arg11 : memref<!tpu.dma_semaphore, #tpu.memory_space<semaphore_mem>>) src(%dma_wait3A_1879 : memref<33619968xf32, #tpu.memory_space<hbm>>) dst(%dma_wait3A_1875 : memref<512xf32, #tpu.memory_space<vmem>>)
    %get3A_1880 = arith.constant 512 : index
    %get3A_1881 = tpu.vector_load %arg8[%get3A_1880] {strides = array<i32>} : memref<2048xf32, #tpu.memory_space<vmem>>, vector<16xf32>,
    %get3A_1882 = vector.shape_cast %get3A_1881 : vector<16xf32> to vector<16xf32>
    %get3A_1883 = arith.constant 512 : index
    %get3A_1884 = tpu.vector_load %arg9[%get3A_1883] {strides = array<i32>} : memref<2048xf32, #tpu.memory_space<vmem>>, vector<16xf32>,
    %get3A_1885 = vector.shape_cast %get3A_1884 : vector<16xf32> to vector<16xf32>
    %sub3A_1886 = arith.subf %get3A_1882, %get3A_1885 : vector<16xf32>
    %abs3A_1887 = math.absf %sub3A_1886 : vector<16xf32>
    %add3A_1888 = arith.addf %add3A_1867, %abs3A_1887 : vector<16xf32>
    %get3A_1889 = arith.constant 528 : index
    %get3A_1890 = tpu.vector_load %arg8[%get3A_1889] {strides = array<i32>} : memref<2048xf32, #tpu.memory_space<vmem>>, vector<16xf32>,
    %get3A_1891 = vector.shape_cast %get3A_1890 : vector<16xf32> to vector<16xf32>
    %get3A_1892 = arith.constant 528 : index
    %get3A_1893 = tpu.vector_load %arg9[%get3A_1892] {strides = array<i32>} : memref<2048xf32, #tpu.memory_space<vmem>>, vector<16xf32>,
    %get3A_1894 = vector.shape_cast %get3A_1893 : vector<16xf32> to vector<16xf32>
    %sub3A_1895 = arith.subf %get3A_1891, %get3A_1894 : vector<16xf32>
    %abs3A_1896 = math.absf %sub3A_1895 : vector<16xf32>
    %add3A_1897 = arith.addf %add3A_1888, %abs3A_1896 : vector<16xf32>
    %get3A_1898 = arith.constant 544 : index
    %get3A_1899 = tpu.vector_load %arg8[%get3A_1898] {strides = array<i32>} : memref<2048xf32, #tpu.memory_space<vmem>>, vector<16xf32>,
    %get3A_1900 = vector.shape_cast %get3A_1899 : vector<16xf32> to vector<16xf32>
    %get3A_1901 = arith.constant 544 : index
    %get3A_1902 = tpu.vector_load %arg9[%get3A_1901] {strides = array<i32>} : memref<2048xf32, #tpu.memory_space<vmem>>, vector<16xf32>,
    %get3A_1903 = vector.shape_cast %get3A_1902 : vector<16xf32> to vector<16xf32>
    %sub3A_1904 = arith.subf %get3A_1900, %get3A_1903 : vector<16xf32>
    %abs3A_1905 = math.absf %sub3A_1904 : vector<16xf32>
    %add3A_1906 = arith.addf %add3A_1897, %abs3A_1905 : vector<16xf32>
    %get3A_1907 = arith.constant 560 : index
    %get3A_1908 = tpu.vector_load %arg8[%get3A_1907] {strides = array<i32>} : memref<2048xf32, #tpu.memory_space<vmem>>, vector<16xf32>,
    %get3A_1909 = vector.shape_cast %get3A_1908 : vector<16xf32> to vector<16xf32>
    %get3A_1910 = arith.constant 560 : index
    %get3A_1911 = tpu.vector_load %arg9[%get3A_1910] {strides = array<i32>} : memref<2048xf32, #tpu.memory_space<vmem>>, vector<16xf32>,
    %get3A_1912 = vector.shape_cast %get3A_1911 : vector<16xf32> to vector<16xf32>
    %sub3A_1913 = arith.subf %get3A_1909, %get3A_1912 : vector<16xf32>
    %abs3A_1914 = math.absf %sub3A_1913 : vector<16xf32>
    %add3A_1915 = arith.addf %add3A_1906, %abs3A_1914 : vector<16xf32>
    %get3A_1916 = arith.constant 576 : index
    %get3A_1917 = tpu.vector_load %arg8[%get3A_1916] {strides = array<i32>} : memref<2048xf32, #tpu.memory_space<vmem>>, vector<16xf32>,
    %get3A_1918 = vector.shape_cast %get3A_1917 : vector<16xf32> to vector<16xf32>
    %get3A_1919 = arith.constant 576 : index
    %get3A_1920 = tpu.vector_load %arg9[%get3A_1919] {strides = array<i32>} : memref<2048xf32, #tpu.memory_space<vmem>>, vector<16xf32>,
    %get3A_1921 = vector.shape_cast %get3A_1920 : vector<16xf32> to vector<16xf32>
    %sub3A_1922 = arith.subf %get3A_1918, %get3A_1921 : vector<16xf32>
    %abs3A_1923 = math.absf %sub3A_1922 : vector<16xf32>
    %add3A_1924 = arith.addf %add3A_1915, %abs3A_1923 : vector<16xf32>
    %get3A_1925 = arith.constant 592 : index
    %get3A_1926 = tpu.vector_load %arg8[%get3A_1925] {strides = array<i32>} : memref<2048xf32, #tpu.memory_space<vmem>>, vector<16xf32>,
    %get3A_1927 = vector.shape_cast %get3A_1926 : vector<16xf32> to vector<16xf32>
    %get3A_1928 = arith.constant 592 : index
    %get3A_1929 = tpu.vector_load %arg9[%get3A_1928] {strides = array<i32>} : memref<2048xf32, #tpu.memory_space<vmem>>, vector<16xf32>,
    %get3A_1930 = vector.shape_cast %get3A_1929 : vector<16xf32> to vector<16xf32>
    %sub3A_1931 = arith.subf %get3A_1927, %get3A_1930 : vector<16xf32>
    %abs3A_1932 = math.absf %sub3A_1931 : vector<16xf32>
    %add3A_1933 = arith.addf %add3A_1924, %abs3A_1932 : vector<16xf32>
    %get3A_1934 = arith.constant 608 : index
    %get3A_1935 = tpu.vector_load %arg8[%get3A_1934] {strides = array<i32>} : memref<2048xf32, #tpu.memory_space<vmem>>, vector<16xf32>,
    %get3A_1936 = vector.shape_cast %get3A_1935 : vector<16xf32> to vector<16xf32>
    %get3A_1937 = arith.constant 608 : index
    %get3A_1938 = tpu.vector_load %arg9[%get3A_1937] {strides = array<i32>} : memref<2048xf32, #tpu.memory_space<vmem>>, vector<16xf32>,
    %get3A_1939 = vector.shape_cast %get3A_1938 : vector<16xf32> to vector<16xf32>
    %sub3A_1940 = arith.subf %get3A_1936, %get3A_1939 : vector<16xf32>
    %abs3A_1941 = math.absf %sub3A_1940 : vector<16xf32>
    %add3A_1942 = arith.addf %add3A_1933, %abs3A_1941 : vector<16xf32>
    %get3A_1943 = arith.constant 624 : index
    %get3A_1944 = tpu.vector_load %arg8[%get3A_1943] {strides = array<i32>} : memref<2048xf32, #tpu.memory_space<vmem>>, vector<16xf32>,
    %get3A_1945 = vector.shape_cast %get3A_1944 : vector<16xf32> to vector<16xf32>
    %get3A_1946 = arith.constant 624 : index
    %get3A_1947 = tpu.vector_load %arg9[%get3A_1946] {strides = array<i32>} : memref<2048xf32, #tpu.memory_space<vmem>>, vector<16xf32>,
    %get3A_1948 = vector.shape_cast %get3A_1947 : vector<16xf32> to vector<16xf32>
    %sub3A_1949 = arith.subf %get3A_1945, %get3A_1948 : vector<16xf32>
    %abs3A_1950 = math.absf %sub3A_1949 : vector<16xf32>
    %add3A_1951 = arith.addf %add3A_1942, %abs3A_1950 : vector<16xf32>
    %get3A_1952 = arith.constant 640 : index
    %get3A_1953 = tpu.vector_load %arg8[%get3A_1952] {strides = array<i32>} : memref<2048xf32, #tpu.memory_space<vmem>>, vector<16xf32>,
    %get3A_1954 = vector.shape_cast %get3A_1953 : vector<16xf32> to vector<16xf32>
    %get3A_1955 = arith.constant 640 : index
    %get3A_1956 = tpu.vector_load %arg9[%get3A_1955] {strides = array<i32>} : memref<2048xf32, #tpu.memory_space<vmem>>, vector<16xf32>,
    %get3A_1957 = vector.shape_cast %get3A_1956 : vector<16xf32> to vector<16xf32>
    %sub3A_1958 = arith.subf %get3A_1954, %get3A_1957 : vector<16xf32>
    %abs3A_1959 = math.absf %sub3A_1958 : vector<16xf32>
    %add3A_1960 = arith.addf %add3A_1951, %abs3A_1959 : vector<16xf32>
    %get3A_1961 = arith.constant 656 : index
    %get3A_1962 = tpu.vector_load %arg8[%get3A_1961] {strides = array<i32>} : memref<2048xf32, #tpu.memory_space<vmem>>, vector<16xf32>,
    %get3A_1963 = vector.shape_cast %get3A_1962 : vector<16xf32> to vector<16xf32>
    %get3A_1964 = arith.constant 656 : index
    %get3A_1965 = tpu.vector_load %arg9[%get3A_1964] {strides = array<i32>} : memref<2048xf32, #tpu.memory_space<vmem>>, vector<16xf32>,
    %get3A_1966 = vector.shape_cast %get3A_1965 : vector<16xf32> to vector<16xf32>
    %sub3A_1967 = arith.subf %get3A_1963, %get3A_1966 : vector<16xf32>
    %abs3A_1968 = math.absf %sub3A_1967 : vector<16xf32>
    %add3A_1969 = arith.addf %add3A_1960, %abs3A_1968 : vector<16xf32>
    %get3A_1970 = arith.constant 672 : index
    %get3A_1971 = tpu.vector_load %arg8[%get3A_1970] {strides = array<i32>} : memref<2048xf32, #tpu.memory_space<vmem>>, vector<16xf32>,
    %get3A_1972 = vector.shape_cast %get3A_1971 : vector<16xf32> to vector<16xf32>
    %get3A_1973 = arith.constant 672 : index
    %get3A_1974 = tpu.vector_load %arg9[%get3A_1973] {strides = array<i32>} : memref<2048xf32, #tpu.memory_space<vmem>>, vector<16xf32>,
    %get3A_1975 = vector.shape_cast %get3A_1974 : vector<16xf32> to vector<16xf32>
    %sub3A_1976 = arith.subf %get3A_1972, %get3A_1975 : vector<16xf32>
    %abs3A_1977 = math.absf %sub3A_1976 : vector<16xf32>
    %add3A_1978 = arith.addf %add3A_1969, %abs3A_1977 : vector<16xf32>
    %get3A_1979 = arith.constant 688 : index
    %get3A_1980 = tpu.vector_load %arg8[%get3A_1979] {strides = array<i32>} : memref<2048xf32, #tpu.memory_space<vmem>>, vector<16xf32>,
    %get3A_1981 = vector.shape_cast %get3A_1980 : vector<16xf32> to vector<16xf32>
    %get3A_1982 = arith.constant 688 : index
    %get3A_1983 = tpu.vector_load %arg9[%get3A_1982] {strides = array<i32>} : memref<2048xf32, #tpu.memory_space<vmem>>, vector<16xf32>,
    %get3A_1984 = vector.shape_cast %get3A_1983 : vector<16xf32> to vector<16xf32>
    %sub3A_1985 = arith.subf %get3A_1981, %get3A_1984 : vector<16xf32>
    %abs3A_1986 = math.absf %sub3A_1985 : vector<16xf32>
    %add3A_1987 = arith.addf %add3A_1978, %abs3A_1986 : vector<16xf32>
    %get3A_1988 = arith.constant 704 : index
    %get3A_1989 = tpu.vector_load %arg8[%get3A_1988] {strides = array<i32>} : memref<2048xf32, #tpu.memory_space<vmem>>, vector<16xf32>,
    %get3A_1990 = vector.shape_cast %get3A_1989 : vector<16xf32> to vector<16xf32>
    %get3A_1991 = arith.constant 704 : index
    %get3A_1992 = tpu.vector_load %arg9[%get3A_1991] {strides = array<i32>} : memref<2048xf32, #tpu.memory_space<vmem>>, vector<16xf32>,
    %get3A_1993 = vector.shape_cast %get3A_1992 : vector<16xf32> to vector<16xf32>
    %sub3A_1994 = arith.subf %get3A_1990, %get3A_1993 : vector<16xf32>
    %abs3A_1995 = math.absf %sub3A_1994 : vector<16xf32>
    %add3A_1996 = arith.addf %add3A_1987, %abs3A_1995 : vector<16xf32>
    %get3A_1997 = arith.constant 720 : index
    %get3A_1998 = tpu.vector_load %arg8[%get3A_1997] {strides = array<i32>} : memref<2048xf32, #tpu.memory_space<vmem>>, vector<16xf32>,
    %get3A_1999 = vector.shape_cast %get3A_1998 : vector<16xf32> to vector<16xf32>
    %get3A_2000 = arith.constant 720 : index
    %get3A_2001 = tpu.vector_load %arg9[%get3A_2000] {strides = array<i32>} : memref<2048xf32, #tpu.memory_space<vmem>>, vector<16xf32>,
    %get3A_2002 = vector.shape_cast %get3A_2001 : vector<16xf32> to vector<16xf32>
    %sub3A_2003 = arith.subf %get3A_1999, %get3A_2002 : vector<16xf32>
    %abs3A_2004 = math.absf %sub3A_2003 : vector<16xf32>
    %add3A_2005 = arith.addf %add3A_1996, %abs3A_2004 : vector<16xf32>
    %get3A_2006 = arith.constant 736 : index
    %get3A_2007 = tpu.vector_load %arg8[%get3A_2006] {strides = array<i32>} : memref<2048xf32, #tpu.memory_space<vmem>>, vector<16xf32>,
    %get3A_2008 = vector.shape_cast %get3A_2007 : vector<16xf32> to vector<16xf32>
    %get3A_2009 = arith.constant 736 : index
    %get3A_2010 = tpu.vector_load %arg9[%get3A_2009] {strides = array<i32>} : memref<2048xf32, #tpu.memory_space<vmem>>, vector<16xf32>,
    %get3A_2011 = vector.shape_cast %get3A_2010 : vector<16xf32> to vector<16xf32>
    %sub3A_2012 = arith.subf %get3A_2008, %get3A_2011 : vector<16xf32>
    %abs3A_2013 = math.absf %sub3A_2012 : vector<16xf32>
    %add3A_2014 = arith.addf %add3A_2005, %abs3A_2013 : vector<16xf32>
    %get3A_2015 = arith.constant 752 : index
    %get3A_2016 = tpu.vector_load %arg8[%get3A_2015] {strides = array<i32>} : memref<2048xf32, #tpu.memory_space<vmem>>, vector<16xf32>,
    %get3A_2017 = vector.shape_cast %get3A_2016 : vector<16xf32> to vector<16xf32>
    %get3A_2018 = arith.constant 752 : index
    %get3A_2019 = tpu.vector_load %arg9[%get3A_2018] {strides = array<i32>} : memref<2048xf32, #tpu.memory_space<vmem>>, vector<16xf32>,
    %get3A_2020 = vector.shape_cast %get3A_2019 : vector<16xf32> to vector<16xf32>
    %sub3A_2021 = arith.subf %get3A_2017, %get3A_2020 : vector<16xf32>
    %abs3A_2022 = math.absf %sub3A_2021 : vector<16xf32>
    %add3A_2023 = arith.addf %add3A_2014, %abs3A_2022 : vector<16xf32>
    %get3A_2024 = arith.constant 768 : index
    %get3A_2025 = tpu.vector_load %arg8[%get3A_2024] {strides = array<i32>} : memref<2048xf32, #tpu.memory_space<vmem>>, vector<16xf32>,
    %get3A_2026 = vector.shape_cast %get3A_2025 : vector<16xf32> to vector<16xf32>
    %get3A_2027 = arith.constant 768 : index
    %get3A_2028 = tpu.vector_load %arg9[%get3A_2027] {strides = array<i32>} : memref<2048xf32, #tpu.memory_space<vmem>>, vector<16xf32>,
    %get3A_2029 = vector.shape_cast %get3A_2028 : vector<16xf32> to vector<16xf32>
    %sub3A_2030 = arith.subf %get3A_2026, %get3A_2029 : vector<16xf32>
    %abs3A_2031 = math.absf %sub3A_2030 : vector<16xf32>
    %add3A_2032 = arith.addf %add3A_2023, %abs3A_2031 : vector<16xf32>
    %get3A_2033 = arith.constant 784 : index
    %get3A_2034 = tpu.vector_load %arg8[%get3A_2033] {strides = array<i32>} : memref<2048xf32, #tpu.memory_space<vmem>>, vector<16xf32>,
    %get3A_2035 = vector.shape_cast %get3A_2034 : vector<16xf32> to vector<16xf32>
    %get3A_2036 = arith.constant 784 : index
    %get3A_2037 = tpu.vector_load %arg9[%get3A_2036] {strides = array<i32>} : memref<2048xf32, #tpu.memory_space<vmem>>, vector<16xf32>,
    %get3A_2038 = vector.shape_cast %get3A_2037 : vector<16xf32> to vector<16xf32>
    %sub3A_2039 = arith.subf %get3A_2035, %get3A_2038 : vector<16xf32>
    %abs3A_2040 = math.absf %sub3A_2039 : vector<16xf32>
    %add3A_2041 = arith.addf %add3A_2032, %abs3A_2040 : vector<16xf32>
    %get3A_2042 = arith.constant 800 : index
    %get3A_2043 = tpu.vector_load %arg8[%get3A_2042] {strides = array<i32>} : memref<2048xf32, #tpu.memory_space<vmem>>, vector<16xf32>,
    %get3A_2044 = vector.shape_cast %get3A_2043 : vector<16xf32> to vector<16xf32>
    %get3A_2045 = arith.constant 800 : index
    %get3A_2046 = tpu.vector_load %arg9[%get3A_2045] {strides = array<i32>} : memref<2048xf32, #tpu.memory_space<vmem>>, vector<16xf32>,
    %get3A_2047 = vector.shape_cast %get3A_2046 : vector<16xf32> to vector<16xf32>
    %sub3A_2048 = arith.subf %get3A_2044, %get3A_2047 : vector<16xf32>
    %abs3A_2049 = math.absf %sub3A_2048 : vector<16xf32>
    %add3A_2050 = arith.addf %add3A_2041, %abs3A_2049 : vector<16xf32>
    %get3A_2051 = arith.constant 816 : index
    %get3A_2052 = tpu.vector_load %arg8[%get3A_2051] {strides = array<i32>} : memref<2048xf32, #tpu.memory_space<vmem>>, vector<16xf32>,
    %get3A_2053 = vector.shape_cast %get3A_2052 : vector<16xf32> to vector<16xf32>
    %get3A_2054 = arith.constant 816 : index
    %get3A_2055 = tpu.vector_load %arg9[%get3A_2054] {strides = array<i32>} : memref<2048xf32, #tpu.memory_space<vmem>>, vector<16xf32>,
    %get3A_2056 = vector.shape_cast %get3A_2055 : vector<16xf32> to vector<16xf32>
    %sub3A_2057 = arith.subf %get3A_2053, %get3A_2056 : vector<16xf32>
    %abs3A_2058 = math.absf %sub3A_2057 : vector<16xf32>
    %add3A_2059 = arith.addf %add3A_2050, %abs3A_2058 : vector<16xf32>
    %get3A_2060 = arith.constant 832 : index
    %get3A_2061 = tpu.vector_load %arg8[%get3A_2060] {strides = array<i32>} : memref<2048xf32, #tpu.memory_space<vmem>>, vector<16xf32>,
    %get3A_2062 = vector.shape_cast %get3A_2061 : vector<16xf32> to vector<16xf32>
    %get3A_2063 = arith.constant 832 : index
    %get3A_2064 = tpu.vector_load %arg9[%get3A_2063] {strides = array<i32>} : memref<2048xf32, #tpu.memory_space<vmem>>, vector<16xf32>,
    %get3A_2065 = vector.shape_cast %get3A_2064 : vector<16xf32> to vector<16xf32>
    %sub3A_2066 = arith.subf %get3A_2062, %get3A_2065 : vector<16xf32>
    %abs3A_2067 = math.absf %sub3A_2066 : vector<16xf32>
    %add3A_2068 = arith.addf %add3A_2059, %abs3A_2067 : vector<16xf32>
    %get3A_2069 = arith.constant 848 : index
    %get3A_2070 = tpu.vector_load %arg8[%get3A_2069] {strides = array<i32>} : memref<2048xf32, #tpu.memory_space<vmem>>, vector<16xf32>,
    %get3A_2071 = vector.shape_cast %get3A_2070 : vector<16xf32> to vector<16xf32>
    %get3A_2072 = arith.constant 848 : index
    %get3A_2073 = tpu.vector_load %arg9[%get3A_2072] {strides = array<i32>} : memref<2048xf32, #tpu.memory_space<vmem>>, vector<16xf32>,
    %get3A_2074 = vector.shape_cast %get3A_2073 : vector<16xf32> to vector<16xf32>
    %sub3A_2075 = arith.subf %get3A_2071, %get3A_2074 : vector<16xf32>
    %abs3A_2076 = math.absf %sub3A_2075 : vector<16xf32>
    %add3A_2077 = arith.addf %add3A_2068, %abs3A_2076 : vector<16xf32>
    %get3A_2078 = arith.constant 864 : index
    %get3A_2079 = tpu.vector_load %arg8[%get3A_2078] {strides = array<i32>} : memref<2048xf32, #tpu.memory_space<vmem>>, vector<16xf32>,
    %get3A_2080 = vector.shape_cast %get3A_2079 : vector<16xf32> to vector<16xf32>
    %get3A_2081 = arith.constant 864 : index
    %get3A_2082 = tpu.vector_load %arg9[%get3A_2081] {strides = array<i32>} : memref<2048xf32, #tpu.memory_space<vmem>>, vector<16xf32>,
    %get3A_2083 = vector.shape_cast %get3A_2082 : vector<16xf32> to vector<16xf32>
    %sub3A_2084 = arith.subf %get3A_2080, %get3A_2083 : vector<16xf32>
    %abs3A_2085 = math.absf %sub3A_2084 : vector<16xf32>
    %add3A_2086 = arith.addf %add3A_2077, %abs3A_2085 : vector<16xf32>
    %get3A_2087 = arith.constant 880 : index
    %get3A_2088 = tpu.vector_load %arg8[%get3A_2087] {strides = array<i32>} : memref<2048xf32, #tpu.memory_space<vmem>>, vector<16xf32>,
    %get3A_2089 = vector.shape_cast %get3A_2088 : vector<16xf32> to vector<16xf32>
    %get3A_2090 = arith.constant 880 : index
    %get3A_2091 = tpu.vector_load %arg9[%get3A_2090] {strides = array<i32>} : memref<2048xf32, #tpu.memory_space<vmem>>, vector<16xf32>,
    %get3A_2092 = vector.shape_cast %get3A_2091 : vector<16xf32> to vector<16xf32>
    %sub3A_2093 = arith.subf %get3A_2089, %get3A_2092 : vector<16xf32>
    %abs3A_2094 = math.absf %sub3A_2093 : vector<16xf32>
    %add3A_2095 = arith.addf %add3A_2086, %abs3A_2094 : vector<16xf32>
    %get3A_2096 = arith.constant 896 : index
    %get3A_2097 = tpu.vector_load %arg8[%get3A_2096] {strides = array<i32>} : memref<2048xf32, #tpu.memory_space<vmem>>, vector<16xf32>,
    %get3A_2098 = vector.shape_cast %get3A_2097 : vector<16xf32> to vector<16xf32>
    %get3A_2099 = arith.constant 896 : index
    %get3A_2100 = tpu.vector_load %arg9[%get3A_2099] {strides = array<i32>} : memref<2048xf32, #tpu.memory_space<vmem>>, vector<16xf32>,
    %get3A_2101 = vector.shape_cast %get3A_2100 : vector<16xf32> to vector<16xf32>
    %sub3A_2102 = arith.subf %get3A_2098, %get3A_2101 : vector<16xf32>
    %abs3A_2103 = math.absf %sub3A_2102 : vector<16xf32>
    %add3A_2104 = arith.addf %add3A_2095, %abs3A_2103 : vector<16xf32>
    %get3A_2105 = arith.constant 912 : index
    %get3A_2106 = tpu.vector_load %arg8[%get3A_2105] {strides = array<i32>} : memref<2048xf32, #tpu.memory_space<vmem>>, vector<16xf32>,
    %get3A_2107 = vector.shape_cast %get3A_2106 : vector<16xf32> to vector<16xf32>
    %get3A_2108 = arith.constant 912 : index
    %get3A_2109 = tpu.vector_load %arg9[%get3A_2108] {strides = array<i32>} : memref<2048xf32, #tpu.memory_space<vmem>>, vector<16xf32>,
    %get3A_2110 = vector.shape_cast %get3A_2109 : vector<16xf32> to vector<16xf32>
    %sub3A_2111 = arith.subf %get3A_2107, %get3A_2110 : vector<16xf32>
    %abs3A_2112 = math.absf %sub3A_2111 : vector<16xf32>
    %add3A_2113 = arith.addf %add3A_2104, %abs3A_2112 : vector<16xf32>
    %get3A_2114 = arith.constant 928 : index
    %get3A_2115 = tpu.vector_load %arg8[%get3A_2114] {strides = array<i32>} : memref<2048xf32, #tpu.memory_space<vmem>>, vector<16xf32>,
    %get3A_2116 = vector.shape_cast %get3A_2115 : vector<16xf32> to vector<16xf32>
    %get3A_2117 = arith.constant 928 : index
    %get3A_2118 = tpu.vector_load %arg9[%get3A_2117] {strides = array<i32>} : memref<2048xf32, #tpu.memory_space<vmem>>, vector<16xf32>,
    %get3A_2119 = vector.shape_cast %get3A_2118 : vector<16xf32> to vector<16xf32>
    %sub3A_2120 = arith.subf %get3A_2116, %get3A_2119 : vector<16xf32>
    %abs3A_2121 = math.absf %sub3A_2120 : vector<16xf32>
    %add3A_2122 = arith.addf %add3A_2113, %abs3A_2121 : vector<16xf32>
    %get3A_2123 = arith.constant 944 : index
    %get3A_2124 = tpu.vector_load %arg8[%get3A_2123] {strides = array<i32>} : memref<2048xf32, #tpu.memory_space<vmem>>, vector<16xf32>,
    %get3A_2125 = vector.shape_cast %get3A_2124 : vector<16xf32> to vector<16xf32>
    %get3A_2126 = arith.constant 944 : index
    %get3A_2127 = tpu.vector_load %arg9[%get3A_2126] {strides = array<i32>} : memref<2048xf32, #tpu.memory_space<vmem>>, vector<16xf32>,
    %get3A_2128 = vector.shape_cast %get3A_2127 : vector<16xf32> to vector<16xf32>
    %sub3A_2129 = arith.subf %get3A_2125, %get3A_2128 : vector<16xf32>
    %abs3A_2130 = math.absf %sub3A_2129 : vector<16xf32>
    %add3A_2131 = arith.addf %add3A_2122, %abs3A_2130 : vector<16xf32>
    %get3A_2132 = arith.constant 960 : index
    %get3A_2133 = tpu.vector_load %arg8[%get3A_2132] {strides = array<i32>} : memref<2048xf32, #tpu.memory_space<vmem>>, vector<16xf32>,
    %get3A_2134 = vector.shape_cast %get3A_2133 : vector<16xf32> to vector<16xf32>
    %get3A_2135 = arith.constant 960 : index
    %get3A_2136 = tpu.vector_load %arg9[%get3A_2135] {strides = array<i32>} : memref<2048xf32, #tpu.memory_space<vmem>>, vector<16xf32>,
    %get3A_2137 = vector.shape_cast %get3A_2136 : vector<16xf32> to vector<16xf32>
    %sub3A_2138 = arith.subf %get3A_2134, %get3A_2137 : vector<16xf32>
    %abs3A_2139 = math.absf %sub3A_2138 : vector<16xf32>
    %add3A_2140 = arith.addf %add3A_2131, %abs3A_2139 : vector<16xf32>
    %get3A_2141 = arith.constant 976 : index
    %get3A_2142 = tpu.vector_load %arg8[%get3A_2141] {strides = array<i32>} : memref<2048xf32, #tpu.memory_space<vmem>>, vector<16xf32>,
    %get3A_2143 = vector.shape_cast %get3A_2142 : vector<16xf32> to vector<16xf32>
    %get3A_2144 = arith.constant 976 : index
    %get3A_2145 = tpu.vector_load %arg9[%get3A_2144] {strides = array<i32>} : memref<2048xf32, #tpu.memory_space<vmem>>, vector<16xf32>,
    %get3A_2146 = vector.shape_cast %get3A_2145 : vector<16xf32> to vector<16xf32>
    %sub3A_2147 = arith.subf %get3A_2143, %get3A_2146 : vector<16xf32>
    %abs3A_2148 = math.absf %sub3A_2147 : vector<16xf32>
    %add3A_2149 = arith.addf %add3A_2140, %abs3A_2148 : vector<16xf32>
    %get3A_2150 = arith.constant 992 : index
    %get3A_2151 = tpu.vector_load %arg8[%get3A_2150] {strides = array<i32>} : memref<2048xf32, #tpu.memory_space<vmem>>, vector<16xf32>,
    %get3A_2152 = vector.shape_cast %get3A_2151 : vector<16xf32> to vector<16xf32>
    %get3A_2153 = arith.constant 992 : index
    %get3A_2154 = tpu.vector_load %arg9[%get3A_2153] {strides = array<i32>} : memref<2048xf32, #tpu.memory_space<vmem>>, vector<16xf32>,
    %get3A_2155 = vector.shape_cast %get3A_2154 : vector<16xf32> to vector<16xf32>
    %sub3A_2156 = arith.subf %get3A_2152, %get3A_2155 : vector<16xf32>
    %abs3A_2157 = math.absf %sub3A_2156 : vector<16xf32>
    %add3A_2158 = arith.addf %add3A_2149, %abs3A_2157 : vector<16xf32>
    %get3A_2159 = arith.constant 1008 : index
    %get3A_2160 = tpu.vector_load %arg8[%get3A_2159] {strides = array<i32>} : memref<2048xf32, #tpu.memory_space<vmem>>, vector<16xf32>,
    %get3A_2161 = vector.shape_cast %get3A_2160 : vector<16xf32> to vector<16xf32>
    %get3A_2162 = arith.constant 1008 : index
    %get3A_2163 = tpu.vector_load %arg9[%get3A_2162] {strides = array<i32>} : memref<2048xf32, #tpu.memory_space<vmem>>, vector<16xf32>,
    %get3A_2164 = vector.shape_cast %get3A_2163 : vector<16xf32> to vector<16xf32>
    %sub3A_2165 = arith.subf %get3A_2161, %get3A_2164 : vector<16xf32>
    %abs3A_2166 = math.absf %sub3A_2165 : vector<16xf32>
    %add3A_2167 = arith.addf %add3A_2158, %abs3A_2166 : vector<16xf32>
    %dma_wait3A_2168 = arith.constant 1024 : i32
    %dma_wait3A_2169 = tpu.memref_slice %arg8[%dma_wait3A_2168] : memref<2048xf32, #tpu.memory_space<vmem>> -> memref<512xf32, #tpu.memory_space<vmem>>
    %dma_wait3A_2170 = arith.constant 1024 : i32
    %dma_wait3A_2171 = tpu.memref_slice %arg7[%dma_wait3A_2170] : memref<2048xi32, #tpu.memory_space<vmem>> -> memref<512xi32, #tpu.memory_space<vmem>>
    %dma_wait3A_2172 = arith.constant 0 : i32
    %dma_wait3A_2173 = tpu.memref_slice %arg2[%dma_wait3A_2172] : memref<33619968xf32, #tpu.memory_space<hbm>> -> memref<33619968xf32, #tpu.memory_space<hbm>>
    tpu.wait_indirect_dma semaphore(%arg11 : memref<!tpu.dma_semaphore, #tpu.memory_space<semaphore_mem>>) src(%dma_wait3A_2173 : memref<33619968xf32, #tpu.memory_space<hbm>>) dst(%dma_wait3A_2169 : memref<512xf32, #tpu.memory_space<vmem>>)
    %dma_wait3A_2174 = arith.constant 1024 : i32
    %dma_wait3A_2175 = tpu.memref_slice %arg9[%dma_wait3A_2174] : memref<2048xf32, #tpu.memory_space<vmem>> -> memref<512xf32, #tpu.memory_space<vmem>>
    %dma_wait3A_2176 = arith.constant 1024 : i32
    %dma_wait3A_2177 = tpu.memref_slice %arg7[%dma_wait3A_2176] : memref<2048xi32, #tpu.memory_space<vmem>> -> memref<512xi32, #tpu.memory_space<vmem>>
    %dma_wait3A_2178 = arith.constant 0 : i32
    %dma_wait3A_2179 = tpu.memref_slice %arg3[%dma_wait3A_2178] : memref<33619968xf32, #tpu.memory_space<hbm>> -> memref<33619968xf32, #tpu.memory_space<hbm>>
    tpu.wait_indirect_dma semaphore(%arg11 : memref<!tpu.dma_semaphore, #tpu.memory_space<semaphore_mem>>) src(%dma_wait3A_2179 : memref<33619968xf32, #tpu.memory_space<hbm>>) dst(%dma_wait3A_2175 : memref<512xf32, #tpu.memory_space<vmem>>)
    %get3A_2180 = arith.constant 1024 : index
    %get3A_2181 = tpu.vector_load %arg8[%get3A_2180] {strides = array<i32>} : memref<2048xf32, #tpu.memory_space<vmem>>, vector<16xf32>,
    %get3A_2182 = vector.shape_cast %get3A_2181 : vector<16xf32> to vector<16xf32>
    %get3A_2183 = arith.constant 1024 : index
    %get3A_2184 = tpu.vector_load %arg9[%get3A_2183] {strides = array<i32>} : memref<2048xf32, #tpu.memory_space<vmem>>, vector<16xf32>,
    %get3A_2185 = vector.shape_cast %get3A_2184 : vector<16xf32> to vector<16xf32>
    %sub3A_2186 = arith.subf %get3A_2182, %get3A_2185 : vector<16xf32>
    %abs3A_2187 = math.absf %sub3A_2186 : vector<16xf32>
    %add3A_2188 = arith.addf %add3A_2167, %abs3A_2187 : vector<16xf32>
    %get3A_2189 = arith.constant 1040 : index
    %get3A_2190 = tpu.vector_load %arg8[%get3A_2189] {strides = array<i32>} : memref<2048xf32, #tpu.memory_space<vmem>>, vector<16xf32>,
    %get3A_2191 = vector.shape_cast %get3A_2190 : vector<16xf32> to vector<16xf32>
    %get3A_2192 = arith.constant 1040 : index
    %get3A_2193 = tpu.vector_load %arg9[%get3A_2192] {strides = array<i32>} : memref<2048xf32, #tpu.memory_space<vmem>>, vector<16xf32>,
    %get3A_2194 = vector.shape_cast %get3A_2193 : vector<16xf32> to vector<16xf32>
    %sub3A_2195 = arith.subf %get3A_2191, %get3A_2194 : vector<16xf32>
    %abs3A_2196 = math.absf %sub3A_2195 : vector<16xf32>
    %add3A_2197 = arith.addf %add3A_2188, %abs3A_2196 : vector<16xf32>
    %get3A_2198 = arith.constant 1056 : index
    %get3A_2199 = tpu.vector_load %arg8[%get3A_2198] {strides = array<i32>} : memref<2048xf32, #tpu.memory_space<vmem>>, vector<16xf32>,
    %get3A_2200 = vector.shape_cast %get3A_2199 : vector<16xf32> to vector<16xf32>
    %get3A_2201 = arith.constant 1056 : index
    %get3A_2202 = tpu.vector_load %arg9[%get3A_2201] {strides = array<i32>} : memref<2048xf32, #tpu.memory_space<vmem>>, vector<16xf32>,
    %get3A_2203 = vector.shape_cast %get3A_2202 : vector<16xf32> to vector<16xf32>
    %sub3A_2204 = arith.subf %get3A_2200, %get3A_2203 : vector<16xf32>
    %abs3A_2205 = math.absf %sub3A_2204 : vector<16xf32>
    %add3A_2206 = arith.addf %add3A_2197, %abs3A_2205 : vector<16xf32>
    %get3A_2207 = arith.constant 1072 : index
    %get3A_2208 = tpu.vector_load %arg8[%get3A_2207] {strides = array<i32>} : memref<2048xf32, #tpu.memory_space<vmem>>, vector<16xf32>,
    %get3A_2209 = vector.shape_cast %get3A_2208 : vector<16xf32> to vector<16xf32>
    %get3A_2210 = arith.constant 1072 : index
    %get3A_2211 = tpu.vector_load %arg9[%get3A_2210] {strides = array<i32>} : memref<2048xf32, #tpu.memory_space<vmem>>, vector<16xf32>,
    %get3A_2212 = vector.shape_cast %get3A_2211 : vector<16xf32> to vector<16xf32>
    %sub3A_2213 = arith.subf %get3A_2209, %get3A_2212 : vector<16xf32>
    %abs3A_2214 = math.absf %sub3A_2213 : vector<16xf32>
    %add3A_2215 = arith.addf %add3A_2206, %abs3A_2214 : vector<16xf32>
    %get3A_2216 = arith.constant 1088 : index
    %get3A_2217 = tpu.vector_load %arg8[%get3A_2216] {strides = array<i32>} : memref<2048xf32, #tpu.memory_space<vmem>>, vector<16xf32>,
    %get3A_2218 = vector.shape_cast %get3A_2217 : vector<16xf32> to vector<16xf32>
    %get3A_2219 = arith.constant 1088 : index
    %get3A_2220 = tpu.vector_load %arg9[%get3A_2219] {strides = array<i32>} : memref<2048xf32, #tpu.memory_space<vmem>>, vector<16xf32>,
    %get3A_2221 = vector.shape_cast %get3A_2220 : vector<16xf32> to vector<16xf32>
    %sub3A_2222 = arith.subf %get3A_2218, %get3A_2221 : vector<16xf32>
    %abs3A_2223 = math.absf %sub3A_2222 : vector<16xf32>
    %add3A_2224 = arith.addf %add3A_2215, %abs3A_2223 : vector<16xf32>
    %get3A_2225 = arith.constant 1104 : index
    %get3A_2226 = tpu.vector_load %arg8[%get3A_2225] {strides = array<i32>} : memref<2048xf32, #tpu.memory_space<vmem>>, vector<16xf32>,
    %get3A_2227 = vector.shape_cast %get3A_2226 : vector<16xf32> to vector<16xf32>
    %get3A_2228 = arith.constant 1104 : index
    %get3A_2229 = tpu.vector_load %arg9[%get3A_2228] {strides = array<i32>} : memref<2048xf32, #tpu.memory_space<vmem>>, vector<16xf32>,
    %get3A_2230 = vector.shape_cast %get3A_2229 : vector<16xf32> to vector<16xf32>
    %sub3A_2231 = arith.subf %get3A_2227, %get3A_2230 : vector<16xf32>
    %abs3A_2232 = math.absf %sub3A_2231 : vector<16xf32>
    %add3A_2233 = arith.addf %add3A_2224, %abs3A_2232 : vector<16xf32>
    %get3A_2234 = arith.constant 1120 : index
    %get3A_2235 = tpu.vector_load %arg8[%get3A_2234] {strides = array<i32>} : memref<2048xf32, #tpu.memory_space<vmem>>, vector<16xf32>,
    %get3A_2236 = vector.shape_cast %get3A_2235 : vector<16xf32> to vector<16xf32>
    %get3A_2237 = arith.constant 1120 : index
    %get3A_2238 = tpu.vector_load %arg9[%get3A_2237] {strides = array<i32>} : memref<2048xf32, #tpu.memory_space<vmem>>, vector<16xf32>,
    %get3A_2239 = vector.shape_cast %get3A_2238 : vector<16xf32> to vector<16xf32>
    %sub3A_2240 = arith.subf %get3A_2236, %get3A_2239 : vector<16xf32>
    %abs3A_2241 = math.absf %sub3A_2240 : vector<16xf32>
    %add3A_2242 = arith.addf %add3A_2233, %abs3A_2241 : vector<16xf32>
    %get3A_2243 = arith.constant 1136 : index
    %get3A_2244 = tpu.vector_load %arg8[%get3A_2243] {strides = array<i32>} : memref<2048xf32, #tpu.memory_space<vmem>>, vector<16xf32>,
    %get3A_2245 = vector.shape_cast %get3A_2244 : vector<16xf32> to vector<16xf32>
    %get3A_2246 = arith.constant 1136 : index
    %get3A_2247 = tpu.vector_load %arg9[%get3A_2246] {strides = array<i32>} : memref<2048xf32, #tpu.memory_space<vmem>>, vector<16xf32>,
    %get3A_2248 = vector.shape_cast %get3A_2247 : vector<16xf32> to vector<16xf32>
    %sub3A_2249 = arith.subf %get3A_2245, %get3A_2248 : vector<16xf32>
    %abs3A_2250 = math.absf %sub3A_2249 : vector<16xf32>
    %add3A_2251 = arith.addf %add3A_2242, %abs3A_2250 : vector<16xf32>
    %get3A_2252 = arith.constant 1152 : index
    %get3A_2253 = tpu.vector_load %arg8[%get3A_2252] {strides = array<i32>} : memref<2048xf32, #tpu.memory_space<vmem>>, vector<16xf32>,
    %get3A_2254 = vector.shape_cast %get3A_2253 : vector<16xf32> to vector<16xf32>
    %get3A_2255 = arith.constant 1152 : index
    %get3A_2256 = tpu.vector_load %arg9[%get3A_2255] {strides = array<i32>} : memref<2048xf32, #tpu.memory_space<vmem>>, vector<16xf32>,
    %get3A_2257 = vector.shape_cast %get3A_2256 : vector<16xf32> to vector<16xf32>
    %sub3A_2258 = arith.subf %get3A_2254, %get3A_2257 : vector<16xf32>
    %abs3A_2259 = math.absf %sub3A_2258 : vector<16xf32>
    %add3A_2260 = arith.addf %add3A_2251, %abs3A_2259 : vector<16xf32>
    %get3A_2261 = arith.constant 1168 : index
    %get3A_2262 = tpu.vector_load %arg8[%get3A_2261] {strides = array<i32>} : memref<2048xf32, #tpu.memory_space<vmem>>, vector<16xf32>,
    %get3A_2263 = vector.shape_cast %get3A_2262 : vector<16xf32> to vector<16xf32>
    %get3A_2264 = arith.constant 1168 : index
    %get3A_2265 = tpu.vector_load %arg9[%get3A_2264] {strides = array<i32>} : memref<2048xf32, #tpu.memory_space<vmem>>, vector<16xf32>,
    %get3A_2266 = vector.shape_cast %get3A_2265 : vector<16xf32> to vector<16xf32>
    %sub3A_2267 = arith.subf %get3A_2263, %get3A_2266 : vector<16xf32>
    %abs3A_2268 = math.absf %sub3A_2267 : vector<16xf32>
    %add3A_2269 = arith.addf %add3A_2260, %abs3A_2268 : vector<16xf32>
    %get3A_2270 = arith.constant 1184 : index
    %get3A_2271 = tpu.vector_load %arg8[%get3A_2270] {strides = array<i32>} : memref<2048xf32, #tpu.memory_space<vmem>>, vector<16xf32>,
    %get3A_2272 = vector.shape_cast %get3A_2271 : vector<16xf32> to vector<16xf32>
    %get3A_2273 = arith.constant 1184 : index
    %get3A_2274 = tpu.vector_load %arg9[%get3A_2273] {strides = array<i32>} : memref<2048xf32, #tpu.memory_space<vmem>>, vector<16xf32>,
    %get3A_2275 = vector.shape_cast %get3A_2274 : vector<16xf32> to vector<16xf32>
    %sub3A_2276 = arith.subf %get3A_2272, %get3A_2275 : vector<16xf32>
    %abs3A_2277 = math.absf %sub3A_2276 : vector<16xf32>
    %add3A_2278 = arith.addf %add3A_2269, %abs3A_2277 : vector<16xf32>
    %get3A_2279 = arith.constant 1200 : index
    %get3A_2280 = tpu.vector_load %arg8[%get3A_2279] {strides = array<i32>} : memref<2048xf32, #tpu.memory_space<vmem>>, vector<16xf32>,
    %get3A_2281 = vector.shape_cast %get3A_2280 : vector<16xf32> to vector<16xf32>
    %get3A_2282 = arith.constant 1200 : index
    %get3A_2283 = tpu.vector_load %arg9[%get3A_2282] {strides = array<i32>} : memref<2048xf32, #tpu.memory_space<vmem>>, vector<16xf32>,
    %get3A_2284 = vector.shape_cast %get3A_2283 : vector<16xf32> to vector<16xf32>
    %sub3A_2285 = arith.subf %get3A_2281, %get3A_2284 : vector<16xf32>
    %abs3A_2286 = math.absf %sub3A_2285 : vector<16xf32>
    %add3A_2287 = arith.addf %add3A_2278, %abs3A_2286 : vector<16xf32>
    %get3A_2288 = arith.constant 1216 : index
    %get3A_2289 = tpu.vector_load %arg8[%get3A_2288] {strides = array<i32>} : memref<2048xf32, #tpu.memory_space<vmem>>, vector<16xf32>,
    %get3A_2290 = vector.shape_cast %get3A_2289 : vector<16xf32> to vector<16xf32>
    %get3A_2291 = arith.constant 1216 : index
    %get3A_2292 = tpu.vector_load %arg9[%get3A_2291] {strides = array<i32>} : memref<2048xf32, #tpu.memory_space<vmem>>, vector<16xf32>,
    %get3A_2293 = vector.shape_cast %get3A_2292 : vector<16xf32> to vector<16xf32>
    %sub3A_2294 = arith.subf %get3A_2290, %get3A_2293 : vector<16xf32>
    %abs3A_2295 = math.absf %sub3A_2294 : vector<16xf32>
    %add3A_2296 = arith.addf %add3A_2287, %abs3A_2295 : vector<16xf32>
    %get3A_2297 = arith.constant 1232 : index
    %get3A_2298 = tpu.vector_load %arg8[%get3A_2297] {strides = array<i32>} : memref<2048xf32, #tpu.memory_space<vmem>>, vector<16xf32>,
    %get3A_2299 = vector.shape_cast %get3A_2298 : vector<16xf32> to vector<16xf32>
    %get3A_2300 = arith.constant 1232 : index
    %get3A_2301 = tpu.vector_load %arg9[%get3A_2300] {strides = array<i32>} : memref<2048xf32, #tpu.memory_space<vmem>>, vector<16xf32>,
    %get3A_2302 = vector.shape_cast %get3A_2301 : vector<16xf32> to vector<16xf32>
    %sub3A_2303 = arith.subf %get3A_2299, %get3A_2302 : vector<16xf32>
    %abs3A_2304 = math.absf %sub3A_2303 : vector<16xf32>
    %add3A_2305 = arith.addf %add3A_2296, %abs3A_2304 : vector<16xf32>
    %get3A_2306 = arith.constant 1248 : index
    %get3A_2307 = tpu.vector_load %arg8[%get3A_2306] {strides = array<i32>} : memref<2048xf32, #tpu.memory_space<vmem>>, vector<16xf32>,
    %get3A_2308 = vector.shape_cast %get3A_2307 : vector<16xf32> to vector<16xf32>
    %get3A_2309 = arith.constant 1248 : index
    %get3A_2310 = tpu.vector_load %arg9[%get3A_2309] {strides = array<i32>} : memref<2048xf32, #tpu.memory_space<vmem>>, vector<16xf32>,
    %get3A_2311 = vector.shape_cast %get3A_2310 : vector<16xf32> to vector<16xf32>
    %sub3A_2312 = arith.subf %get3A_2308, %get3A_2311 : vector<16xf32>
    %abs3A_2313 = math.absf %sub3A_2312 : vector<16xf32>
    %add3A_2314 = arith.addf %add3A_2305, %abs3A_2313 : vector<16xf32>
    %get3A_2315 = arith.constant 1264 : index
    %get3A_2316 = tpu.vector_load %arg8[%get3A_2315] {strides = array<i32>} : memref<2048xf32, #tpu.memory_space<vmem>>, vector<16xf32>,
    %get3A_2317 = vector.shape_cast %get3A_2316 : vector<16xf32> to vector<16xf32>
    %get3A_2318 = arith.constant 1264 : index
    %get3A_2319 = tpu.vector_load %arg9[%get3A_2318] {strides = array<i32>} : memref<2048xf32, #tpu.memory_space<vmem>>, vector<16xf32>,
    %get3A_2320 = vector.shape_cast %get3A_2319 : vector<16xf32> to vector<16xf32>
    %sub3A_2321 = arith.subf %get3A_2317, %get3A_2320 : vector<16xf32>
    %abs3A_2322 = math.absf %sub3A_2321 : vector<16xf32>
    %add3A_2323 = arith.addf %add3A_2314, %abs3A_2322 : vector<16xf32>
    %get3A_2324 = arith.constant 1280 : index
    %get3A_2325 = tpu.vector_load %arg8[%get3A_2324] {strides = array<i32>} : memref<2048xf32, #tpu.memory_space<vmem>>, vector<16xf32>,
    %get3A_2326 = vector.shape_cast %get3A_2325 : vector<16xf32> to vector<16xf32>
    %get3A_2327 = arith.constant 1280 : index
    %get3A_2328 = tpu.vector_load %arg9[%get3A_2327] {strides = array<i32>} : memref<2048xf32, #tpu.memory_space<vmem>>, vector<16xf32>,
    %get3A_2329 = vector.shape_cast %get3A_2328 : vector<16xf32> to vector<16xf32>
    %sub3A_2330 = arith.subf %get3A_2326, %get3A_2329 : vector<16xf32>
    %abs3A_2331 = math.absf %sub3A_2330 : vector<16xf32>
    %add3A_2332 = arith.addf %add3A_2323, %abs3A_2331 : vector<16xf32>
    %get3A_2333 = arith.constant 1296 : index
    %get3A_2334 = tpu.vector_load %arg8[%get3A_2333] {strides = array<i32>} : memref<2048xf32, #tpu.memory_space<vmem>>, vector<16xf32>,
    %get3A_2335 = vector.shape_cast %get3A_2334 : vector<16xf32> to vector<16xf32>
    %get3A_2336 = arith.constant 1296 : index
    %get3A_2337 = tpu.vector_load %arg9[%get3A_2336] {strides = array<i32>} : memref<2048xf32, #tpu.memory_space<vmem>>, vector<16xf32>,
    %get3A_2338 = vector.shape_cast %get3A_2337 : vector<16xf32> to vector<16xf32>
    %sub3A_2339 = arith.subf %get3A_2335, %get3A_2338 : vector<16xf32>
    %abs3A_2340 = math.absf %sub3A_2339 : vector<16xf32>
    %add3A_2341 = arith.addf %add3A_2332, %abs3A_2340 : vector<16xf32>
    %get3A_2342 = arith.constant 1312 : index
    %get3A_2343 = tpu.vector_load %arg8[%get3A_2342] {strides = array<i32>} : memref<2048xf32, #tpu.memory_space<vmem>>, vector<16xf32>,
    %get3A_2344 = vector.shape_cast %get3A_2343 : vector<16xf32> to vector<16xf32>
    %get3A_2345 = arith.constant 1312 : index
    %get3A_2346 = tpu.vector_load %arg9[%get3A_2345] {strides = array<i32>} : memref<2048xf32, #tpu.memory_space<vmem>>, vector<16xf32>,
    %get3A_2347 = vector.shape_cast %get3A_2346 : vector<16xf32> to vector<16xf32>
    %sub3A_2348 = arith.subf %get3A_2344, %get3A_2347 : vector<16xf32>
    %abs3A_2349 = math.absf %sub3A_2348 : vector<16xf32>
    %add3A_2350 = arith.addf %add3A_2341, %abs3A_2349 : vector<16xf32>
    %get3A_2351 = arith.constant 1328 : index
    %get3A_2352 = tpu.vector_load %arg8[%get3A_2351] {strides = array<i32>} : memref<2048xf32, #tpu.memory_space<vmem>>, vector<16xf32>,
    %get3A_2353 = vector.shape_cast %get3A_2352 : vector<16xf32> to vector<16xf32>
    %get3A_2354 = arith.constant 1328 : index
    %get3A_2355 = tpu.vector_load %arg9[%get3A_2354] {strides = array<i32>} : memref<2048xf32, #tpu.memory_space<vmem>>, vector<16xf32>,
    %get3A_2356 = vector.shape_cast %get3A_2355 : vector<16xf32> to vector<16xf32>
    %sub3A_2357 = arith.subf %get3A_2353, %get3A_2356 : vector<16xf32>
    %abs3A_2358 = math.absf %sub3A_2357 : vector<16xf32>
    %add3A_2359 = arith.addf %add3A_2350, %abs3A_2358 : vector<16xf32>
    %get3A_2360 = arith.constant 1344 : index
    %get3A_2361 = tpu.vector_load %arg8[%get3A_2360] {strides = array<i32>} : memref<2048xf32, #tpu.memory_space<vmem>>, vector<16xf32>,
    %get3A_2362 = vector.shape_cast %get3A_2361 : vector<16xf32> to vector<16xf32>
    %get3A_2363 = arith.constant 1344 : index
    %get3A_2364 = tpu.vector_load %arg9[%get3A_2363] {strides = array<i32>} : memref<2048xf32, #tpu.memory_space<vmem>>, vector<16xf32>,
    %get3A_2365 = vector.shape_cast %get3A_2364 : vector<16xf32> to vector<16xf32>
    %sub3A_2366 = arith.subf %get3A_2362, %get3A_2365 : vector<16xf32>
    %abs3A_2367 = math.absf %sub3A_2366 : vector<16xf32>
    %add3A_2368 = arith.addf %add3A_2359, %abs3A_2367 : vector<16xf32>
    %get3A_2369 = arith.constant 1360 : index
    %get3A_2370 = tpu.vector_load %arg8[%get3A_2369] {strides = array<i32>} : memref<2048xf32, #tpu.memory_space<vmem>>, vector<16xf32>,
    %get3A_2371 = vector.shape_cast %get3A_2370 : vector<16xf32> to vector<16xf32>
    %get3A_2372 = arith.constant 1360 : index
    %get3A_2373 = tpu.vector_load %arg9[%get3A_2372] {strides = array<i32>} : memref<2048xf32, #tpu.memory_space<vmem>>, vector<16xf32>,
    %get3A_2374 = vector.shape_cast %get3A_2373 : vector<16xf32> to vector<16xf32>
    %sub3A_2375 = arith.subf %get3A_2371, %get3A_2374 : vector<16xf32>
    %abs3A_2376 = math.absf %sub3A_2375 : vector<16xf32>
    %add3A_2377 = arith.addf %add3A_2368, %abs3A_2376 : vector<16xf32>
    %get3A_2378 = arith.constant 1376 : index
    %get3A_2379 = tpu.vector_load %arg8[%get3A_2378] {strides = array<i32>} : memref<2048xf32, #tpu.memory_space<vmem>>, vector<16xf32>,
    %get3A_2380 = vector.shape_cast %get3A_2379 : vector<16xf32> to vector<16xf32>
    %get3A_2381 = arith.constant 1376 : index
    %get3A_2382 = tpu.vector_load %arg9[%get3A_2381] {strides = array<i32>} : memref<2048xf32, #tpu.memory_space<vmem>>, vector<16xf32>,
    %get3A_2383 = vector.shape_cast %get3A_2382 : vector<16xf32> to vector<16xf32>
    %sub3A_2384 = arith.subf %get3A_2380, %get3A_2383 : vector<16xf32>
    %abs3A_2385 = math.absf %sub3A_2384 : vector<16xf32>
    %add3A_2386 = arith.addf %add3A_2377, %abs3A_2385 : vector<16xf32>
    %get3A_2387 = arith.constant 1392 : index
    %get3A_2388 = tpu.vector_load %arg8[%get3A_2387] {strides = array<i32>} : memref<2048xf32, #tpu.memory_space<vmem>>, vector<16xf32>,
    %get3A_2389 = vector.shape_cast %get3A_2388 : vector<16xf32> to vector<16xf32>
    %get3A_2390 = arith.constant 1392 : index
    %get3A_2391 = tpu.vector_load %arg9[%get3A_2390] {strides = array<i32>} : memref<2048xf32, #tpu.memory_space<vmem>>, vector<16xf32>,
    %get3A_2392 = vector.shape_cast %get3A_2391 : vector<16xf32> to vector<16xf32>
    %sub3A_2393 = arith.subf %get3A_2389, %get3A_2392 : vector<16xf32>
    %abs3A_2394 = math.absf %sub3A_2393 : vector<16xf32>
    %add3A_2395 = arith.addf %add3A_2386, %abs3A_2394 : vector<16xf32>
    %get3A_2396 = arith.constant 1408 : index
    %get3A_2397 = tpu.vector_load %arg8[%get3A_2396] {strides = array<i32>} : memref<2048xf32, #tpu.memory_space<vmem>>, vector<16xf32>,
    %get3A_2398 = vector.shape_cast %get3A_2397 : vector<16xf32> to vector<16xf32>
    %get3A_2399 = arith.constant 1408 : index
    %get3A_2400 = tpu.vector_load %arg9[%get3A_2399] {strides = array<i32>} : memref<2048xf32, #tpu.memory_space<vmem>>, vector<16xf32>,
    %get3A_2401 = vector.shape_cast %get3A_2400 : vector<16xf32> to vector<16xf32>
    %sub3A_2402 = arith.subf %get3A_2398, %get3A_2401 : vector<16xf32>
    %abs3A_2403 = math.absf %sub3A_2402 : vector<16xf32>
    %add3A_2404 = arith.addf %add3A_2395, %abs3A_2403 : vector<16xf32>
    %get3A_2405 = arith.constant 1424 : index
    %get3A_2406 = tpu.vector_load %arg8[%get3A_2405] {strides = array<i32>} : memref<2048xf32, #tpu.memory_space<vmem>>, vector<16xf32>,
    %get3A_2407 = vector.shape_cast %get3A_2406 : vector<16xf32> to vector<16xf32>
    %get3A_2408 = arith.constant 1424 : index
    %get3A_2409 = tpu.vector_load %arg9[%get3A_2408] {strides = array<i32>} : memref<2048xf32, #tpu.memory_space<vmem>>, vector<16xf32>,
    %get3A_2410 = vector.shape_cast %get3A_2409 : vector<16xf32> to vector<16xf32>
    %sub3A_2411 = arith.subf %get3A_2407, %get3A_2410 : vector<16xf32>
    %abs3A_2412 = math.absf %sub3A_2411 : vector<16xf32>
    %add3A_2413 = arith.addf %add3A_2404, %abs3A_2412 : vector<16xf32>
    %get3A_2414 = arith.constant 1440 : index
    %get3A_2415 = tpu.vector_load %arg8[%get3A_2414] {strides = array<i32>} : memref<2048xf32, #tpu.memory_space<vmem>>, vector<16xf32>,
    %get3A_2416 = vector.shape_cast %get3A_2415 : vector<16xf32> to vector<16xf32>
    %get3A_2417 = arith.constant 1440 : index
    %get3A_2418 = tpu.vector_load %arg9[%get3A_2417] {strides = array<i32>} : memref<2048xf32, #tpu.memory_space<vmem>>, vector<16xf32>,
    %get3A_2419 = vector.shape_cast %get3A_2418 : vector<16xf32> to vector<16xf32>
    %sub3A_2420 = arith.subf %get3A_2416, %get3A_2419 : vector<16xf32>
    %abs3A_2421 = math.absf %sub3A_2420 : vector<16xf32>
    %add3A_2422 = arith.addf %add3A_2413, %abs3A_2421 : vector<16xf32>
    %get3A_2423 = arith.constant 1456 : index
    %get3A_2424 = tpu.vector_load %arg8[%get3A_2423] {strides = array<i32>} : memref<2048xf32, #tpu.memory_space<vmem>>, vector<16xf32>,
    %get3A_2425 = vector.shape_cast %get3A_2424 : vector<16xf32> to vector<16xf32>
    %get3A_2426 = arith.constant 1456 : index
    %get3A_2427 = tpu.vector_load %arg9[%get3A_2426] {strides = array<i32>} : memref<2048xf32, #tpu.memory_space<vmem>>, vector<16xf32>,
    %get3A_2428 = vector.shape_cast %get3A_2427 : vector<16xf32> to vector<16xf32>
    %sub3A_2429 = arith.subf %get3A_2425, %get3A_2428 : vector<16xf32>
    %abs3A_2430 = math.absf %sub3A_2429 : vector<16xf32>
    %add3A_2431 = arith.addf %add3A_2422, %abs3A_2430 : vector<16xf32>
    %get3A_2432 = arith.constant 1472 : index
    %get3A_2433 = tpu.vector_load %arg8[%get3A_2432] {strides = array<i32>} : memref<2048xf32, #tpu.memory_space<vmem>>, vector<16xf32>,
    %get3A_2434 = vector.shape_cast %get3A_2433 : vector<16xf32> to vector<16xf32>
    %get3A_2435 = arith.constant 1472 : index
    %get3A_2436 = tpu.vector_load %arg9[%get3A_2435] {strides = array<i32>} : memref<2048xf32, #tpu.memory_space<vmem>>, vector<16xf32>,
    %get3A_2437 = vector.shape_cast %get3A_2436 : vector<16xf32> to vector<16xf32>
    %sub3A_2438 = arith.subf %get3A_2434, %get3A_2437 : vector<16xf32>
    %abs3A_2439 = math.absf %sub3A_2438 : vector<16xf32>
    %add3A_2440 = arith.addf %add3A_2431, %abs3A_2439 : vector<16xf32>
    %get3A_2441 = arith.constant 1488 : index
    %get3A_2442 = tpu.vector_load %arg8[%get3A_2441] {strides = array<i32>} : memref<2048xf32, #tpu.memory_space<vmem>>, vector<16xf32>,
    %get3A_2443 = vector.shape_cast %get3A_2442 : vector<16xf32> to vector<16xf32>
    %get3A_2444 = arith.constant 1488 : index
    %get3A_2445 = tpu.vector_load %arg9[%get3A_2444] {strides = array<i32>} : memref<2048xf32, #tpu.memory_space<vmem>>, vector<16xf32>,
    %get3A_2446 = vector.shape_cast %get3A_2445 : vector<16xf32> to vector<16xf32>
    %sub3A_2447 = arith.subf %get3A_2443, %get3A_2446 : vector<16xf32>
    %abs3A_2448 = math.absf %sub3A_2447 : vector<16xf32>
    %add3A_2449 = arith.addf %add3A_2440, %abs3A_2448 : vector<16xf32>
    %get3A_2450 = arith.constant 1504 : index
    %get3A_2451 = tpu.vector_load %arg8[%get3A_2450] {strides = array<i32>} : memref<2048xf32, #tpu.memory_space<vmem>>, vector<16xf32>,
    %get3A_2452 = vector.shape_cast %get3A_2451 : vector<16xf32> to vector<16xf32>
    %get3A_2453 = arith.constant 1504 : index
    %get3A_2454 = tpu.vector_load %arg9[%get3A_2453] {strides = array<i32>} : memref<2048xf32, #tpu.memory_space<vmem>>, vector<16xf32>,
    %get3A_2455 = vector.shape_cast %get3A_2454 : vector<16xf32> to vector<16xf32>
    %sub3A_2456 = arith.subf %get3A_2452, %get3A_2455 : vector<16xf32>
    %abs3A_2457 = math.absf %sub3A_2456 : vector<16xf32>
    %add3A_2458 = arith.addf %add3A_2449, %abs3A_2457 : vector<16xf32>
    %get3A_2459 = arith.constant 1520 : index
    %get3A_2460 = tpu.vector_load %arg8[%get3A_2459] {strides = array<i32>} : memref<2048xf32, #tpu.memory_space<vmem>>, vector<16xf32>,
    %get3A_2461 = vector.shape_cast %get3A_2460 : vector<16xf32> to vector<16xf32>
    %get3A_2462 = arith.constant 1520 : index
    %get3A_2463 = tpu.vector_load %arg9[%get3A_2462] {strides = array<i32>} : memref<2048xf32, #tpu.memory_space<vmem>>, vector<16xf32>,
    %get3A_2464 = vector.shape_cast %get3A_2463 : vector<16xf32> to vector<16xf32>
    %sub3A_2465 = arith.subf %get3A_2461, %get3A_2464 : vector<16xf32>
    %abs3A_2466 = math.absf %sub3A_2465 : vector<16xf32>
    %add3A_2467 = arith.addf %add3A_2458, %abs3A_2466 : vector<16xf32>
    %dma_wait3A_2468 = arith.constant 1536 : i32
    %dma_wait3A_2469 = tpu.memref_slice %arg8[%dma_wait3A_2468] : memref<2048xf32, #tpu.memory_space<vmem>> -> memref<512xf32, #tpu.memory_space<vmem>>
    %dma_wait3A_2470 = arith.constant 1536 : i32
    %dma_wait3A_2471 = tpu.memref_slice %arg7[%dma_wait3A_2470] : memref<2048xi32, #tpu.memory_space<vmem>> -> memref<512xi32, #tpu.memory_space<vmem>>
    %dma_wait3A_2472 = arith.constant 0 : i32
    %dma_wait3A_2473 = tpu.memref_slice %arg2[%dma_wait3A_2472] : memref<33619968xf32, #tpu.memory_space<hbm>> -> memref<33619968xf32, #tpu.memory_space<hbm>>
    tpu.wait_indirect_dma semaphore(%arg11 : memref<!tpu.dma_semaphore, #tpu.memory_space<semaphore_mem>>) src(%dma_wait3A_2473 : memref<33619968xf32, #tpu.memory_space<hbm>>) dst(%dma_wait3A_2469 : memref<512xf32, #tpu.memory_space<vmem>>)
    %dma_wait3A_2474 = arith.constant 1536 : i32
    %dma_wait3A_2475 = tpu.memref_slice %arg9[%dma_wait3A_2474] : memref<2048xf32, #tpu.memory_space<vmem>> -> memref<512xf32, #tpu.memory_space<vmem>>
    %dma_wait3A_2476 = arith.constant 1536 : i32
    %dma_wait3A_2477 = tpu.memref_slice %arg7[%dma_wait3A_2476] : memref<2048xi32, #tpu.memory_space<vmem>> -> memref<512xi32, #tpu.memory_space<vmem>>
    %dma_wait3A_2478 = arith.constant 0 : i32
    %dma_wait3A_2479 = tpu.memref_slice %arg3[%dma_wait3A_2478] : memref<33619968xf32, #tpu.memory_space<hbm>> -> memref<33619968xf32, #tpu.memory_space<hbm>>
    tpu.wait_indirect_dma semaphore(%arg11 : memref<!tpu.dma_semaphore, #tpu.memory_space<semaphore_mem>>) src(%dma_wait3A_2479 : memref<33619968xf32, #tpu.memory_space<hbm>>) dst(%dma_wait3A_2475 : memref<512xf32, #tpu.memory_space<vmem>>)
    %get3A_2480 = arith.constant 1536 : index
    %get3A_2481 = tpu.vector_load %arg8[%get3A_2480] {strides = array<i32>} : memref<2048xf32, #tpu.memory_space<vmem>>, vector<16xf32>,
    %get3A_2482 = vector.shape_cast %get3A_2481 : vector<16xf32> to vector<16xf32>
    %get3A_2483 = arith.constant 1536 : index
    %get3A_2484 = tpu.vector_load %arg9[%get3A_2483] {strides = array<i32>} : memref<2048xf32, #tpu.memory_space<vmem>>, vector<16xf32>,
    %get3A_2485 = vector.shape_cast %get3A_2484 : vector<16xf32> to vector<16xf32>
    %sub3A_2486 = arith.subf %get3A_2482, %get3A_2485 : vector<16xf32>
    %abs3A_2487 = math.absf %sub3A_2486 : vector<16xf32>
    %add3A_2488 = arith.addf %add3A_2467, %abs3A_2487 : vector<16xf32>
    %get3A_2489 = arith.constant 1552 : index
    %get3A_2490 = tpu.vector_load %arg8[%get3A_2489] {strides = array<i32>} : memref<2048xf32, #tpu.memory_space<vmem>>, vector<16xf32>,
    %get3A_2491 = vector.shape_cast %get3A_2490 : vector<16xf32> to vector<16xf32>
    %get3A_2492 = arith.constant 1552 : index
    %get3A_2493 = tpu.vector_load %arg9[%get3A_2492] {strides = array<i32>} : memref<2048xf32, #tpu.memory_space<vmem>>, vector<16xf32>,
    %get3A_2494 = vector.shape_cast %get3A_2493 : vector<16xf32> to vector<16xf32>
    %sub3A_2495 = arith.subf %get3A_2491, %get3A_2494 : vector<16xf32>
    %abs3A_2496 = math.absf %sub3A_2495 : vector<16xf32>
    %add3A_2497 = arith.addf %add3A_2488, %abs3A_2496 : vector<16xf32>
    %get3A_2498 = arith.constant 1568 : index
    %get3A_2499 = tpu.vector_load %arg8[%get3A_2498] {strides = array<i32>} : memref<2048xf32, #tpu.memory_space<vmem>>, vector<16xf32>,
    %get3A_2500 = vector.shape_cast %get3A_2499 : vector<16xf32> to vector<16xf32>
    %get3A_2501 = arith.constant 1568 : index
    %get3A_2502 = tpu.vector_load %arg9[%get3A_2501] {strides = array<i32>} : memref<2048xf32, #tpu.memory_space<vmem>>, vector<16xf32>,
    %get3A_2503 = vector.shape_cast %get3A_2502 : vector<16xf32> to vector<16xf32>
    %sub3A_2504 = arith.subf %get3A_2500, %get3A_2503 : vector<16xf32>
    %abs3A_2505 = math.absf %sub3A_2504 : vector<16xf32>
    %add3A_2506 = arith.addf %add3A_2497, %abs3A_2505 : vector<16xf32>
    %get3A_2507 = arith.constant 1584 : index
    %get3A_2508 = tpu.vector_load %arg8[%get3A_2507] {strides = array<i32>} : memref<2048xf32, #tpu.memory_space<vmem>>, vector<16xf32>,
    %get3A_2509 = vector.shape_cast %get3A_2508 : vector<16xf32> to vector<16xf32>
    %get3A_2510 = arith.constant 1584 : index
    %get3A_2511 = tpu.vector_load %arg9[%get3A_2510] {strides = array<i32>} : memref<2048xf32, #tpu.memory_space<vmem>>, vector<16xf32>,
    %get3A_2512 = vector.shape_cast %get3A_2511 : vector<16xf32> to vector<16xf32>
    %sub3A_2513 = arith.subf %get3A_2509, %get3A_2512 : vector<16xf32>
    %abs3A_2514 = math.absf %sub3A_2513 : vector<16xf32>
    %add3A_2515 = arith.addf %add3A_2506, %abs3A_2514 : vector<16xf32>
    %get3A_2516 = arith.constant 1600 : index
    %get3A_2517 = tpu.vector_load %arg8[%get3A_2516] {strides = array<i32>} : memref<2048xf32, #tpu.memory_space<vmem>>, vector<16xf32>,
    %get3A_2518 = vector.shape_cast %get3A_2517 : vector<16xf32> to vector<16xf32>
    %get3A_2519 = arith.constant 1600 : index
    %get3A_2520 = tpu.vector_load %arg9[%get3A_2519] {strides = array<i32>} : memref<2048xf32, #tpu.memory_space<vmem>>, vector<16xf32>,
    %get3A_2521 = vector.shape_cast %get3A_2520 : vector<16xf32> to vector<16xf32>
    %sub3A_2522 = arith.subf %get3A_2518, %get3A_2521 : vector<16xf32>
    %abs3A_2523 = math.absf %sub3A_2522 : vector<16xf32>
    %add3A_2524 = arith.addf %add3A_2515, %abs3A_2523 : vector<16xf32>
    %get3A_2525 = arith.constant 1616 : index
    %get3A_2526 = tpu.vector_load %arg8[%get3A_2525] {strides = array<i32>} : memref<2048xf32, #tpu.memory_space<vmem>>, vector<16xf32>,
    %get3A_2527 = vector.shape_cast %get3A_2526 : vector<16xf32> to vector<16xf32>
    %get3A_2528 = arith.constant 1616 : index
    %get3A_2529 = tpu.vector_load %arg9[%get3A_2528] {strides = array<i32>} : memref<2048xf32, #tpu.memory_space<vmem>>, vector<16xf32>,
    %get3A_2530 = vector.shape_cast %get3A_2529 : vector<16xf32> to vector<16xf32>
    %sub3A_2531 = arith.subf %get3A_2527, %get3A_2530 : vector<16xf32>
    %abs3A_2532 = math.absf %sub3A_2531 : vector<16xf32>
    %add3A_2533 = arith.addf %add3A_2524, %abs3A_2532 : vector<16xf32>
    %get3A_2534 = arith.constant 1632 : index
    %get3A_2535 = tpu.vector_load %arg8[%get3A_2534] {strides = array<i32>} : memref<2048xf32, #tpu.memory_space<vmem>>, vector<16xf32>,
    %get3A_2536 = vector.shape_cast %get3A_2535 : vector<16xf32> to vector<16xf32>
    %get3A_2537 = arith.constant 1632 : index
    %get3A_2538 = tpu.vector_load %arg9[%get3A_2537] {strides = array<i32>} : memref<2048xf32, #tpu.memory_space<vmem>>, vector<16xf32>,
    %get3A_2539 = vector.shape_cast %get3A_2538 : vector<16xf32> to vector<16xf32>
    %sub3A_2540 = arith.subf %get3A_2536, %get3A_2539 : vector<16xf32>
    %abs3A_2541 = math.absf %sub3A_2540 : vector<16xf32>
    %add3A_2542 = arith.addf %add3A_2533, %abs3A_2541 : vector<16xf32>
    %get3A_2543 = arith.constant 1648 : index
    %get3A_2544 = tpu.vector_load %arg8[%get3A_2543] {strides = array<i32>} : memref<2048xf32, #tpu.memory_space<vmem>>, vector<16xf32>,
    %get3A_2545 = vector.shape_cast %get3A_2544 : vector<16xf32> to vector<16xf32>
    %get3A_2546 = arith.constant 1648 : index
    %get3A_2547 = tpu.vector_load %arg9[%get3A_2546] {strides = array<i32>} : memref<2048xf32, #tpu.memory_space<vmem>>, vector<16xf32>,
    %get3A_2548 = vector.shape_cast %get3A_2547 : vector<16xf32> to vector<16xf32>
    %sub3A_2549 = arith.subf %get3A_2545, %get3A_2548 : vector<16xf32>
    %abs3A_2550 = math.absf %sub3A_2549 : vector<16xf32>
    %add3A_2551 = arith.addf %add3A_2542, %abs3A_2550 : vector<16xf32>
    %get3A_2552 = arith.constant 1664 : index
    %get3A_2553 = tpu.vector_load %arg8[%get3A_2552] {strides = array<i32>} : memref<2048xf32, #tpu.memory_space<vmem>>, vector<16xf32>,
    %get3A_2554 = vector.shape_cast %get3A_2553 : vector<16xf32> to vector<16xf32>
    %get3A_2555 = arith.constant 1664 : index
    %get3A_2556 = tpu.vector_load %arg9[%get3A_2555] {strides = array<i32>} : memref<2048xf32, #tpu.memory_space<vmem>>, vector<16xf32>,
    %get3A_2557 = vector.shape_cast %get3A_2556 : vector<16xf32> to vector<16xf32>
    %sub3A_2558 = arith.subf %get3A_2554, %get3A_2557 : vector<16xf32>
    %abs3A_2559 = math.absf %sub3A_2558 : vector<16xf32>
    %add3A_2560 = arith.addf %add3A_2551, %abs3A_2559 : vector<16xf32>
    %get3A_2561 = arith.constant 1680 : index
    %get3A_2562 = tpu.vector_load %arg8[%get3A_2561] {strides = array<i32>} : memref<2048xf32, #tpu.memory_space<vmem>>, vector<16xf32>,
    %get3A_2563 = vector.shape_cast %get3A_2562 : vector<16xf32> to vector<16xf32>
    %get3A_2564 = arith.constant 1680 : index
    %get3A_2565 = tpu.vector_load %arg9[%get3A_2564] {strides = array<i32>} : memref<2048xf32, #tpu.memory_space<vmem>>, vector<16xf32>,
    %get3A_2566 = vector.shape_cast %get3A_2565 : vector<16xf32> to vector<16xf32>
    %sub3A_2567 = arith.subf %get3A_2563, %get3A_2566 : vector<16xf32>
    %abs3A_2568 = math.absf %sub3A_2567 : vector<16xf32>
    %add3A_2569 = arith.addf %add3A_2560, %abs3A_2568 : vector<16xf32>
    %get3A_2570 = arith.constant 1696 : index
    %get3A_2571 = tpu.vector_load %arg8[%get3A_2570] {strides = array<i32>} : memref<2048xf32, #tpu.memory_space<vmem>>, vector<16xf32>,
    %get3A_2572 = vector.shape_cast %get3A_2571 : vector<16xf32> to vector<16xf32>
    %get3A_2573 = arith.constant 1696 : index
    %get3A_2574 = tpu.vector_load %arg9[%get3A_2573] {strides = array<i32>} : memref<2048xf32, #tpu.memory_space<vmem>>, vector<16xf32>,
    %get3A_2575 = vector.shape_cast %get3A_2574 : vector<16xf32> to vector<16xf32>
    %sub3A_2576 = arith.subf %get3A_2572, %get3A_2575 : vector<16xf32>
    %abs3A_2577 = math.absf %sub3A_2576 : vector<16xf32>
    %add3A_2578 = arith.addf %add3A_2569, %abs3A_2577 : vector<16xf32>
    %get3A_2579 = arith.constant 1712 : index
    %get3A_2580 = tpu.vector_load %arg8[%get3A_2579] {strides = array<i32>} : memref<2048xf32, #tpu.memory_space<vmem>>, vector<16xf32>,
    %get3A_2581 = vector.shape_cast %get3A_2580 : vector<16xf32> to vector<16xf32>
    %get3A_2582 = arith.constant 1712 : index
    %get3A_2583 = tpu.vector_load %arg9[%get3A_2582] {strides = array<i32>} : memref<2048xf32, #tpu.memory_space<vmem>>, vector<16xf32>,
    %get3A_2584 = vector.shape_cast %get3A_2583 : vector<16xf32> to vector<16xf32>
    %sub3A_2585 = arith.subf %get3A_2581, %get3A_2584 : vector<16xf32>
    %abs3A_2586 = math.absf %sub3A_2585 : vector<16xf32>
    %add3A_2587 = arith.addf %add3A_2578, %abs3A_2586 : vector<16xf32>
    %get3A_2588 = arith.constant 1728 : index
    %get3A_2589 = tpu.vector_load %arg8[%get3A_2588] {strides = array<i32>} : memref<2048xf32, #tpu.memory_space<vmem>>, vector<16xf32>,
    %get3A_2590 = vector.shape_cast %get3A_2589 : vector<16xf32> to vector<16xf32>
    %get3A_2591 = arith.constant 1728 : index
    %get3A_2592 = tpu.vector_load %arg9[%get3A_2591] {strides = array<i32>} : memref<2048xf32, #tpu.memory_space<vmem>>, vector<16xf32>,
    %get3A_2593 = vector.shape_cast %get3A_2592 : vector<16xf32> to vector<16xf32>
    %sub3A_2594 = arith.subf %get3A_2590, %get3A_2593 : vector<16xf32>
    %abs3A_2595 = math.absf %sub3A_2594 : vector<16xf32>
    %add3A_2596 = arith.addf %add3A_2587, %abs3A_2595 : vector<16xf32>
    %get3A_2597 = arith.constant 1744 : index
    %get3A_2598 = tpu.vector_load %arg8[%get3A_2597] {strides = array<i32>} : memref<2048xf32, #tpu.memory_space<vmem>>, vector<16xf32>,
    %get3A_2599 = vector.shape_cast %get3A_2598 : vector<16xf32> to vector<16xf32>
    %get3A_2600 = arith.constant 1744 : index
    %get3A_2601 = tpu.vector_load %arg9[%get3A_2600] {strides = array<i32>} : memref<2048xf32, #tpu.memory_space<vmem>>, vector<16xf32>,
    %get3A_2602 = vector.shape_cast %get3A_2601 : vector<16xf32> to vector<16xf32>
    %sub3A_2603 = arith.subf %get3A_2599, %get3A_2602 : vector<16xf32>
    %abs3A_2604 = math.absf %sub3A_2603 : vector<16xf32>
    %add3A_2605 = arith.addf %add3A_2596, %abs3A_2604 : vector<16xf32>
    %get3A_2606 = arith.constant 1760 : index
    %get3A_2607 = tpu.vector_load %arg8[%get3A_2606] {strides = array<i32>} : memref<2048xf32, #tpu.memory_space<vmem>>, vector<16xf32>,
    %get3A_2608 = vector.shape_cast %get3A_2607 : vector<16xf32> to vector<16xf32>
    %get3A_2609 = arith.constant 1760 : index
    %get3A_2610 = tpu.vector_load %arg9[%get3A_2609] {strides = array<i32>} : memref<2048xf32, #tpu.memory_space<vmem>>, vector<16xf32>,
    %get3A_2611 = vector.shape_cast %get3A_2610 : vector<16xf32> to vector<16xf32>
    %sub3A_2612 = arith.subf %get3A_2608, %get3A_2611 : vector<16xf32>
    %abs3A_2613 = math.absf %sub3A_2612 : vector<16xf32>
    %add3A_2614 = arith.addf %add3A_2605, %abs3A_2613 : vector<16xf32>
    %get3A_2615 = arith.constant 1776 : index
    %get3A_2616 = tpu.vector_load %arg8[%get3A_2615] {strides = array<i32>} : memref<2048xf32, #tpu.memory_space<vmem>>, vector<16xf32>,
    %get3A_2617 = vector.shape_cast %get3A_2616 : vector<16xf32> to vector<16xf32>
    %get3A_2618 = arith.constant 1776 : index
    %get3A_2619 = tpu.vector_load %arg9[%get3A_2618] {strides = array<i32>} : memref<2048xf32, #tpu.memory_space<vmem>>, vector<16xf32>,
    %get3A_2620 = vector.shape_cast %get3A_2619 : vector<16xf32> to vector<16xf32>
    %sub3A_2621 = arith.subf %get3A_2617, %get3A_2620 : vector<16xf32>
    %abs3A_2622 = math.absf %sub3A_2621 : vector<16xf32>
    %add3A_2623 = arith.addf %add3A_2614, %abs3A_2622 : vector<16xf32>
    %get3A_2624 = arith.constant 1792 : index
    %get3A_2625 = tpu.vector_load %arg8[%get3A_2624] {strides = array<i32>} : memref<2048xf32, #tpu.memory_space<vmem>>, vector<16xf32>,
    %get3A_2626 = vector.shape_cast %get3A_2625 : vector<16xf32> to vector<16xf32>
    %get3A_2627 = arith.constant 1792 : index
    %get3A_2628 = tpu.vector_load %arg9[%get3A_2627] {strides = array<i32>} : memref<2048xf32, #tpu.memory_space<vmem>>, vector<16xf32>,
    %get3A_2629 = vector.shape_cast %get3A_2628 : vector<16xf32> to vector<16xf32>
    %sub3A_2630 = arith.subf %get3A_2626, %get3A_2629 : vector<16xf32>
    %abs3A_2631 = math.absf %sub3A_2630 : vector<16xf32>
    %add3A_2632 = arith.addf %add3A_2623, %abs3A_2631 : vector<16xf32>
    %get3A_2633 = arith.constant 1808 : index
    %get3A_2634 = tpu.vector_load %arg8[%get3A_2633] {strides = array<i32>} : memref<2048xf32, #tpu.memory_space<vmem>>, vector<16xf32>,
    %get3A_2635 = vector.shape_cast %get3A_2634 : vector<16xf32> to vector<16xf32>
    %get3A_2636 = arith.constant 1808 : index
    %get3A_2637 = tpu.vector_load %arg9[%get3A_2636] {strides = array<i32>} : memref<2048xf32, #tpu.memory_space<vmem>>, vector<16xf32>,
    %get3A_2638 = vector.shape_cast %get3A_2637 : vector<16xf32> to vector<16xf32>
    %sub3A_2639 = arith.subf %get3A_2635, %get3A_2638 : vector<16xf32>
    %abs3A_2640 = math.absf %sub3A_2639 : vector<16xf32>
    %add3A_2641 = arith.addf %add3A_2632, %abs3A_2640 : vector<16xf32>
    %get3A_2642 = arith.constant 1824 : index
    %get3A_2643 = tpu.vector_load %arg8[%get3A_2642] {strides = array<i32>} : memref<2048xf32, #tpu.memory_space<vmem>>, vector<16xf32>,
    %get3A_2644 = vector.shape_cast %get3A_2643 : vector<16xf32> to vector<16xf32>
    %get3A_2645 = arith.constant 1824 : index
    %get3A_2646 = tpu.vector_load %arg9[%get3A_2645] {strides = array<i32>} : memref<2048xf32, #tpu.memory_space<vmem>>, vector<16xf32>,
    %get3A_2647 = vector.shape_cast %get3A_2646 : vector<16xf32> to vector<16xf32>
    %sub3A_2648 = arith.subf %get3A_2644, %get3A_2647 : vector<16xf32>
    %abs3A_2649 = math.absf %sub3A_2648 : vector<16xf32>
    %add3A_2650 = arith.addf %add3A_2641, %abs3A_2649 : vector<16xf32>
    %get3A_2651 = arith.constant 1840 : index
    %get3A_2652 = tpu.vector_load %arg8[%get3A_2651] {strides = array<i32>} : memref<2048xf32, #tpu.memory_space<vmem>>, vector<16xf32>,
    %get3A_2653 = vector.shape_cast %get3A_2652 : vector<16xf32> to vector<16xf32>
    %get3A_2654 = arith.constant 1840 : index
    %get3A_2655 = tpu.vector_load %arg9[%get3A_2654] {strides = array<i32>} : memref<2048xf32, #tpu.memory_space<vmem>>, vector<16xf32>,
    %get3A_2656 = vector.shape_cast %get3A_2655 : vector<16xf32> to vector<16xf32>
    %sub3A_2657 = arith.subf %get3A_2653, %get3A_2656 : vector<16xf32>
    %abs3A_2658 = math.absf %sub3A_2657 : vector<16xf32>
    %add3A_2659 = arith.addf %add3A_2650, %abs3A_2658 : vector<16xf32>
    %get3A_2660 = arith.constant 1856 : index
    %get3A_2661 = tpu.vector_load %arg8[%get3A_2660] {strides = array<i32>} : memref<2048xf32, #tpu.memory_space<vmem>>, vector<16xf32>,
    %get3A_2662 = vector.shape_cast %get3A_2661 : vector<16xf32> to vector<16xf32>
    %get3A_2663 = arith.constant 1856 : index
    %get3A_2664 = tpu.vector_load %arg9[%get3A_2663] {strides = array<i32>} : memref<2048xf32, #tpu.memory_space<vmem>>, vector<16xf32>,
    %get3A_2665 = vector.shape_cast %get3A_2664 : vector<16xf32> to vector<16xf32>
    %sub3A_2666 = arith.subf %get3A_2662, %get3A_2665 : vector<16xf32>
    %abs3A_2667 = math.absf %sub3A_2666 : vector<16xf32>
    %add3A_2668 = arith.addf %add3A_2659, %abs3A_2667 : vector<16xf32>
    %get3A_2669 = arith.constant 1872 : index
    %get3A_2670 = tpu.vector_load %arg8[%get3A_2669] {strides = array<i32>} : memref<2048xf32, #tpu.memory_space<vmem>>, vector<16xf32>,
    %get3A_2671 = vector.shape_cast %get3A_2670 : vector<16xf32> to vector<16xf32>
    %get3A_2672 = arith.constant 1872 : index
    %get3A_2673 = tpu.vector_load %arg9[%get3A_2672] {strides = array<i32>} : memref<2048xf32, #tpu.memory_space<vmem>>, vector<16xf32>,
    %get3A_2674 = vector.shape_cast %get3A_2673 : vector<16xf32> to vector<16xf32>
    %sub3A_2675 = arith.subf %get3A_2671, %get3A_2674 : vector<16xf32>
    %abs3A_2676 = math.absf %sub3A_2675 : vector<16xf32>
    %add3A_2677 = arith.addf %add3A_2668, %abs3A_2676 : vector<16xf32>
    %get3A_2678 = arith.constant 1888 : index
    %get3A_2679 = tpu.vector_load %arg8[%get3A_2678] {strides = array<i32>} : memref<2048xf32, #tpu.memory_space<vmem>>, vector<16xf32>,
    %get3A_2680 = vector.shape_cast %get3A_2679 : vector<16xf32> to vector<16xf32>
    %get3A_2681 = arith.constant 1888 : index
    %get3A_2682 = tpu.vector_load %arg9[%get3A_2681] {strides = array<i32>} : memref<2048xf32, #tpu.memory_space<vmem>>, vector<16xf32>,
    %get3A_2683 = vector.shape_cast %get3A_2682 : vector<16xf32> to vector<16xf32>
    %sub3A_2684 = arith.subf %get3A_2680, %get3A_2683 : vector<16xf32>
    %abs3A_2685 = math.absf %sub3A_2684 : vector<16xf32>
    %add3A_2686 = arith.addf %add3A_2677, %abs3A_2685 : vector<16xf32>
    %get3A_2687 = arith.constant 1904 : index
    %get3A_2688 = tpu.vector_load %arg8[%get3A_2687] {strides = array<i32>} : memref<2048xf32, #tpu.memory_space<vmem>>, vector<16xf32>,
    %get3A_2689 = vector.shape_cast %get3A_2688 : vector<16xf32> to vector<16xf32>
    %get3A_2690 = arith.constant 1904 : index
    %get3A_2691 = tpu.vector_load %arg9[%get3A_2690] {strides = array<i32>} : memref<2048xf32, #tpu.memory_space<vmem>>, vector<16xf32>,
    %get3A_2692 = vector.shape_cast %get3A_2691 : vector<16xf32> to vector<16xf32>
    %sub3A_2693 = arith.subf %get3A_2689, %get3A_2692 : vector<16xf32>
    %abs3A_2694 = math.absf %sub3A_2693 : vector<16xf32>
    %add3A_2695 = arith.addf %add3A_2686, %abs3A_2694 : vector<16xf32>
    %get3A_2696 = arith.constant 1920 : index
    %get3A_2697 = tpu.vector_load %arg8[%get3A_2696] {strides = array<i32>} : memref<2048xf32, #tpu.memory_space<vmem>>, vector<16xf32>,
    %get3A_2698 = vector.shape_cast %get3A_2697 : vector<16xf32> to vector<16xf32>
    %get3A_2699 = arith.constant 1920 : index
    %get3A_2700 = tpu.vector_load %arg9[%get3A_2699] {strides = array<i32>} : memref<2048xf32, #tpu.memory_space<vmem>>, vector<16xf32>,
    %get3A_2701 = vector.shape_cast %get3A_2700 : vector<16xf32> to vector<16xf32>
    %sub3A_2702 = arith.subf %get3A_2698, %get3A_2701 : vector<16xf32>
    %abs3A_2703 = math.absf %sub3A_2702 : vector<16xf32>
    %add3A_2704 = arith.addf %add3A_2695, %abs3A_2703 : vector<16xf32>
    %get3A_2705 = arith.constant 1936 : index
    %get3A_2706 = tpu.vector_load %arg8[%get3A_2705] {strides = array<i32>} : memref<2048xf32, #tpu.memory_space<vmem>>, vector<16xf32>,
    %get3A_2707 = vector.shape_cast %get3A_2706 : vector<16xf32> to vector<16xf32>
    %get3A_2708 = arith.constant 1936 : index
    %get3A_2709 = tpu.vector_load %arg9[%get3A_2708] {strides = array<i32>} : memref<2048xf32, #tpu.memory_space<vmem>>, vector<16xf32>,
    %get3A_2710 = vector.shape_cast %get3A_2709 : vector<16xf32> to vector<16xf32>
    %sub3A_2711 = arith.subf %get3A_2707, %get3A_2710 : vector<16xf32>
    %abs3A_2712 = math.absf %sub3A_2711 : vector<16xf32>
    %add3A_2713 = arith.addf %add3A_2704, %abs3A_2712 : vector<16xf32>
    %get3A_2714 = arith.constant 1952 : index
    %get3A_2715 = tpu.vector_load %arg8[%get3A_2714] {strides = array<i32>} : memref<2048xf32, #tpu.memory_space<vmem>>, vector<16xf32>,
    %get3A_2716 = vector.shape_cast %get3A_2715 : vector<16xf32> to vector<16xf32>
    %get3A_2717 = arith.constant 1952 : index
    %get3A_2718 = tpu.vector_load %arg9[%get3A_2717] {strides = array<i32>} : memref<2048xf32, #tpu.memory_space<vmem>>, vector<16xf32>,
    %get3A_2719 = vector.shape_cast %get3A_2718 : vector<16xf32> to vector<16xf32>
    %sub3A_2720 = arith.subf %get3A_2716, %get3A_2719 : vector<16xf32>
    %abs3A_2721 = math.absf %sub3A_2720 : vector<16xf32>
    %add3A_2722 = arith.addf %add3A_2713, %abs3A_2721 : vector<16xf32>
    %get3A_2723 = arith.constant 1968 : index
    %get3A_2724 = tpu.vector_load %arg8[%get3A_2723] {strides = array<i32>} : memref<2048xf32, #tpu.memory_space<vmem>>, vector<16xf32>,
    %get3A_2725 = vector.shape_cast %get3A_2724 : vector<16xf32> to vector<16xf32>
    %get3A_2726 = arith.constant 1968 : index
    %get3A_2727 = tpu.vector_load %arg9[%get3A_2726] {strides = array<i32>} : memref<2048xf32, #tpu.memory_space<vmem>>, vector<16xf32>,
    %get3A_2728 = vector.shape_cast %get3A_2727 : vector<16xf32> to vector<16xf32>
    %sub3A_2729 = arith.subf %get3A_2725, %get3A_2728 : vector<16xf32>
    %abs3A_2730 = math.absf %sub3A_2729 : vector<16xf32>
    %add3A_2731 = arith.addf %add3A_2722, %abs3A_2730 : vector<16xf32>
    %get3A_2732 = arith.constant 1984 : index
    %get3A_2733 = tpu.vector_load %arg8[%get3A_2732] {strides = array<i32>} : memref<2048xf32, #tpu.memory_space<vmem>>, vector<16xf32>,
    %get3A_2734 = vector.shape_cast %get3A_2733 : vector<16xf32> to vector<16xf32>
    %get3A_2735 = arith.constant 1984 : index
    %get3A_2736 = tpu.vector_load %arg9[%get3A_2735] {strides = array<i32>} : memref<2048xf32, #tpu.memory_space<vmem>>, vector<16xf32>,
    %get3A_2737 = vector.shape_cast %get3A_2736 : vector<16xf32> to vector<16xf32>
    %sub3A_2738 = arith.subf %get3A_2734, %get3A_2737 : vector<16xf32>
    %abs3A_2739 = math.absf %sub3A_2738 : vector<16xf32>
    %add3A_2740 = arith.addf %add3A_2731, %abs3A_2739 : vector<16xf32>
    %get3A_2741 = arith.constant 2000 : index
    %get3A_2742 = tpu.vector_load %arg8[%get3A_2741] {strides = array<i32>} : memref<2048xf32, #tpu.memory_space<vmem>>, vector<16xf32>,
    %get3A_2743 = vector.shape_cast %get3A_2742 : vector<16xf32> to vector<16xf32>
    %get3A_2744 = arith.constant 2000 : index
    %get3A_2745 = tpu.vector_load %arg9[%get3A_2744] {strides = array<i32>} : memref<2048xf32, #tpu.memory_space<vmem>>, vector<16xf32>,
    %get3A_2746 = vector.shape_cast %get3A_2745 : vector<16xf32> to vector<16xf32>
    %sub3A_2747 = arith.subf %get3A_2743, %get3A_2746 : vector<16xf32>
    %abs3A_2748 = math.absf %sub3A_2747 : vector<16xf32>
    %add3A_2749 = arith.addf %add3A_2740, %abs3A_2748 : vector<16xf32>
    %get3A_2750 = arith.constant 2016 : index
    %get3A_2751 = tpu.vector_load %arg8[%get3A_2750] {strides = array<i32>} : memref<2048xf32, #tpu.memory_space<vmem>>, vector<16xf32>,
    %get3A_2752 = vector.shape_cast %get3A_2751 : vector<16xf32> to vector<16xf32>
    %get3A_2753 = arith.constant 2016 : index
    %get3A_2754 = tpu.vector_load %arg9[%get3A_2753] {strides = array<i32>} : memref<2048xf32, #tpu.memory_space<vmem>>, vector<16xf32>,
    %get3A_2755 = vector.shape_cast %get3A_2754 : vector<16xf32> to vector<16xf32>
    %sub3A_2756 = arith.subf %get3A_2752, %get3A_2755 : vector<16xf32>
    %abs3A_2757 = math.absf %sub3A_2756 : vector<16xf32>
    %add3A_2758 = arith.addf %add3A_2749, %abs3A_2757 : vector<16xf32>
    %get3A_2759 = arith.constant 2032 : index
    %get3A_2760 = tpu.vector_load %arg8[%get3A_2759] {strides = array<i32>} : memref<2048xf32, #tpu.memory_space<vmem>>, vector<16xf32>,
    %get3A_2761 = vector.shape_cast %get3A_2760 : vector<16xf32> to vector<16xf32>
    %get3A_2762 = arith.constant 2032 : index
    %get3A_2763 = tpu.vector_load %arg9[%get3A_2762] {strides = array<i32>} : memref<2048xf32, #tpu.memory_space<vmem>>, vector<16xf32>,
    %get3A_2764 = vector.shape_cast %get3A_2763 : vector<16xf32> to vector<16xf32>
    %sub3A_2765 = arith.subf %get3A_2761, %get3A_2764 : vector<16xf32>
    %abs3A_2766 = math.absf %sub3A_2765 : vector<16xf32>
    %add3A_2767 = arith.addf %add3A_2758, %abs3A_2766 : vector<16xf32>
    %mul3A_2768 = arith.constant 5.130000e+02 : f32
    %mul3A_2769 = vector.broadcast %mul3A_2768 : f32 to vector<16xf32>
    %mul3A_2770 = arith.mulf %add3A_2767, %mul3A_2769 : vector<16xf32>
    %swap3A_2771 = arith.constant 0 : index
    %swap3A_2772 = tpu.vector_load %arg10[%swap3A_2771] {strides = array<i32>} : memref<16xf32, #tpu.memory_space<vmem>>, vector<16xf32>,
    %swap3A_2773 = vector.shape_cast %swap3A_2772 : vector<16xf32> to vector<16xf32>
    %swap3A_2774 = vector.shape_cast %mul3A_2770 : vector<16xf32> to vector<16xf32>
    tpu.vector_store %arg10[%swap3A_2771], %swap3A_2774 {strides = array<i32>} : memref<16xf32, #tpu.memory_space<vmem>>, vector<16xf32>,
    "tpu.region"() ({
      %run_scoped3A = tpu.sem_alloc : memref<!tpu.dma_semaphore, #tpu.memory_space<semaphore_mem>>
      %dma_start3A_2775 = arith.constant 0 : i32
      %dma_start3A_2776 = tpu.memref_slice %arg5[%arg0, %arg1, %dma_start3A_2775] : memref<2x16x16xf32, #tpu.memory_space<hbm>> -> memref<1x1x16xf32, #tpu.memory_space<hbm>>
      %dma_start3A_2777 = tpu.memref_squeeze %dma_start3A_2776 : memref<1x1x16xf32, #tpu.memory_space<hbm>> -> memref<16xf32, #tpu.memory_space<hbm>>
      %dma_start3A_2778 = arith.constant 0 : i32
      %dma_start3A_2779 = tpu.memref_slice %arg5[%arg0, %arg1, %dma_start3A_2778] : memref<2x16x16xf32, #tpu.memory_space<hbm>> -> memref<1x1x16xf32, #tpu.memory_space<hbm>>
      %dma_start3A_2780 = tpu.memref_squeeze %dma_start3A_2779 : memref<1x1x16xf32, #tpu.memory_space<hbm>> -> memref<16xf32, #tpu.memory_space<hbm>>
      tpu.enqueue_dma source(%arg10 : memref<16xf32, #tpu.memory_space<vmem>>) target(%dma_start3A_2780 : memref<16xf32, #tpu.memory_space<hbm>>) target_semaphore(%run_scoped3A : memref<!tpu.dma_semaphore, #tpu.memory_space<semaphore_mem>>)
      %dma_wait3A_2781 = arith.constant 0 : i32
      %dma_wait3A_2782 = tpu.memref_slice %arg5[%arg0, %arg1, %dma_wait3A_2781] : memref<2x16x16xf32, #tpu.memory_space<hbm>> -> memref<1x1x16xf32, #tpu.memory_space<hbm>>
      %dma_wait3A_2783 = tpu.memref_squeeze %dma_wait3A_2782 : memref<1x1x16xf32, #tpu.memory_space<hbm>> -> memref<16xf32, #tpu.memory_space<hbm>>
      %dma_wait3A_2784 = arith.constant 0 : i32
      %dma_wait3A_2785 = tpu.memref_slice %arg5[%arg0, %arg1, %dma_wait3A_2784] : memref<2x16x16xf32, #tpu.memory_space<hbm>> -> memref<1x1x16xf32, #tpu.memory_space<hbm>>
      %dma_wait3A_2786 = tpu.memref_squeeze %dma_wait3A_2785 : memref<1x1x16xf32, #tpu.memory_space<hbm>> -> memref<16xf32, #tpu.memory_space<hbm>>
      tpu.wait_dma2 semaphore(%run_scoped3A : memref<!tpu.dma_semaphore, #tpu.memory_space<semaphore_mem>>) src(%arg10 : memref<16xf32, #tpu.memory_space<vmem>>) dst(%dma_wait3A_2786 : memref<16xf32, #tpu.memory_space<hbm>>)
      tpu.yield
    }) : () -> ()
    return
  }
}

</mosaic_0001>

<sc_bundles>
// kernel: kernel.3.cloned.1.call-start
scs
__scs_entry_jumppad:
0x0: {  	(pc) =	sbr.rel $0x88, $3  }
0x1: {  	(tag) =	ssettag $0x0;
	lr =	simm.s32 $0x1  }
0x2: {  	[smem:$0x3F9E] =	sst lr;
	_ =	strace $0xD0000000  }
0x3: {  	_ = 	snop  }
0x4: {  	_ = 	snop  }
0x5: {  	_ = 	snop  }
0x6: {  	_ = 	snop  }
0x7: {  	_ = 	snop  }
__scs_overlays_trampoline_lowered:
0x8: {  	[smem:$0x3FAD] =	sst s0  }
0x9: {  	[smem:$0x3FAE] =	sst s1  }
0xa: {  	[smem:$0x3FAF] =	sst s2  }
0xb: {  	[smem:$0x3FB0] =	sst s3  }
0xc: {  	[smem:$0x3FB1] =	sst s4  }
0xd: {  	[smem:$0x3FB2] =	sst s5  }
0xe: {  	[smem:$0x3FB3] =	sst s6  }
0xf: {  	[smem:$0x3FB4] =	sst s7  }
0x10: {  	[smem:$0x3FB5] =	sst s8  }
0x11: {  	[smem:$0x3FB6] =	sst s9;
	s0 =	simm.s32 @!p0 $0x0  }
0x12: {  	s1 =	sld [smem:$0x3F9C];
	s0 =	simm.s32 @p0 $0x1  }
0x13: {  	[smem:$0x3FB7] =	sst s0;
	s0 =	simm.s32 @!p1 $0x0  }
0x14: {  	s2 =	sld [smem:$0x3F9B];
	s0 =	simm.s32 @p1 $0x1  }
0x15: {  	[smem:$0x3FB8] =	sst s0;
	s0 =	simm.s32 @!p2 $0x0  }
0x16: {  	s3 =	sld [smem:$0x3FDB];
	s0 =	simm.s32 @p2 $0x1  }
0x17: {  	s4 =	simm.s32 $0x1BF5;
	[smem:$0x3FBA] =	sst s0  }
0x18: {  	s0 =	sld [smem:$0x3F9D];
	_ =	swait.ge [sflag:s4], $0x0  }
0x19: {  	s7 =	sld [smem:$0x3F9E]  }
0x1a: {  	s8 =	sadd.s32 $0xFFFFE003, lr  }
0x1b: {  	s9 =	sadd.s32 $0xFFFFFEF7, lr;
	s5 =	simm.s32 $0xFFFFFFFF;
	p2 =	slt.u32 s8, $0xFFFFF086  }
0x1c: {  	p1 =	slt.u32 s9, $0xF7A;
	s5 =	simm.s32 @!p2 $0x0  }
0x1d: {  	s5 =	simm.s32 @p1 $0x1;
	p0 =	seq.s32 s7, s2  }
0x1e: {  	s7 =	smul.u32 @!p0 $0xF7A, s2;
	p2 =	seq.s32 @!p0 s5, $0x0  }
0x1f: {  	s9 =	smul.u32 $0xF7A, s1;
	s8 =	simm.s32 @!p0 $0x1BF5;
	p2 =	por !p2, p0  }
0x20: {  	[sflag:s8] =	ssyncset.s32 @!p0 $0xFFFFF086;
	s6 =	sadd.s32 @!p0 s3, s7;
	s7 =	simm.s32 @!p0 $0x108  }
0x21: {  	s3 =	sadd.s32 s3, s9;
	s6 =	sadd.s32 @!p0 $0x88, s6;
	s7 =	simm.s32 @p2 $0x1082  }
0x22: {  	[simem:s7], [sflag:s8] =	dma.local @!p0 [hbm:s6], $0xF7A  }
0x23: {  	s9 =	sor.u32 $0xD0000000, s2;
	s6 =	simm.s32 $0x108;
	_ =	swait.ge @!p0 [sflag:s8], $0x0  }
0x24: {  	s3 =	sadd.s32 $0x88, s3;
	s6 =	simm.s32 @!p1 $0x1082;
	[sflag:s4] =	ssyncset.s32 $0xFFFFF086  }
0x25: {  	[simem:s6], [sflag:s4] =	dma.local [hbm:s3], $0xF7A  }
0x26: {  	[smem:$0x3F9E] =	sst s1;
	(tag) =	ssettag s2;
	_ =	strace s9  }
0x27: {  	s1 =	sld [smem:$0x3FAE]  }
0x28: {  	s2 =	sld [smem:$0x3FAF]  }
0x29: {  	s4 =	sld [smem:$0x3FB1]  }
0x2a: {  	p0 =	seq.s32 s5, $0x0;
	s5 =	sld [smem:$0x3FB2]  }
0x2b: {  	s6 =	sld [smem:$0x3FB3]  }
0x2c: {  	s7 =	sld [smem:$0x3FB4]  }
0x2d: {  	s3 =	simm.s32 $0x108;
	s8 =	sld [smem:$0x3FB5]  }
0x2e: {  	s3 =	simm.s32 @!p0 $0x1082;
	s9 =	sld [smem:$0x3FB6]  }
0x2f: {  	lr =	sadd.s32 s0, s3;
	s0 =	sld [smem:$0x3FAD]  }
0x30: {  	s3 =	sld [smem:$0x3FB0]  }
0x31: {  	[smem:$0x3FB9] =	sst s10  }
0x32: {  	s10 =	sld [smem:$0x3FB7];
	_ =	sdelay $0x3  }
0x33: {  	p0 =	seq.s32 s10, $0x1;
	s10 =	sld [smem:$0x3FB9];
	_ =	sdelay $0x3  }
0x34: {  	[smem:$0x3FB9] =	sst s10  }
0x35: {  	s10 =	sld [smem:$0x3FB8];
	_ =	sdelay $0x3  }
0x36: {  	p1 =	seq.s32 s10, $0x1;
	s10 =	sld [smem:$0x3FB9];
	_ =	sdelay $0x3  }
0x37: {  	[smem:$0x3FB9] =	sst s10  }
0x38: {  	s10 =	sld [smem:$0x3FBA]  }
0x39: {  	_ = 	snop;
	(pc) =	sbr.ind lr, $3  }
0x3a: {  	_ = 	snop  }
0x3b: {  	_ = 	snop  }
0x3c: {  	p2 =	seq.s32 s10, $0x1;
	s10 =	sld [smem:$0x3FB9]  }
0x3d: {  	_ =	shalt  }
0x3e: {  	_ =	shalt  }
0x3f: {  	_ =	shalt  }
0x40: {  	_ =	shalt  }
0x41: {  	_ =	shalt  }
0x42: {  	_ =	shalt  }
0x43: {  	_ =	shalt  }
0x44: {  	_ =	shalt  }
0x45: {  	_ =	shalt  }
0x46: {  	_ =	shalt  }
0x47: {  	_ =	shalt  }
0x48: {  	_ =	shalt  }
0x49: {  	_ =	shalt  }
0x4a: {  	_ =	shalt  }
0x4b: {  	_ =	shalt  }
0x4c: {  	_ =	shalt  }
0x4d: {  	_ =	shalt  }
0x4e: {  	_ =	shalt  }
0x4f: {  	_ =	shalt  }
0x50: {  	_ =	shalt  }
0x51: {  	_ =	shalt  }
0x52: {  	_ =	shalt  }
0x53: {  	_ =	shalt  }
0x54: {  	_ =	shalt  }
0x55: {  	_ =	shalt  }
0x56: {  	_ =	shalt  }
0x57: {  	_ =	shalt  }
0x58: {  	_ =	shalt  }
0x59: {  	_ =	shalt  }
0x5a: {  	_ =	shalt  }
0x5b: {  	_ =	shalt  }
0x5c: {  	_ =	shalt  }
0x5d: {  	_ =	shalt  }
0x5e: {  	_ =	shalt  }
0x5f: {  	_ =	shalt  }
0x60: {  	_ =	shalt  }
0x61: {  	_ =	shalt  }
0x62: {  	_ =	shalt  }
0x63: {  	_ =	shalt  }
0x64: {  	_ =	shalt  }
0x65: {  	_ =	shalt  }
0x66: {  	_ =	shalt  }
0x67: {  	_ =	shalt  }
0x68: {  	_ =	shalt  }
0x69: {  	_ =	shalt  }
0x6a: {  	_ =	shalt  }
0x6b: {  	_ =	shalt  }
0x6c: {  	_ =	shalt  }
0x6d: {  	_ =	shalt  }
0x6e: {  	_ =	shalt  }
0x6f: {  	_ =	shalt  }
0x70: {  	_ =	shalt  }
0x71: {  	_ =	shalt  }
0x72: {  	_ =	shalt  }
0x73: {  	_ =	shalt  }
0x74: {  	_ =	shalt  }
0x75: {  	_ =	shalt  }
0x76: {  	_ =	shalt  }
0x77: {  	_ =	shalt  }
0x78: {  	_ =	shalt  }
0x79: {  	_ =	shalt  }
0x7a: {  	_ =	shalt  }
0x7b: {  	_ =	shalt  }
0x7c: {  	_ =	shalt  }
0x7d: {  	_ =	shalt  }
0x7e: {  	_ =	shalt  }
0x7f: {  	_ =	shalt  }
0x80: {  	_ =	shalt  }
0x81: {  	_ =	shalt  }
0x82: {  	_ =	shalt  }
0x83: {  	_ =	shalt  }
0x84: {  	_ =	shalt  }
0x85: {  	_ =	shalt  }
0x86: {  	_ =	shalt  }
0x87: {  	_ =	shalt  }
.Lfunc_end0:
.L_simem_size_0:
called_computation_lowered:
.L_overlay_start_0:
0x88: {  	s2 =	sld [smem:$0x3FD9]  }
0x89: {  	s3 =	sld [smem:$0x3FFE];
	_ =	sdelay $0x1  }
0x8a: {  	s1 =	srdreg.scid  }
0x8b: {  	s0 =	sand.u32 $0x1, s1  }
0x8c: {  	s17 =	sshll.u32 s0, $0xA;
	s2 =	sadd.s32 s3, s2  }
0x8d: {  	s2 =	sadd.s32 s2, s17  }
0x8e: {  	[smem:$0x3FC5] =	sst s2  }
0x8f: {  	_ = 	snop  }
0x90: {  	s2 =	sld [smem:$0x3FC9]  }
0x91: {  	s18 =	sld [smem:$0x3FC8]  }
0x92: {  	s4 =	sld [smem:$0x3FC7];
	(tm) =	ssettm $0x1  }
0x93: {  	s5 =	sld [smem:$0x3FFB];
	_ =	sdelay $0x3  }
0x94: {  	_ =	strace s5  }
0x95: {  	s5 =	sld [smem:$0x3FFC];
	_ =	sdelay $0x3  }
0x96: {  	_ =	strace s5  }
0x97: {  	s5 =	sld [smem:$0x3FFD];
	_ =	sdelay $0x3  }
0x98: {  	_ =	strace s5  }
0x99: {  	_ =	strace $0x8FFFFFFF  }
0x9a: {  	s19 =	sld [smem:$0x3FDB];
	_ =	sdelay $0x1  }
0x9b: {  	s6 =	simm.s32 $_scs_section_size  }
0x9c: {  	s7 =	simm.s32 $_size__tile_overlayer_lowered;
	s8 =	simm.s32 $_tile_overlayer_lowered  }
0x9d: {  	s22 =	simm.s32 $0x1BFF;
	s21 =	sshll.u32 s8, $0x1;
	s5 =	sadd.s32 s6, s19  }
0x9e: {  	s9 =	simm.s32 $0x0;
	s20 =	sshll.u32 s7, $0x1;
	s7 =	sadd.s32 s21, s5  }
0x9f: {  	[timem:s9], [sflag:s22] =	dma.local [hbm:s7], s20  }
0xa0: {  	_ =	swait.ge [sflag:s22], s20  }
0xa1: {  	s6 =	ssub.s32 $0x0, s20;
	[sflag:s22] =	ssyncset.done $0x0  }
0xa2: {  	[sflag:s22] =	ssyncadd.s32 s6;
	_ =	sdelay $0x1  }
0xa3: {  	s23 =	simm.s32 $0x1B8B  }
0xa4: {  	_ =	swait.ge [sflag:s23], $0x1  }
0xa5: {  	[sflag:s23] =	ssyncset.done $0x0  }
0xa6: {  	s25 =	simm.s32 $0x1B8E;
	s24 =	sld [smem:$0x3FFE];
	[sflag:s23] =	ssyncadd.s32 $0xFFFFFFFF  }
0xa7: {  	s26 =	simm.s32 $execute0_lowered;
	[smem:$0x3FD2] =	sst s25  }
0xa8: {  	s7 =	sshll.u32 s26, $0x1;
	_ =	strace $0x80000046;
	[dreg:$0x1] =	wrdreg $0xFFFFFFFF  }
0xa9: {  	s28 =	simm.s32 $_size_execute0_lowered;
	s5 =	sadd.s32 s5, s7;
	[dreg:$0x0] =	wrdreg $0x0  }
0xaa: {  	s7 =	sshll.u32 s28, $0x1;
	[dreg:$0x2] =	wrdreg s5  }
0xab: {  	[dreg:$0x3] =	wrdreg s7  }
0xac: {  	[dreg:$0x4] =	wrdreg $0xC0  }
0xad: {  	_ =	task [dreg:s9], $0x5FFFF  }
0xae: {  	[dreg:$0x1] =	wrdreg $0xFFFFFFFF  }
0xaf: {  	[dreg:$0x0] =	wrdreg $0x60  }
0xb0: {  	[dreg:$0x2] =	wrdreg s2  }
0xb1: {  	[dreg:$0x3] =	wrdreg s18  }
0xb2: {  	[dreg:$0x4] =	wrdreg s4  }
0xb3: {  	[dreg:$0x5] =	wrdreg s24  }
0xb4: {  	[dreg:$0x6] =	wrdreg $0x9  }
0xb5: {  	_ =	task.clear_ibuf [dreg:s9], $0x7FFFF;
	_ =	strace $0x90000046  }
0xb6: {  	s29 =	simm.s32 $0x9;
	_ =	strace $0x80000048  }
0xb7: {  	_ =	swait.ge [sflag:s29], $0x1  }
0xb8: {  	[sflag:s29] =	ssyncadd.s32 $0xFFFFFFFF  }
0xb9: {  	_ =	strace $0x90000048  }
0xba: {  	_ =	sfence  }
0xbb: {  	s30 =	sld [smem:$0x0];
	_ =	sdelay $0x2  }
0xbc: {  	s31 =	sshll.u32 s1, $0xD;
	s1 =	sshrl.u32 s1, $0x2  }
0xbd: {  	s3 =	sand.u32 $0x4000, s31;
	s1 =	sadd.s32 s1, s30  }
0xbe: {  	s0 =	sor.u32 s3, s0;
	s1 =	sshll.u32 s1, $0x11  }
0xbf: {  	s0 =	sor.u32 s1, s0  }
0xc0: {  	s0 =	sadd.s32 $0x8F2B, s0  }
0xc1: {  	[sflag:s0] =	ssyncadd.remote.s32 $0x1  }
0xc2: {  	_ =	sfence.sel $0xFFFF  }
0xc3: {  	[dreg:$0x0] =	wrdreg $0xFFFFFFFF;
	(pc) =	sbr.abs _section_cstart, $3  }
0xc4: {  	[dreg:$0x1] =	wrdreg $0xFFFFFFFF  }
0xc5: {  	_ =	task.clear_ibuf [dreg:s9], $0x2FFFF;
	_ =	strace $0x9FFFFFFF  }
0xc6: {  	(tm) =	ssettm $0x7FFFFFFF  }
0xc7: {  	_ =	shalt  }
tec
execute0_lowered:
.L_overlay_start_1:
0x0: {  	(tag) =	ssettag $0x1  }
0x1: {  	s1 =	rddreg [dreg:$0x0]  }
0x2: {  	s2 =	rddreg [dreg:$0x1]  }
0x3: {  	s4 =	rddreg [dreg:$0x2];
	s3 =	srdreg.scid  }
0x4: {  	s0 =	stileid.u32;
	s6 =	rddreg [dreg:$0x3]  }
0x5: {  	s10 =	simm.s32 $0x100;
	s11 =	simm.s32 $0x900;
	s12 =	simm.s32 $0x1100  }
0x6: {  	s13 =	simm.s32 $0x300;
	s14 =	simm.s32 $0xB00;
	s17 =	simm.s32 $0xD00  }
0x7: {  	s7 =	sand.u32 $0x1, s3;
	s5 =	sshll.u32 s0, $0x1;
	s3 =	rddreg [dreg:$0x4]  }
0x8: {  	s31 =	sshll.u32 s0, $0x4;
	s8 =	sor.u32 s7, s5;
	s5 =	simm.s32 $0x0  }
0x9: {  	s9 =	ssub.s32 $0x2, s7;
	s7 =	sshll.u32 s7, $0x8;
	s6 =	sadd.s32 s6, s31  }
0xa: {  	s15 =	smul.u32 $0x100800, s8;
	[smem:$0x7FF] =	sst s5;
	s30 =	sshrl.u32 s9, $0x1  }
0xb: {  	s6 =	sadd.s32 s7, s6;
	_ =	strace $0x80000047;
	s8 =	ssub.s32 s9, s30  }
0xc: {  	s9 =	simm.s32 $0x200;
	s16 =	sor.u32 $0x80, s15;
	s18 =	sor.u32 $0x100, s15  }
0xd: {  	s19 =	sor.u32 $0x180, s15;
	s20 =	sor.u32 $0x200, s15;
	s21 =	sor.u32 $0x280, s15  }
0xe: {  	s22 =	sor.u32 $0x300, s15;
	s23 =	sor.u32 $0x380, s15;
	s7 =	smax.u32 s8, $0x1  }
0xf: {  	s8 =	simm.s32 $0x2;
	v0 =	vmov s15;
	s15 =	simm.s32 $0x1300;
	v1 =	vmov s16;
	s16 =	simm.s32 $0x500  }
0x10: {  	v2 =	vmov s18;
	v3 =	vmov s19;
	v4 =	vmov s20;
	s18 =	simm.s32 $0x1500;
	s19 =	simm.s32 $0x700;
	s20 =	simm.s32 $0xF00  }
0x11: {  	v5 =	vmov s21;
	v6 =	vmov s22;
	v7 =	vmov s23;
	s21 =	simm.s32 $0x1700;
	s22 =	simm.s32 $0x1;
	s23 =	simm.s32 $0x1900  }
.LBB2_1:
0x12: {  	[tilespmem:s5], [sflag:$0x2] =	stream.linear.gather [hbm4b:s4+s5], $0x100, $0x38;
	[tilespmem:$0x1980] =	vst v63  }
0x13: {  	_ =	swait.ge [sflag:s8], $0x100  }
0x14: {  	[sflag:s8] =	ssyncset.done $0x0  }
0x15: {  	[sflag:s8] =	ssyncadd.s32 $0xFFFFFF00  }
0x16: {  	v8 =	vld [tilespmem:$0x0]  }
0x17: {  	v9 =	vld [tilespmem:$0x10]  }
0x18: {  	v10 =	vld [tilespmem:$0x20]  }
0x19: {  	v11 =	vld [tilespmem:$0x30]  }
0x1a: {  	v13 =	vld [tilespmem:$0x40]  }
0x1b: {  	v15 =	vld [tilespmem:$0x50]  }
0x1c: {  	v29 =	vld [tilespmem:$0x60]  }
0x1d: {  	v17 =	vld [tilespmem:$0x70];
	v12 =	vshll.u32 v8, $0x3  }
0x1e: {  	v14 =	vshll.u32 v9, $0x3;
	v8 =	vand.u32 $0x7F, v8;
	v9 =	vand.u32 $0x7F, v9  }
0x1f: {  	v18 =	vld [tilespmem:$0x80];
	v28 =	vshll.u32 v10, $0x3;
	v10 =	vand.u32 $0x7F, v10;
	v16 =	vshll.u32 v11, $0x3  }
0x20: {  	v31 =	vshll.u32 v13, $0x3;
	v11 =	vand.u32 $0x7F, v11;
	v13 =	vand.u32 $0x7F, v13  }
0x21: {  	v44 =	vld [tilespmem:$0xC0];
	v33 =	vshll.u32 v15, $0x3;
	v15 =	vand.u32 $0x7F, v15;
	v19 =	vshll.u32 v29, $0x3  }
0x22: {  	v37 =	vshll.u32 v17, $0x3;
	v38 =	vand.u32 $0x7F, v29;
	v12 =	vand.u32 $0xFFFFFC00, v12  }
0x23: {  	v57 =	vld [tilespmem:$0xF0];
	v40 =	vand.u32 $0x7F, v17;
	v14 =	vand.u32 $0xFFFFFC00, v14;
	v8 =	vor.u32 v8, v12  }
0x24: {  	v43 =	vshll.u32 v18, $0x3;
	v30 =	vand.u32 $0xFFFFFC00, v16;
	v9 =	vor.u32 v9, v14;
	[tilespmem:$0x0] =	vst v8  }
0x25: {  	v34 =	vld [tilespmem:$0x90];
	v46 =	vand.u32 $0x7F, v18;
	v16 =	vand.u32 $0xFFFFFC00, v31;
	v11 =	vor.u32 v11, v30;
	[tilespmem:$0x10] =	vst v9  }
0x26: {  	v41 =	vld [tilespmem:$0xB0];
	v60 =	vshll.u32 v44, $0x3;
	v39 =	vand.u32 $0xFFFFFC00, v37;
	v32 =	vor.u32 v13, v16;
	[tilespmem:$0x30] =	vst v11  }
0x27: {  	v63 =	vand.u32 $0x7F, v44;
	v45 =	vand.u32 $0xFFFFFC00, v43;
	v42 =	vor.u32 v40, v39;
	[tilespmem:$0x40] =	vst v32  }
0x28: {  	v20 =	vld [tilespmem:$0xA0];
	v24 =	vshll.u32 v57, $0x3;
	v61 =	vand.u32 $0xFFFFFC00, v60;
	v49 =	vor.u32 v46, v45;
	[tilespmem:$0x70] =	vst v42  }
0x29: {  	v48 =	vld [tilespmem:$0xD0];
	v27 =	vand.u32 $0x7F, v57;
	v26 =	vand.u32 $0xFFFFFC00, v24;
	v18 =	vor.u32 v63, v61;
	[tilespmem:$0x80] =	vst v49  }
0x2a: {  	v47 =	vshll.u32 v34, $0x3;
	v12 =	vand.u32 $0xFFFFFC00, v28;
	v29 =	vor.u32 v27, v26;
	[tilespmem:$0xC0] =	vst v18  }
0x2b: {  	v54 =	vld [tilespmem:$0xE0];
	v56 =	vshll.u32 v41, $0x3;
	v13 =	vand.u32 $0xFFFFFC00, v33;
	v10 =	vor.u32 v10, v12;
	[tilespmem:$0xF0] =	vst v29  }
0x2c: {  	v59 =	vand.u32 $0x7F, v41;
	v58 =	vand.u32 $0xFFFFFC00, v56;
	v35 =	vor.u32 v15, v13;
	[tilespmem:$0x20] =	vst v10  }
0x2d: {  	v51 =	vshll.u32 v20, $0x3;
	v53 =	vand.u32 $0x7F, v20;
	v9 =	vor.u32 v59, v58;
	[tilespmem:$0x50] =	vst v35  }
0x2e: {  	v62 =	vshll.u32 v48, $0x3;
	v36 =	vand.u32 $0xFFFFFC00, v19;
	v8 =	vadd.s32 v0, v8;
	[tilespmem:$0xB0] =	vst v9  }
0x2f: {  	v17 =	vand.u32 $0x7F, v48;
	v13 =	vand.u32 $0xFFFFFC00, v51;
	v10 =	vor.u32 v38, v36;
	v21 =	vld [tilespmem:$0x10];
	[tilespmem:$0x100] =	vst v8  }
0x30: {  	v20 =	vshll.u32 v54, $0x3;
	v12 =	vand.u32 $0xFFFFFC00, v62;
	v55 =	vor.u32 v53, v13;
	[tilespmem:$0x60] =	vst v10;
	v25 =	vld [tilespmem:$0x20]  }
0x31: {  	v23 =	vand.u32 $0x7F, v54;
	v22 =	vand.u32 $0xFFFFFC00, v20;
	v19 =	vor.u32 v17, v12;
	v28 =	vld [tilespmem:$0x30];
	[tilespmem:$0xA0] =	vst v55  }
0x32: {  	v52 =	vand.u32 $0x7F, v34;
	v50 =	vand.u32 $0xFFFFFC00, v47;
	v9 =	vor.u32 v23, v22;
	v30 =	vld [tilespmem:$0x40];
	[tilespmem:$0xD0] =	vst v19  }
0x33: {  	v10 =	vor.u32 v52, v50;
	[tilespmem:$0xE0] =	vst v9;
	v31 =	vld [tilespmem:$0x50]  }
0x34: {  	[tilespmem:$0x90] =	vst v10;
	v32 =	vld [tilespmem:$0x60];
	v8 =	vadd.s32 v0, v21  }
0x35: {  	v33 =	vld [tilespmem:$0x70];
	[tilespmem:$0x110] =	vst v8;
	v8 =	vadd.s32 v0, v25  }
0x36: {  	v34 =	vld [tilespmem:$0x80];
	[tilespmem:$0x120] =	vst v8;
	v8 =	vadd.s32 v0, v28  }
0x37: {  	v35 =	vld [tilespmem:$0x90];
	[tilespmem:$0x130] =	vst v8;
	v8 =	vadd.s32 v0, v30  }
0x38: {  	v36 =	vld [tilespmem:$0xA0];
	[tilespmem:$0x140] =	vst v8;
	v8 =	vadd.s32 v0, v31  }
0x39: {  	v37 =	vld [tilespmem:$0xB0];
	[tilespmem:$0x150] =	vst v8;
	v8 =	vadd.s32 v0, v32  }
0x3a: {  	v38 =	vld [tilespmem:$0xC0];
	[tilespmem:$0x160] =	vst v8;
	v8 =	vadd.s32 v0, v33  }
0x3b: {  	v39 =	vld [tilespmem:$0xD0];
	[tilespmem:$0x170] =	vst v8;
	v8 =	vadd.s32 v0, v34  }
0x3c: {  	v40 =	vld [tilespmem:$0xE0];
	[tilespmem:$0x180] =	vst v8;
	v8 =	vadd.s32 v0, v35  }
0x3d: {  	v41 =	vld [tilespmem:$0xF0];
	[tilespmem:$0x190] =	vst v8;
	v8 =	vadd.s32 v0, v36  }
0x3e: {  	v42 =	vld [tilespmem:$0x0];
	[tilespmem:$0x1A0] =	vst v8;
	v8 =	vadd.s32 v0, v37  }
0x3f: {  	v43 =	vld [tilespmem:$0x10];
	[tilespmem:$0x1B0] =	vst v8;
	v8 =	vadd.s32 v0, v38  }
0x40: {  	v44 =	vld [tilespmem:$0x20];
	[tilespmem:$0x1C0] =	vst v8;
	v8 =	vadd.s32 v0, v39  }
0x41: {  	v45 =	vld [tilespmem:$0x30];
	[tilespmem:$0x1D0] =	vst v8;
	v8 =	vadd.s32 v0, v40  }
0x42: {  	[tilespmem:$0x1E0] =	vst v8;
	v8 =	vadd.s32 v0, v41  }
0x43: {  	[tilespmem:$0x1F0] =	vst v8;
	v8 =	vadd.s32 v1, v42  }
0x44: {  	[tilespmem:$0x200] =	vst v8;
	v8 =	vadd.s32 v1, v43  }
0x45: {  	[tilespmem:$0x210] =	vst v8;
	v8 =	vadd.s32 v1, v44  }
0x46: {  	[tilespmem:$0x220] =	vst v8;
	v8 =	vadd.s32 v1, v45  }
0x47: {  	[tilespmem:$0x230] =	vst v8  }
0x48: {  	v8 =	vld [tilespmem:$0x40]  }
0x49: {  	v46 =	vld [tilespmem:$0x50]  }
0x4a: {  	v47 =	vld [tilespmem:$0x60]  }
0x4b: {  	v48 =	vld [tilespmem:$0x70]  }
0x4c: {  	v49 =	vld [tilespmem:$0x80]  }
0x4d: {  	v50 =	vld [tilespmem:$0x90];
	v8 =	vadd.s32 v1, v8  }
0x4e: {  	v51 =	vld [tilespmem:$0xA0];
	[tilespmem:$0x240] =	vst v8;
	v8 =	vadd.s32 v1, v46  }
0x4f: {  	v52 =	vld [tilespmem:$0xB0];
	[tilespmem:$0x250] =	vst v8;
	v8 =	vadd.s32 v1, v47  }
0x50: {  	v53 =	vld [tilespmem:$0xC0];
	[tilespmem:$0x260] =	vst v8;
	v8 =	vadd.s32 v1, v48  }
0x51: {  	v54 =	vld [tilespmem:$0xD0];
	[tilespmem:$0x270] =	vst v8;
	v8 =	vadd.s32 v1, v49  }
0x52: {  	v55 =	vld [tilespmem:$0xE0];
	[tilespmem:$0x280] =	vst v8;
	v8 =	vadd.s32 v1, v50  }
0x53: {  	v56 =	vld [tilespmem:$0xF0];
	[tilespmem:$0x290] =	vst v8;
	v8 =	vadd.s32 v1, v51  }
0x54: {  	v57 =	vld [tilespmem:$0x0];
	[tilespmem:$0x2A0] =	vst v8;
	v8 =	vadd.s32 v1, v52  }
0x55: {  	v58 =	vld [tilespmem:$0x10];
	[tilespmem:$0x2B0] =	vst v8;
	v8 =	vadd.s32 v1, v53  }
0x56: {  	v59 =	vld [tilespmem:$0x20];
	[tilespmem:$0x2C0] =	vst v8;
	v8 =	vadd.s32 v1, v54  }
0x57: {  	v60 =	vld [tilespmem:$0x30];
	[tilespmem:$0x2D0] =	vst v8;
	v8 =	vadd.s32 v1, v55  }
0x58: {  	v61 =	vld [tilespmem:$0x40];
	[tilespmem:$0x2E0] =	vst v8;
	v8 =	vadd.s32 v1, v56  }
0x59: {  	v62 =	vld [tilespmem:$0x50];
	[tilespmem:$0x2F0] =	vst v8;
	v8 =	vadd.s32 v2, v57  }
0x5a: {  	v63 =	vld [tilespmem:$0x60];
	[tilespmem:$0x300] =	vst v8;
	v8 =	vadd.s32 v2, v58  }
0x5b: {  	v16 =	vld [tilespmem:$0x70];
	[tilespmem:$0x310] =	vst v8;
	v8 =	vadd.s32 v2, v59  }
0x5c: {  	v17 =	vld [tilespmem:$0x80];
	[tilespmem:$0x320] =	vst v8;
	v8 =	vadd.s32 v2, v60  }
0x5d: {  	v18 =	vld [tilespmem:$0x90];
	[tilespmem:$0x330] =	vst v8;
	v8 =	vadd.s32 v2, v61  }
0x5e: {  	v19 =	vld [tilespmem:$0xA0];
	[tilespmem:$0x340] =	vst v8;
	v8 =	vadd.s32 v2, v62  }
0x5f: {  	v20 =	vld [tilespmem:$0xB0];
	[tilespmem:$0x350] =	vst v8;
	v8 =	vadd.s32 v2, v63  }
0x60: {  	v21 =	vld [tilespmem:$0xC0];
	[tilespmem:$0x360] =	vst v8;
	v8 =	vadd.s32 v2, v16  }
0x61: {  	v22 =	vld [tilespmem:$0xD0];
	[tilespmem:$0x370] =	vst v8;
	v8 =	vadd.s32 v2, v17  }
0x62: {  	v23 =	vld [tilespmem:$0xE0];
	[tilespmem:$0x380] =	vst v8;
	v8 =	vadd.s32 v2, v18  }
0x63: {  	v24 =	vld [tilespmem:$0xF0];
	[tilespmem:$0x390] =	vst v8;
	v8 =	vadd.s32 v2, v19  }
0x64: {  	v25 =	vld [tilespmem:$0x0];
	[tilespmem:$0x3A0] =	vst v8;
	v8 =	vadd.s32 v2, v20  }
0x65: {  	v26 =	vld [tilespmem:$0x10];
	[tilespmem:$0x3B0] =	vst v8;
	v8 =	vadd.s32 v2, v21  }
0x66: {  	v27 =	vld [tilespmem:$0x20];
	[tilespmem:$0x3C0] =	vst v8;
	v8 =	vadd.s32 v2, v22  }
0x67: {  	v28 =	vld [tilespmem:$0x30];
	[tilespmem:$0x3D0] =	vst v8;
	v8 =	vadd.s32 v2, v23  }
0x68: {  	v29 =	vld [tilespmem:$0x40];
	[tilespmem:$0x3E0] =	vst v8;
	v8 =	vadd.s32 v2, v24  }
0x69: {  	v30 =	vld [tilespmem:$0x50];
	[tilespmem:$0x3F0] =	vst v8;
	v8 =	vadd.s32 v3, v25  }
0x6a: {  	v31 =	vld [tilespmem:$0x60];
	[tilespmem:$0x400] =	vst v8;
	v8 =	vadd.s32 v3, v26  }
0x6b: {  	v32 =	vld [tilespmem:$0x70];
	[tilespmem:$0x410] =	vst v8;
	v8 =	vadd.s32 v3, v27  }
0x6c: {  	v33 =	vld [tilespmem:$0x80];
	[tilespmem:$0x420] =	vst v8;
	v8 =	vadd.s32 v3, v28  }
0x6d: {  	v34 =	vld [tilespmem:$0x90];
	[tilespmem:$0x430] =	vst v8;
	v8 =	vadd.s32 v3, v29  }
0x6e: {  	v35 =	vld [tilespmem:$0xA0];
	[tilespmem:$0x440] =	vst v8;
	v8 =	vadd.s32 v3, v30  }
0x6f: {  	v36 =	vld [tilespmem:$0xB0];
	[tilespmem:$0x450] =	vst v8;
	v8 =	vadd.s32 v3, v31  }
0x70: {  	v37 =	vld [tilespmem:$0xC0];
	[tilespmem:$0x460] =	vst v8;
	v8 =	vadd.s32 v3, v32  }
0x71: {  	v38 =	vld [tilespmem:$0xD0];
	[tilespmem:$0x470] =	vst v8;
	v8 =	vadd.s32 v3, v33  }
0x72: {  	v39 =	vld [tilespmem:$0xE0];
	[tilespmem:$0x480] =	vst v8;
	v8 =	vadd.s32 v3, v34  }
0x73: {  	v40 =	vld [tilespmem:$0xF0];
	[tilespmem:$0x490] =	vst v8;
	v8 =	vadd.s32 v3, v35  }
0x74: {  	v41 =	vld [tilespmem:$0x0];
	[tilespmem:$0x4A0] =	vst v8;
	v8 =	vadd.s32 v3, v36  }
0x75: {  	v42 =	vld [tilespmem:$0x10];
	[tilespmem:$0x4B0] =	vst v8;
	v8 =	vadd.s32 v3, v37  }
0x76: {  	v43 =	vld [tilespmem:$0x20];
	[tilespmem:$0x4C0] =	vst v8;
	v8 =	vadd.s32 v3, v38  }
0x77: {  	v44 =	vld [tilespmem:$0x30];
	[tilespmem:$0x4D0] =	vst v8;
	v8 =	vadd.s32 v3, v39  }
0x78: {  	v45 =	vld [tilespmem:$0x40];
	[tilespmem:$0x4E0] =	vst v8;
	v8 =	vadd.s32 v3, v40  }
0x79: {  	v46 =	vld [tilespmem:$0x50];
	[tilespmem:$0x4F0] =	vst v8;
	v8 =	vadd.s32 v4, v41  }
0x7a: {  	v47 =	vld [tilespmem:$0x60];
	[tilespmem:$0x500] =	vst v8;
	v8 =	vadd.s32 v4, v42  }
0x7b: {  	v48 =	vld [tilespmem:$0x70];
	[tilespmem:$0x510] =	vst v8;
	v8 =	vadd.s32 v4, v43  }
0x7c: {  	v49 =	vld [tilespmem:$0x80];
	[tilespmem:$0x520] =	vst v8;
	v8 =	vadd.s32 v4, v44  }
0x7d: {  	v50 =	vld [tilespmem:$0x90];
	[tilespmem:$0x530] =	vst v8;
	v8 =	vadd.s32 v4, v45  }
0x7e: {  	v51 =	vld [tilespmem:$0xA0];
	[tilespmem:$0x540] =	vst v8;
	v8 =	vadd.s32 v4, v46  }
0x7f: {  	v52 =	vld [tilespmem:$0xB0];
	[tilespmem:$0x550] =	vst v8;
	v8 =	vadd.s32 v4, v47  }
0x80: {  	v53 =	vld [tilespmem:$0xC0];
	[tilespmem:$0x560] =	vst v8;
	v8 =	vadd.s32 v4, v48  }
0x81: {  	v54 =	vld [tilespmem:$0xD0];
	[tilespmem:$0x570] =	vst v8;
	v8 =	vadd.s32 v4, v49  }
0x82: {  	v55 =	vld [tilespmem:$0xE0];
	[tilespmem:$0x580] =	vst v8;
	v8 =	vadd.s32 v4, v50  }
0x83: {  	v56 =	vld [tilespmem:$0xF0];
	[tilespmem:$0x590] =	vst v8;
	v8 =	vadd.s32 v4, v51  }
0x84: {  	v57 =	vld [tilespmem:$0x0];
	[tilespmem:$0x5A0] =	vst v8;
	v8 =	vadd.s32 v4, v52  }
0x85: {  	v58 =	vld [tilespmem:$0x10];
	[tilespmem:$0x5B0] =	vst v8;
	v8 =	vadd.s32 v4, v53  }
0x86: {  	v59 =	vld [tilespmem:$0x20];
	[tilespmem:$0x5C0] =	vst v8;
	v8 =	vadd.s32 v4, v54  }
0x87: {  	v60 =	vld [tilespmem:$0x30];
	[tilespmem:$0x5D0] =	vst v8;
	v8 =	vadd.s32 v4, v55  }
0x88: {  	v61 =	vld [tilespmem:$0x40];
	[tilespmem:$0x5E0] =	vst v8;
	v8 =	vadd.s32 v4, v56  }
0x89: {  	v62 =	vld [tilespmem:$0x50];
	[tilespmem:$0x5F0] =	vst v8;
	v8 =	vadd.s32 v5, v57  }
0x8a: {  	v63 =	vld [tilespmem:$0x60];
	[tilespmem:$0x600] =	vst v8;
	v8 =	vadd.s32 v5, v58  }
0x8b: {  	v16 =	vld [tilespmem:$0x70];
	[tilespmem:$0x610] =	vst v8;
	v8 =	vadd.s32 v5, v59  }
0x8c: {  	v17 =	vld [tilespmem:$0x80];
	[tilespmem:$0x620] =	vst v8;
	v8 =	vadd.s32 v5, v60  }
0x8d: {  	v18 =	vld [tilespmem:$0x90];
	[tilespmem:$0x630] =	vst v8;
	v8 =	vadd.s32 v5, v61  }
0x8e: {  	v19 =	vld [tilespmem:$0xA0];
	[tilespmem:$0x640] =	vst v8;
	v8 =	vadd.s32 v5, v62  }
0x8f: {  	v20 =	vld [tilespmem:$0xB0];
	[tilespmem:$0x650] =	vst v8;
	v8 =	vadd.s32 v5, v63  }
0x90: {  	v21 =	vld [tilespmem:$0xC0];
	[tilespmem:$0x660] =	vst v8;
	v8 =	vadd.s32 v5, v16  }
0x91: {  	v22 =	vld [tilespmem:$0xD0];
	[tilespmem:$0x670] =	vst v8;
	v8 =	vadd.s32 v5, v17  }
0x92: {  	v23 =	vld [tilespmem:$0xE0];
	[tilespmem:$0x680] =	vst v8;
	v8 =	vadd.s32 v5, v18  }
0x93: {  	v24 =	vld [tilespmem:$0xF0];
	[tilespmem:$0x690] =	vst v8;
	v8 =	vadd.s32 v5, v19  }
0x94: {  	v25 =	vld [tilespmem:$0x0];
	[tilespmem:$0x6A0] =	vst v8;
	v8 =	vadd.s32 v5, v20  }
0x95: {  	v26 =	vld [tilespmem:$0x10];
	[tilespmem:$0x6B0] =	vst v8;
	v8 =	vadd.s32 v5, v21  }
0x96: {  	v27 =	vld [tilespmem:$0x20];
	[tilespmem:$0x6C0] =	vst v8;
	v8 =	vadd.s32 v5, v22  }
0x97: {  	v28 =	vld [tilespmem:$0x30];
	[tilespmem:$0x6D0] =	vst v8;
	v8 =	vadd.s32 v5, v23  }
0x98: {  	v29 =	vld [tilespmem:$0x40];
	[tilespmem:$0x6E0] =	vst v8;
	v8 =	vadd.s32 v5, v24  }
0x99: {  	v30 =	vld [tilespmem:$0x50];
	[tilespmem:$0x6F0] =	vst v8;
	v8 =	vadd.s32 v6, v25  }
0x9a: {  	v31 =	vld [tilespmem:$0x60];
	[tilespmem:$0x700] =	vst v8;
	v8 =	vadd.s32 v6, v26  }
0x9b: {  	v32 =	vld [tilespmem:$0x70];
	[tilespmem:$0x710] =	vst v8;
	v8 =	vadd.s32 v6, v27  }
0x9c: {  	v33 =	vld [tilespmem:$0x80];
	[tilespmem:$0x720] =	vst v8;
	v8 =	vadd.s32 v6, v28  }
0x9d: {  	v34 =	vld [tilespmem:$0x90];
	[tilespmem:$0x730] =	vst v8;
	v8 =	vadd.s32 v6, v29  }
0x9e: {  	v35 =	vld [tilespmem:$0xA0];
	[tilespmem:$0x740] =	vst v8;
	v8 =	vadd.s32 v6, v30  }
0x9f: {  	v36 =	vld [tilespmem:$0xB0];
	[tilespmem:$0x750] =	vst v8;
	v8 =	vadd.s32 v6, v31  }
0xa0: {  	v37 =	vld [tilespmem:$0xC0];
	[tilespmem:$0x760] =	vst v8;
	v8 =	vadd.s32 v6, v32  }
0xa1: {  	v38 =	vld [tilespmem:$0xD0];
	[tilespmem:$0x770] =	vst v8;
	v8 =	vadd.s32 v6, v33  }
0xa2: {  	v39 =	vld [tilespmem:$0xE0];
	[tilespmem:$0x780] =	vst v8;
	v8 =	vadd.s32 v6, v34  }
0xa3: {  	v40 =	vld [tilespmem:$0xF0];
	[tilespmem:$0x790] =	vst v8;
	v8 =	vadd.s32 v6, v35  }
0xa4: {  	v41 =	vld [tilespmem:$0x0];
	[tilespmem:$0x7A0] =	vst v8;
	v8 =	vadd.s32 v6, v36  }
0xa5: {  	v42 =	vld [tilespmem:$0x10];
	[tilespmem:$0x7B0] =	vst v8;
	v8 =	vadd.s32 v6, v37  }
0xa6: {  	v43 =	vld [tilespmem:$0x20];
	[tilespmem:$0x7C0] =	vst v8;
	v8 =	vadd.s32 v6, v38  }
0xa7: {  	v44 =	vld [tilespmem:$0x30];
	[tilespmem:$0x7D0] =	vst v8;
	v8 =	vadd.s32 v6, v39  }
0xa8: {  	v45 =	vld [tilespmem:$0x40];
	[tilespmem:$0x7E0] =	vst v8;
	v8 =	vadd.s32 v6, v40  }
0xa9: {  	v46 =	vld [tilespmem:$0x50];
	[tilespmem:$0x7F0] =	vst v8;
	v8 =	vadd.s32 v7, v41  }
0xaa: {  	v47 =	vld [tilespmem:$0x60];
	[tilespmem:$0x800] =	vst v8;
	v8 =	vadd.s32 v7, v42  }
0xab: {  	v48 =	vld [tilespmem:$0x70];
	[tilespmem:$0x810] =	vst v8;
	v8 =	vadd.s32 v7, v43  }
0xac: {  	v49 =	vld [tilespmem:$0x80];
	[tilespmem:$0x820] =	vst v8;
	v8 =	vadd.s32 v7, v44  }
0xad: {  	v50 =	vld [tilespmem:$0x90];
	[tilespmem:$0x830] =	vst v8;
	v8 =	vadd.s32 v7, v45  }
0xae: {  	v51 =	vld [tilespmem:$0xA0];
	[tilespmem:$0x840] =	vst v8;
	v8 =	vadd.s32 v7, v46  }
0xaf: {  	v52 =	vld [tilespmem:$0xB0];
	[tilespmem:$0x850] =	vst v8;
	v8 =	vadd.s32 v7, v47  }
0xb0: {  	v53 =	vld [tilespmem:$0xC0];
	[tilespmem:$0x860] =	vst v8;
	v8 =	vadd.s32 v7, v48  }
0xb1: {  	v54 =	vld [tilespmem:$0xD0];
	[tilespmem:$0x870] =	vst v8;
	v8 =	vadd.s32 v7, v49  }
0xb2: {  	v55 =	vld [tilespmem:$0xE0];
	[tilespmem:$0x880] =	vst v8;
	v8 =	vadd.s32 v7, v50  }
0xb3: {  	v56 =	vld [tilespmem:$0xF0];
	[tilespmem:$0x890] =	vst v8;
	v8 =	vadd.s32 v7, v51  }
0xb4: {  	[tilespmem:$0x8A0] =	vst v8;
	v8 =	vadd.s32 v7, v52  }
0xb5: {  	[tilespmem:$0x8B0] =	vst v8;
	v8 =	vadd.s32 v7, v53  }
0xb6: {  	[tilespmem:$0x8C0] =	vst v8;
	v8 =	vadd.s32 v7, v54  }
0xb7: {  	[tilespmem:$0x8D0] =	vst v8;
	v8 =	vadd.s32 v7, v55  }
0xb8: {  	[tilespmem:$0x8E0] =	vst v8;
	v8 =	vadd.s32 v7, v56  }
0xb9: {  	[tilespmem:$0x8F0] =	vst v8  }
0xba: {  	[tilespmem:s11], [sflag:$0x1] =	stream.indirect.gather [hbm4b:s1+s9], $0x1, s10, s9, $0xb8;
	[tilespmem:$0x1980] =	vst v63  }
0xbb: {  	_ = 	snop  }
0xbc: {  	[tilespmem:s12], [sflag:$0x1] =	stream.indirect.gather [hbm4b:s2+s9], $0x1, s10, s9, $0xb8;
	[tilespmem:$0x1980] =	vst v63  }
0xbd: {  	_ = 	snop  }
0xbe: {  	[tilespmem:s14], [sflag:$0x1] =	stream.indirect.gather [hbm4b:s1+s9], $0x1, s13, s9, $0xb8;
	[tilespmem:$0x1980] =	vst v63  }
0xbf: {  	_ = 	snop  }
0xc0: {  	[tilespmem:s15], [sflag:$0x1] =	stream.indirect.gather [hbm4b:s2+s9], $0x1, s13, s9, $0xb8;
	[tilespmem:$0x1980] =	vst v63  }
0xc1: {  	_ = 	snop  }
0xc2: {  	[tilespmem:s17], [sflag:$0x1] =	stream.indirect.gather [hbm4b:s1+s9], $0x1, s16, s9, $0xb8;
	[tilespmem:$0x1980] =	vst v63  }
0xc3: {  	_ = 	snop  }
0xc4: {  	[tilespmem:s18], [sflag:$0x1] =	stream.indirect.gather [hbm4b:s2+s9], $0x1, s16, s9, $0xb8;
	[tilespmem:$0x1980] =	vst v63  }
0xc5: {  	_ = 	snop  }
0xc6: {  	[tilespmem:s20], [sflag:$0x1] =	stream.indirect.gather [hbm4b:s1+s9], $0x1, s19, s9, $0xb8;
	[tilespmem:$0x1980] =	vst v63  }
0xc7: {  	_ = 	snop  }
0xc8: {  	[tilespmem:s21], [sflag:$0x1] =	stream.indirect.gather [hbm4b:s2+s9], $0x1, s19, s9, $0xb8;
	[tilespmem:$0x1980] =	vst v63  }
0xc9: {  	_ =	swait.ge [sflag:s22], $0x200  }
0xca: {  	[sflag:s22] =	ssyncset.done $0x0  }
0xcb: {  	[sflag:s22] =	ssyncadd.s32 $0xFFFFFE00  }
0xcc: {  	_ =	swait.ge [sflag:s22], $0x200  }
0xcd: {  	[sflag:s22] =	ssyncset.done $0x0  }
0xce: {  	[sflag:s22] =	ssyncadd.s32 $0xFFFFFE00  }
0xcf: {  	v8 =	vld [tilespmem:$0x900]  }
0xd0: {  	v57 =	vld [tilespmem:$0x1100]  }
0xd1: {  	v58 =	vld [tilespmem:$0x910]  }
0xd2: {  	v59 =	vld [tilespmem:$0x1110]  }
0xd3: {  	v60 =	vld [tilespmem:$0x920]  }
0xd4: {  	v61 =	vld [tilespmem:$0x1120]  }
0xd5: {  	v62 =	vld [tilespmem:$0x930]  }
0xd6: {  	v63 =	vld [tilespmem:$0x1130]  }
0xd7: {  	v36 =	vld [tilespmem:$0x940]  }
0xd8: {  	v37 =	vld [tilespmem:$0x1140]  }
0xd9: {  	v38 =	vld [tilespmem:$0x950]  }
0xda: {  	v39 =	vld [tilespmem:$0x1150]  }
0xdb: {  	v40 =	vld [tilespmem:$0x960]  }
0xdc: {  	v21 =	vld [tilespmem:$0x1160]  }
0xdd: {  	v22 =	vld [tilespmem:$0x970]  }
0xde: {  	v23 =	vld [tilespmem:$0x1170]  }
0xdf: {  	v24 =	vld [tilespmem:$0x980]  }
0xe0: {  	v25 =	vld [tilespmem:$0x1180]  }
0xe1: {  	v26 =	vld [tilespmem:$0x990]  }
0xe2: {  	v27 =	vld [tilespmem:$0x1190]  }
0xe3: {  	v28 =	vld [tilespmem:$0x9A0]  }
0xe4: {  	v29 =	vld [tilespmem:$0x11A0]  }
0xe5: {  	v30 =	vld [tilespmem:$0x9B0]  }
0xe6: {  	v31 =	vld [tilespmem:$0x11B0];
	v8 =	vsub.f32 v8, v57;
	v41 =	vsub.f32 v58, v59  }
0xe7: {  	v32 =	vld [tilespmem:$0x9C0]  }
0xe8: {  	v33 =	vld [tilespmem:$0x11C0];
	v12 =	vsub.f32 v60, v61;
	v8 =	vand.u32 $0x7FFFFFFF, v8;
	v9 =	vand.u32 $0x7FFFFFFF, v41  }
0xe9: {  	v42 =	vld [tilespmem:$0x9D0];
	v8 =	vadd.f32 v9, v8  }
0xea: {  	v43 =	vld [tilespmem:$0x11D0];
	v14 =	vsub.f32 v62, v63;
	v12 =	vand.u32 $0x7FFFFFFF, v12  }
0xeb: {  	v44 =	vld [tilespmem:$0x9E0];
	v8 =	vadd.f32 v12, v8  }
0xec: {  	v45 =	vld [tilespmem:$0x11E0];
	v16 =	vsub.f32 v36, v37;
	v14 =	vand.u32 $0x7FFFFFFF, v14  }
0xed: {  	v46 =	vld [tilespmem:$0x9F0];
	v8 =	vadd.f32 v14, v8  }
0xee: {  	v47 =	vld [tilespmem:$0x11F0];
	v18 =	vsub.f32 v38, v39;
	v16 =	vand.u32 $0x7FFFFFFF, v16  }
0xef: {  	v48 =	vld [tilespmem:$0xA00];
	v8 =	vadd.f32 v16, v8  }
0xf0: {  	v49 =	vld [tilespmem:$0x1200];
	v20 =	vsub.f32 v40, v21;
	v18 =	vand.u32 $0x7FFFFFFF, v18  }
0xf1: {  	v50 =	vld [tilespmem:$0xA10];
	v8 =	vadd.f32 v18, v8  }
0xf2: {  	v51 =	vld [tilespmem:$0x1210];
	v22 =	vsub.f32 v22, v23;
	v20 =	vand.u32 $0x7FFFFFFF, v20  }
0xf3: {  	v52 =	vld [tilespmem:$0xA20];
	v8 =	vadd.f32 v20, v8  }
0xf4: {  	v53 =	vld [tilespmem:$0x1220];
	v24 =	vsub.f32 v24, v25;
	v22 =	vand.u32 $0x7FFFFFFF, v22  }
0xf5: {  	v54 =	vld [tilespmem:$0xA30];
	v8 =	vadd.f32 v22, v8  }
0xf6: {  	v55 =	vld [tilespmem:$0x1230];
	v26 =	vsub.f32 v26, v27;
	v24 =	vand.u32 $0x7FFFFFFF, v24  }
0xf7: {  	v56 =	vld [tilespmem:$0xA40];
	v8 =	vadd.f32 v24, v8  }
0xf8: {  	v57 =	vld [tilespmem:$0x1240];
	v28 =	vsub.f32 v28, v29;
	v26 =	vand.u32 $0x7FFFFFFF, v26  }
0xf9: {  	v58 =	vld [tilespmem:$0xA50];
	v8 =	vadd.f32 v26, v8  }
0xfa: {  	v59 =	vld [tilespmem:$0x1250];
	v30 =	vsub.f32 v30, v31;
	v28 =	vand.u32 $0x7FFFFFFF, v28  }
0xfb: {  	v60 =	vld [tilespmem:$0xA60];
	v8 =	vadd.f32 v28, v8  }
0xfc: {  	v61 =	vld [tilespmem:$0x1260];
	v32 =	vsub.f32 v32, v33;
	v30 =	vand.u32 $0x7FFFFFFF, v30  }
0xfd: {  	v62 =	vld [tilespmem:$0xA70];
	v8 =	vadd.f32 v30, v8  }
0xfe: {  	v63 =	vld [tilespmem:$0x1270];
	v10 =	vsub.f32 v42, v43;
	v32 =	vand.u32 $0x7FFFFFFF, v32  }
0xff: {  	v36 =	vld [tilespmem:$0xA80];
	v8 =	vadd.f32 v32, v8  }
0x100: {  	v37 =	vld [tilespmem:$0x1280];
	v10 =	vand.u32 $0x7FFFFFFF, v10;
	v9 =	vsub.f32 v44, v45  }
0x101: {  	v38 =	vld [tilespmem:$0xA90];
	v8 =	vadd.f32 v10, v8  }
0x102: {  	v39 =	vld [tilespmem:$0x1290];
	v9 =	vand.u32 $0x7FFFFFFF, v9;
	v12 =	vsub.f32 v46, v47  }
0x103: {  	v40 =	vld [tilespmem:$0xAA0];
	v8 =	vadd.f32 v9, v8  }
0x104: {  	v42 =	vld [tilespmem:$0xAB0];
	v12 =	vand.u32 $0x7FFFFFFF, v12;
	v14 =	vsub.f32 v48, v49  }
0x105: {  	v43 =	vld [tilespmem:$0x12B0];
	v8 =	vadd.f32 v12, v8  }
0x106: {  	v41 =	vld [tilespmem:$0x12A0];
	v14 =	vand.u32 $0x7FFFFFFF, v14;
	v16 =	vsub.f32 v50, v51  }
0x107: {  	v44 =	vld [tilespmem:$0xAC0];
	v8 =	vadd.f32 v14, v8  }
0x108: {  	v45 =	vld [tilespmem:$0x12C0];
	v16 =	vand.u32 $0x7FFFFFFF, v16;
	v18 =	vsub.f32 v52, v53  }
0x109: {  	v46 =	vld [tilespmem:$0xAD0];
	v8 =	vadd.f32 v16, v8  }
0x10a: {  	v47 =	vld [tilespmem:$0x12D0];
	v18 =	vand.u32 $0x7FFFFFFF, v18;
	v20 =	vsub.f32 v54, v55  }
0x10b: {  	v48 =	vld [tilespmem:$0xAE0];
	v8 =	vadd.f32 v18, v8  }
0x10c: {  	v49 =	vld [tilespmem:$0x12E0];
	v22 =	vsub.f32 v56, v57;
	v20 =	vand.u32 $0x7FFFFFFF, v20  }
0x10d: {  	v50 =	vld [tilespmem:$0xAF0];
	v8 =	vadd.f32 v20, v8  }
0x10e: {  	v51 =	vld [tilespmem:$0x12F0];
	_ =	swait.ge [sflag:s22], $0x200;
	v52 =	vsub.f32 v58, v59;
	v22 =	vand.u32 $0x7FFFFFFF, v22  }
0x10f: {  	[sflag:s22] =	ssyncset.done $0x0;
	v8 =	vadd.f32 v22, v8  }
0x110: {  	[sflag:s22] =	ssyncadd.s32 $0xFFFFFE00;
	v53 =	vsub.f32 v60, v61;
	v20 =	vand.u32 $0x7FFFFFFF, v52  }
0x111: {  	_ =	swait.ge [sflag:s22], $0x200;
	v8 =	vadd.f32 v20, v8  }
0x112: {  	[sflag:s22] =	ssyncset.done $0x0;
	v54 =	vand.u32 $0x7FFFFFFF, v53;
	v55 =	vsub.f32 v62, v63  }
0x113: {  	[sflag:s22] =	ssyncadd.s32 $0xFFFFFE00;
	v8 =	vadd.f32 v54, v8  }
0x114: {  	v58 =	vsub.f32 v36, v37;
	v56 =	vld [tilespmem:$0xB00];
	v22 =	vand.u32 $0x7FFFFFFF, v55  }
0x115: {  	v57 =	vld [tilespmem:$0x1300];
	v8 =	vadd.f32 v22, v8  }
0x116: {  	v11 =	vsub.f32 v38, v39;
	v25 =	vand.u32 $0x7FFFFFFF, v58;
	v59 =	vld [tilespmem:$0xB10]  }
0x117: {  	v60 =	vld [tilespmem:$0x1310];
	v8 =	vadd.f32 v25, v8  }
0x118: {  	v11 =	vand.u32 $0x7FFFFFFF, v11;
	v61 =	vld [tilespmem:$0xB20];
	v10 =	vsub.f32 v40, v41  }
0x119: {  	v62 =	vld [tilespmem:$0x1320];
	v8 =	vadd.f32 v11, v8  }
0x11a: {  	v63 =	vld [tilespmem:$0xB30];
	v10 =	vand.u32 $0x7FFFFFFF, v10;
	v9 =	vsub.f32 v42, v43  }
0x11b: {  	v31 =	vld [tilespmem:$0xB40];
	v8 =	vadd.f32 v10, v8  }
0x11c: {  	v33 =	vld [tilespmem:$0xB50];
	v9 =	vand.u32 $0x7FFFFFFF, v9;
	v12 =	vsub.f32 v44, v45  }
0x11d: {  	v34 =	vld [tilespmem:$0x1350];
	v8 =	vadd.f32 v9, v8  }
0x11e: {  	v35 =	vld [tilespmem:$0xB60];
	v12 =	vand.u32 $0x7FFFFFFF, v12;
	v14 =	vsub.f32 v46, v47  }
0x11f: {  	v36 =	vld [tilespmem:$0x1360];
	v8 =	vadd.f32 v12, v8  }
0x120: {  	v37 =	vld [tilespmem:$0xB70];
	v14 =	vand.u32 $0x7FFFFFFF, v14;
	v16 =	vsub.f32 v48, v49  }
0x121: {  	v38 =	vld [tilespmem:$0x1370];
	v8 =	vadd.f32 v14, v8  }
0x122: {  	v39 =	vld [tilespmem:$0xB80];
	v16 =	vand.u32 $0x7FFFFFFF, v16;
	v18 =	vsub.f32 v50, v51  }
0x123: {  	v53 =	vld [tilespmem:$0xBF0];
	v8 =	vadd.f32 v16, v8  }
0x124: {  	v58 =	vld [tilespmem:$0x1410];
	v18 =	vand.u32 $0x7FFFFFFF, v18;
	v20 =	vsub.f32 v56, v57  }
0x125: {  	v30 =	vld [tilespmem:$0x1330];
	v8 =	vadd.f32 v18, v8  }
0x126: {  	v32 =	vld [tilespmem:$0x1340];
	v20 =	vand.u32 $0x7FFFFFFF, v20;
	v22 =	vsub.f32 v59, v60  }
0x127: {  	v40 =	vld [tilespmem:$0x1380];
	v8 =	vadd.f32 v20, v8  }
0x128: {  	v41 =	vld [tilespmem:$0xB90];
	v22 =	vand.u32 $0x7FFFFFFF, v22;
	v25 =	vsub.f32 v61, v62  }
0x129: {  	v42 =	vld [tilespmem:$0x1390];
	v8 =	vadd.f32 v22, v8  }
0x12a: {  	v43 =	vld [tilespmem:$0xBA0];
	v25 =	vand.u32 $0x7FFFFFFF, v25;
	v11 =	vsub.f32 v63, v30  }
0x12b: {  	v44 =	vld [tilespmem:$0x13A0];
	v8 =	vadd.f32 v25, v8  }
0x12c: {  	v45 =	vld [tilespmem:$0xBB0];
	v11 =	vand.u32 $0x7FFFFFFF, v11;
	v10 =	vsub.f32 v31, v32  }
0x12d: {  	v46 =	vld [tilespmem:$0x13B0];
	v8 =	vadd.f32 v11, v8  }
0x12e: {  	v47 =	vld [tilespmem:$0xBC0];
	v10 =	vand.u32 $0x7FFFFFFF, v10;
	v9 =	vsub.f32 v33, v34  }
0x12f: {  	v48 =	vld [tilespmem:$0x13C0];
	v8 =	vadd.f32 v10, v8  }
0x130: {  	v49 =	vld [tilespmem:$0xBD0];
	v9 =	vand.u32 $0x7FFFFFFF, v9;
	v12 =	vsub.f32 v35, v36  }
0x131: {  	v50 =	vld [tilespmem:$0x13D0];
	v8 =	vadd.f32 v9, v8  }
0x132: {  	v51 =	vld [tilespmem:$0xBE0];
	v12 =	vand.u32 $0x7FFFFFFF, v12;
	v14 =	vsub.f32 v37, v38  }
0x133: {  	v52 =	vld [tilespmem:$0x13E0];
	v8 =	vadd.f32 v12, v8  }
0x134: {  	v13 =	vsub.f32 v47, v48;
	v47 =	vld [tilespmem:$0xCD0];
	v14 =	vand.u32 $0x7FFFFFFF, v14;
	v16 =	vsub.f32 v39, v40  }
0x135: {  	v48 =	vld [tilespmem:$0x14D0];
	v8 =	vadd.f32 v14, v8  }
0x136: {  	v55 =	vld [tilespmem:$0xC00];
	v16 =	vand.u32 $0x7FFFFFFF, v16;
	v18 =	vsub.f32 v41, v42  }
0x137: {  	v56 =	vld [tilespmem:$0x1400];
	v8 =	vadd.f32 v16, v8  }
0x138: {  	v57 =	vld [tilespmem:$0xC10];
	v18 =	vand.u32 $0x7FFFFFFF, v18;
	v20 =	vsub.f32 v43, v44  }
0x139: {  	v54 =	vld [tilespmem:$0x13F0];
	v8 =	vadd.f32 v18, v8  }
0x13a: {  	v59 =	vld [tilespmem:$0xC20];
	v20 =	vand.u32 $0x7FFFFFFF, v20;
	v22 =	vsub.f32 v45, v46  }
0x13b: {  	v60 =	vld [tilespmem:$0x1420];
	v8 =	vadd.f32 v20, v8  }
0x13c: {  	v61 =	vld [tilespmem:$0xC30];
	v22 =	vand.u32 $0x7FFFFFFF, v22  }
0x13d: {  	v62 =	vld [tilespmem:$0x1430];
	v8 =	vadd.f32 v22, v8  }
0x13e: {  	v13 =	vand.u32 $0x7FFFFFFF, v13;
	v63 =	vld [tilespmem:$0xC40];
	v11 =	vsub.f32 v49, v50  }
0x13f: {  	v30 =	vld [tilespmem:$0x1440];
	v8 =	vadd.f32 v13, v8  }
0x140: {  	v31 =	vld [tilespmem:$0xC50];
	v11 =	vand.u32 $0x7FFFFFFF, v11;
	v10 =	vsub.f32 v51, v52  }
0x141: {  	v32 =	vld [tilespmem:$0x1450];
	v8 =	vadd.f32 v11, v8  }
0x142: {  	v33 =	vld [tilespmem:$0xC60];
	v10 =	vand.u32 $0x7FFFFFFF, v10;
	v9 =	vsub.f32 v53, v54  }
0x143: {  	v34 =	vld [tilespmem:$0x1460];
	v8 =	vadd.f32 v10, v8  }
0x144: {  	v35 =	vld [tilespmem:$0xC70];
	v9 =	vand.u32 $0x7FFFFFFF, v9;
	v12 =	vsub.f32 v55, v56  }
0x145: {  	v36 =	vld [tilespmem:$0x1470];
	v8 =	vadd.f32 v9, v8  }
0x146: {  	v37 =	vld [tilespmem:$0xC80];
	v12 =	vand.u32 $0x7FFFFFFF, v12;
	v14 =	vsub.f32 v57, v58  }
0x147: {  	v38 =	vld [tilespmem:$0x1480];
	v8 =	vadd.f32 v12, v8  }
0x148: {  	v39 =	vld [tilespmem:$0xC90];
	v14 =	vand.u32 $0x7FFFFFFF, v14;
	v16 =	vsub.f32 v59, v60  }
0x149: {  	v40 =	vld [tilespmem:$0x1490];
	v8 =	vadd.f32 v14, v8  }
0x14a: {  	v41 =	vld [tilespmem:$0xCA0];
	v16 =	vand.u32 $0x7FFFFFFF, v16;
	v18 =	vsub.f32 v61, v62  }
0x14b: {  	v42 =	vld [tilespmem:$0x14A0];
	v8 =	vadd.f32 v16, v8  }
0x14c: {  	v43 =	vld [tilespmem:$0xCB0];
	v18 =	vand.u32 $0x7FFFFFFF, v18;
	v20 =	vsub.f32 v63, v30  }
0x14d: {  	v44 =	vld [tilespmem:$0x14B0];
	v8 =	vadd.f32 v18, v8  }
0x14e: {  	v45 =	vld [tilespmem:$0xCC0];
	v20 =	vand.u32 $0x7FFFFFFF, v20;
	v22 =	vsub.f32 v31, v32  }
0x14f: {  	v46 =	vld [tilespmem:$0x14C0];
	v8 =	vadd.f32 v20, v8  }
0x150: {  	v49 =	vld [tilespmem:$0xCE0];
	v22 =	vand.u32 $0x7FFFFFFF, v22;
	v13 =	vsub.f32 v33, v34  }
0x151: {  	v50 =	vld [tilespmem:$0x14E0];
	v8 =	vadd.f32 v22, v8  }
0x152: {  	v51 =	vld [tilespmem:$0xCF0];
	v11 =	vsub.f32 v35, v36;
	v13 =	vand.u32 $0x7FFFFFFF, v13  }
0x153: {  	v52 =	vld [tilespmem:$0x14F0];
	_ =	swait.ge [sflag:s22], $0x200;
	v8 =	vadd.f32 v13, v8  }
0x154: {  	[sflag:s22] =	ssyncset.done $0x0;
	v10 =	vsub.f32 v37, v38;
	v11 =	vand.u32 $0x7FFFFFFF, v11  }
0x155: {  	[sflag:s22] =	ssyncadd.s32 $0xFFFFFE00;
	v8 =	vadd.f32 v11, v8  }
0x156: {  	_ =	swait.ge [sflag:s22], $0x200;
	v9 =	vsub.f32 v39, v40;
	v10 =	vand.u32 $0x7FFFFFFF, v10  }
0x157: {  	[sflag:s22] =	ssyncset.done $0x0;
	v8 =	vadd.f32 v10, v8  }
0x158: {  	v53 =	vsub.f32 v41, v42;
	[sflag:s22] =	ssyncadd.s32 $0xFFFFFE00;
	v9 =	vand.u32 $0x7FFFFFFF, v9  }
0x159: {  	v54 =	vld [tilespmem:$0xD00];
	v8 =	vadd.f32 v9, v8  }
0x15a: {  	v56 =	vsub.f32 v43, v44;
	v55 =	vld [tilespmem:$0x1500];
	v10 =	vand.u32 $0x7FFFFFFF, v53  }
0x15b: {  	v57 =	vld [tilespmem:$0xD10];
	v8 =	vadd.f32 v10, v8  }
0x15c: {  	v58 =	vld [tilespmem:$0x1510];
	v59 =	vsub.f32 v45, v46;
	v12 =	vand.u32 $0x7FFFFFFF, v56  }
0x15d: {  	v24 =	vld [tilespmem:$0x1530];
	v8 =	vadd.f32 v12, v8  }
0x15e: {  	v27 =	vld [tilespmem:$0xD40];
	v62 =	vsub.f32 v47, v48;
	v14 =	vand.u32 $0x7FFFFFFF, v59  }
0x15f: {  	v28 =	vld [tilespmem:$0x1540];
	v8 =	vadd.f32 v14, v8  }
0x160: {  	v26 =	vsub.f32 v49, v50;
	v29 =	vld [tilespmem:$0xD50];
	v17 =	vand.u32 $0x7FFFFFFF, v62  }
0x161: {  	v41 =	vld [tilespmem:$0xDB0];
	v8 =	vadd.f32 v17, v8  }
0x162: {  	v19 =	vand.u32 $0x7FFFFFFF, v26;
	v15 =	vsub.f32 v51, v52;
	v60 =	vld [tilespmem:$0xD20]  }
0x163: {  	v61 =	vld [tilespmem:$0x1520];
	v8 =	vadd.f32 v19, v8  }
0x164: {  	v42 =	vld [tilespmem:$0x15B0];
	v15 =	vand.u32 $0x7FFFFFFF, v15;
	v9 =	vsub.f32 v54, v55  }
0x165: {  	v63 =	vld [tilespmem:$0xD30];
	v8 =	vadd.f32 v15, v8  }
0x166: {  	v43 =	vld [tilespmem:$0xDC0];
	v9 =	vand.u32 $0x7FFFFFFF, v9;
	v10 =	vsub.f32 v57, v58  }
0x167: {  	v44 =	vld [tilespmem:$0x15C0];
	v8 =	vadd.f32 v9, v8  }
0x168: {  	v49 =	vld [tilespmem:$0xDF0];
	v10 =	vand.u32 $0x7FFFFFFF, v10;
	v12 =	vsub.f32 v60, v61  }
0x169: {  	v30 =	vld [tilespmem:$0x1550];
	v8 =	vadd.f32 v10, v8  }
0x16a: {  	v31 =	vld [tilespmem:$0xD60];
	v12 =	vand.u32 $0x7FFFFFFF, v12;
	v14 =	vsub.f32 v63, v24  }
0x16b: {  	v32 =	vld [tilespmem:$0x1560];
	v8 =	vadd.f32 v12, v8  }
0x16c: {  	v33 =	vld [tilespmem:$0xD70];
	v14 =	vand.u32 $0x7FFFFFFF, v14;
	v17 =	vsub.f32 v27, v28  }
0x16d: {  	v34 =	vld [tilespmem:$0x1570];
	v8 =	vadd.f32 v14, v8  }
0x16e: {  	v35 =	vld [tilespmem:$0xD80];
	v17 =	vand.u32 $0x7FFFFFFF, v17;
	v19 =	vsub.f32 v29, v30  }
0x16f: {  	v36 =	vld [tilespmem:$0x1580];
	v8 =	vadd.f32 v17, v8  }
0x170: {  	v37 =	vld [tilespmem:$0xD90];
	v11 =	vsub.f32 v31, v32;
	v19 =	vand.u32 $0x7FFFFFFF, v19  }
0x171: {  	v38 =	vld [tilespmem:$0x1590];
	v8 =	vadd.f32 v19, v8  }
0x172: {  	v39 =	vld [tilespmem:$0xDA0];
	v11 =	vand.u32 $0x7FFFFFFF, v11;
	v9 =	vsub.f32 v33, v34  }
0x173: {  	v40 =	vld [tilespmem:$0x15A0];
	v8 =	vadd.f32 v11, v8  }
0x174: {  	v50 =	vld [tilespmem:$0x15F0];
	v9 =	vand.u32 $0x7FFFFFFF, v9;
	v10 =	vsub.f32 v35, v36  }
0x175: {  	v51 =	vld [tilespmem:$0xE00];
	v8 =	vadd.f32 v9, v8  }
0x176: {  	v52 =	vld [tilespmem:$0x1600];
	v10 =	vand.u32 $0x7FFFFFFF, v10;
	v12 =	vsub.f32 v37, v38  }
0x177: {  	v25 =	vld [tilespmem:$0xE70];
	v8 =	vadd.f32 v10, v8  }
0x178: {  	v45 =	vld [tilespmem:$0xDD0];
	v12 =	vand.u32 $0x7FFFFFFF, v12;
	v14 =	vsub.f32 v39, v40  }
0x179: {  	v46 =	vld [tilespmem:$0x15D0];
	v8 =	vadd.f32 v12, v8  }
0x17a: {  	v47 =	vld [tilespmem:$0xDE0];
	v14 =	vand.u32 $0x7FFFFFFF, v14;
	v17 =	vsub.f32 v41, v42  }
0x17b: {  	v48 =	vld [tilespmem:$0x15E0];
	v8 =	vadd.f32 v14, v8  }
0x17c: {  	v26 =	vld [tilespmem:$0x1670];
	v15 =	vsub.f32 v43, v44;
	v17 =	vand.u32 $0x7FFFFFFF, v17  }
0x17d: {  	v62 =	vld [tilespmem:$0x1650];
	v8 =	vadd.f32 v17, v8  }
0x17e: {  	v56 =	vld [tilespmem:$0x1620];
	v15 =	vand.u32 $0x7FFFFFFF, v15;
	v11 =	vsub.f32 v45, v46  }
0x17f: {  	v59 =	vld [tilespmem:$0xE40];
	v8 =	vadd.f32 v15, v8  }
0x180: {  	v53 =	vld [tilespmem:$0xE10];
	v11 =	vand.u32 $0x7FFFFFFF, v11;
	v9 =	vsub.f32 v47, v48  }
0x181: {  	v54 =	vld [tilespmem:$0x1610];
	v8 =	vadd.f32 v11, v8  }
0x182: {  	v31 =	vld [tilespmem:$0xEA0];
	v9 =	vand.u32 $0x7FFFFFFF, v9;
	v10 =	vsub.f32 v49, v50  }
0x183: {  	v55 =	vld [tilespmem:$0xE20];
	v8 =	vadd.f32 v9, v8  }
0x184: {  	v57 =	vld [tilespmem:$0xE30];
	v10 =	vand.u32 $0x7FFFFFFF, v10;
	v12 =	vsub.f32 v51, v52  }
0x185: {  	v58 =	vld [tilespmem:$0x1630];
	v8 =	vadd.f32 v10, v8  }
0x186: {  	v32 =	vld [tilespmem:$0x16A0];
	v12 =	vand.u32 $0x7FFFFFFF, v12;
	v14 =	vsub.f32 v53, v54  }
0x187: {  	v60 =	vld [tilespmem:$0x1640];
	v8 =	vadd.f32 v12, v8  }
0x188: {  	v61 =	vld [tilespmem:$0xE50];
	v14 =	vand.u32 $0x7FFFFFFF, v14;
	v17 =	vsub.f32 v55, v56  }
0x189: {  	v63 =	vld [tilespmem:$0xE60];
	v8 =	vadd.f32 v14, v8  }
0x18a: {  	v24 =	vld [tilespmem:$0x1660];
	v13 =	vsub.f32 v57, v58;
	v17 =	vand.u32 $0x7FFFFFFF, v17  }
0x18b: {  	v27 =	vld [tilespmem:$0xE80];
	v8 =	vadd.f32 v17, v8  }
0x18c: {  	v28 =	vld [tilespmem:$0x1680];
	v13 =	vand.u32 $0x7FFFFFFF, v13;
	v11 =	vsub.f32 v59, v60  }
0x18d: {  	v29 =	vld [tilespmem:$0xE90];
	v8 =	vadd.f32 v13, v8  }
0x18e: {  	v30 =	vld [tilespmem:$0x1690];
	v11 =	vand.u32 $0x7FFFFFFF, v11;
	v9 =	vsub.f32 v61, v62  }
0x18f: {  	v33 =	vld [tilespmem:$0xEB0];
	v8 =	vadd.f32 v11, v8  }
0x190: {  	v34 =	vld [tilespmem:$0x16B0];
	v9 =	vand.u32 $0x7FFFFFFF, v9;
	v10 =	vsub.f32 v63, v24  }
0x191: {  	v35 =	vld [tilespmem:$0xEC0];
	v8 =	vadd.f32 v9, v8  }
0x192: {  	v36 =	vld [tilespmem:$0x16C0];
	v10 =	vand.u32 $0x7FFFFFFF, v10;
	v12 =	vsub.f32 v25, v26  }
0x193: {  	v37 =	vld [tilespmem:$0xED0];
	v8 =	vadd.f32 v10, v8  }
0x194: {  	v38 =	vld [tilespmem:$0x16D0];
	v12 =	vand.u32 $0x7FFFFFFF, v12;
	v14 =	vsub.f32 v27, v28  }
0x195: {  	v39 =	vld [tilespmem:$0xEE0];
	v8 =	vadd.f32 v12, v8  }
0x196: {  	v40 =	vld [tilespmem:$0x16E0];
	v15 =	vsub.f32 v29, v30;
	v14 =	vand.u32 $0x7FFFFFFF, v14  }
0x197: {  	v41 =	vld [tilespmem:$0xEF0];
	v8 =	vadd.f32 v14, v8  }
0x198: {  	v42 =	vld [tilespmem:$0x16F0];
	_ =	swait.ge [sflag:s22], $0x200;
	v15 =	vand.u32 $0x7FFFFFFF, v15;
	v13 =	vsub.f32 v31, v32  }
0x199: {  	[sflag:s22] =	ssyncset.done $0x0;
	v8 =	vadd.f32 v15, v8  }
0x19a: {  	[sflag:s22] =	ssyncadd.s32 $0xFFFFFE00;
	v11 =	vsub.f32 v33, v34;
	v13 =	vand.u32 $0x7FFFFFFF, v13  }
0x19b: {  	_ =	swait.ge [sflag:s22], $0x200;
	v8 =	vadd.f32 v13, v8  }
0x19c: {  	[sflag:s22] =	ssyncset.done $0x0;
	v9 =	vsub.f32 v35, v36;
	v11 =	vand.u32 $0x7FFFFFFF, v11  }
0x19d: {  	[sflag:s22] =	ssyncadd.s32 $0xFFFFFE00;
	v8 =	vadd.f32 v11, v8  }
0x19e: {  	v43 =	vld [tilespmem:$0xF00];
	v9 =	vand.u32 $0x7FFFFFFF, v9;
	v10 =	vsub.f32 v37, v38  }
0x19f: {  	v44 =	vld [tilespmem:$0x1700];
	v8 =	vadd.f32 v9, v8  }
0x1a0: {  	v45 =	vld [tilespmem:$0xF10];
	v10 =	vand.u32 $0x7FFFFFFF, v10;
	v12 =	vsub.f32 v39, v40  }
0x1a1: {  	v46 =	vld [tilespmem:$0x1710];
	v8 =	vadd.f32 v10, v8  }
0x1a2: {  	v47 =	vld [tilespmem:$0xF20];
	v12 =	vand.u32 $0x7FFFFFFF, v12;
	v14 =	vsub.f32 v41, v42  }
0x1a3: {  	v48 =	vld [tilespmem:$0x1720];
	v8 =	vadd.f32 v12, v8  }
0x1a4: {  	v49 =	vld [tilespmem:$0xF30];
	v14 =	vand.u32 $0x7FFFFFFF, v14;
	v9 =	vsub.f32 v43, v44  }
0x1a5: {  	v50 =	vld [tilespmem:$0x1730];
	v8 =	vadd.f32 v14, v8  }
0x1a6: {  	v51 =	vld [tilespmem:$0xF40];
	v9 =	vand.u32 $0x7FFFFFFF, v9;
	v10 =	vsub.f32 v45, v46  }
0x1a7: {  	v52 =	vld [tilespmem:$0x1740];
	v8 =	vadd.f32 v9, v8  }
0x1a8: {  	v53 =	vld [tilespmem:$0xF50];
	v10 =	vand.u32 $0x7FFFFFFF, v10;
	v12 =	vsub.f32 v47, v48  }
0x1a9: {  	v54 =	vld [tilespmem:$0x1750];
	v8 =	vadd.f32 v10, v8  }
0x1aa: {  	v55 =	vld [tilespmem:$0xF60];
	v11 =	vsub.f32 v49, v50;
	v12 =	vand.u32 $0x7FFFFFFF, v12  }
0x1ab: {  	v56 =	vld [tilespmem:$0x1760];
	v8 =	vadd.f32 v12, v8  }
0x1ac: {  	v57 =	vld [tilespmem:$0xF70];
	v11 =	vand.u32 $0x7FFFFFFF, v11;
	v9 =	vsub.f32 v51, v52  }
0x1ad: {  	v58 =	vld [tilespmem:$0x1770];
	v8 =	vadd.f32 v11, v8  }
0x1ae: {  	v59 =	vld [tilespmem:$0xF80];
	v9 =	vand.u32 $0x7FFFFFFF, v9;
	v10 =	vsub.f32 v53, v54  }
0x1af: {  	v60 =	vld [tilespmem:$0x1780];
	v8 =	vadd.f32 v9, v8  }
0x1b0: {  	v61 =	vld [tilespmem:$0xF90];
	v10 =	vand.u32 $0x7FFFFFFF, v10;
	v12 =	vsub.f32 v55, v56  }
0x1b1: {  	v62 =	vld [tilespmem:$0x1790];
	v8 =	vadd.f32 v10, v8  }
0x1b2: {  	v18 =	vld [tilespmem:$0x17A0];
	v12 =	vand.u32 $0x7FFFFFFF, v12;
	v11 =	vsub.f32 v57, v58  }
0x1b3: {  	v63 =	vld [tilespmem:$0xFA0];
	v8 =	vadd.f32 v12, v8  }
0x1b4: {  	v19 =	vld [tilespmem:$0xFB0];
	v11 =	vand.u32 $0x7FFFFFFF, v11;
	v9 =	vsub.f32 v59, v60  }
0x1b5: {  	v20 =	vld [tilespmem:$0x17B0];
	v8 =	vadd.f32 v11, v8  }
0x1b6: {  	v21 =	vld [tilespmem:$0xFC0];
	v9 =	vand.u32 $0x7FFFFFFF, v9;
	v10 =	vsub.f32 v61, v62  }
0x1b7: {  	v22 =	vld [tilespmem:$0x17C0];
	v8 =	vadd.f32 v9, v8  }
0x1b8: {  	v23 =	vld [tilespmem:$0xFD0];
	v10 =	vand.u32 $0x7FFFFFFF, v10;
	v12 =	vsub.f32 v63, v18  }
0x1b9: {  	v24 =	vld [tilespmem:$0x17D0];
	v8 =	vadd.f32 v10, v8  }
0x1ba: {  	v25 =	vld [tilespmem:$0xFE0];
	v12 =	vand.u32 $0x7FFFFFFF, v12;
	v11 =	vsub.f32 v19, v20  }
0x1bb: {  	v26 =	vld [tilespmem:$0x17E0];
	v8 =	vadd.f32 v12, v8  }
0x1bc: {  	v27 =	vld [tilespmem:$0xFF0];
	v11 =	vand.u32 $0x7FFFFFFF, v11;
	v9 =	vsub.f32 v21, v22  }
0x1bd: {  	v28 =	vld [tilespmem:$0x17F0];
	v8 =	vadd.f32 v11, v8  }
0x1be: {  	v29 =	vld [tilespmem:$0x1000];
	v9 =	vand.u32 $0x7FFFFFFF, v9;
	v10 =	vsub.f32 v23, v24  }
0x1bf: {  	v30 =	vld [tilespmem:$0x1800];
	v8 =	vadd.f32 v9, v8  }
0x1c0: {  	v31 =	vld [tilespmem:$0x1010];
	v10 =	vand.u32 $0x7FFFFFFF, v10;
	v12 =	vsub.f32 v25, v26  }
0x1c1: {  	v32 =	vld [tilespmem:$0x1810];
	v8 =	vadd.f32 v10, v8  }
0x1c2: {  	v33 =	vld [tilespmem:$0x1020];
	v12 =	vand.u32 $0x7FFFFFFF, v12;
	v11 =	vsub.f32 v27, v28  }
0x1c3: {  	v34 =	vld [tilespmem:$0x1820];
	v8 =	vadd.f32 v12, v8  }
0x1c4: {  	v35 =	vld [tilespmem:$0x1030];
	v11 =	vand.u32 $0x7FFFFFFF, v11;
	v9 =	vsub.f32 v29, v30  }
0x1c5: {  	v36 =	vld [tilespmem:$0x1830];
	v8 =	vadd.f32 v11, v8  }
0x1c6: {  	v37 =	vld [tilespmem:$0x1040];
	v9 =	vand.u32 $0x7FFFFFFF, v9;
	v10 =	vsub.f32 v31, v32  }
0x1c7: {  	v38 =	vld [tilespmem:$0x1840];
	v8 =	vadd.f32 v9, v8  }
0x1c8: {  	v39 =	vld [tilespmem:$0x1050];
	v10 =	vand.u32 $0x7FFFFFFF, v10;
	v12 =	vsub.f32 v33, v34  }
0x1c9: {  	v40 =	vld [tilespmem:$0x1850];
	v8 =	vadd.f32 v10, v8  }
0x1ca: {  	v41 =	vld [tilespmem:$0x1060];
	v12 =	vand.u32 $0x7FFFFFFF, v12;
	v11 =	vsub.f32 v35, v36  }
0x1cb: {  	v42 =	vld [tilespmem:$0x1860];
	v8 =	vadd.f32 v12, v8  }
0x1cc: {  	v43 =	vld [tilespmem:$0x1070];
	v11 =	vand.u32 $0x7FFFFFFF, v11;
	v9 =	vsub.f32 v37, v38  }
0x1cd: {  	v44 =	vld [tilespmem:$0x1870];
	v8 =	vadd.f32 v11, v8  }
0x1ce: {  	v45 =	vld [tilespmem:$0x1080];
	v9 =	vand.u32 $0x7FFFFFFF, v9;
	v10 =	vsub.f32 v39, v40  }
0x1cf: {  	v46 =	vld [tilespmem:$0x1880];
	v8 =	vadd.f32 v9, v8  }
0x1d0: {  	v47 =	vld [tilespmem:$0x1090];
	v10 =	vand.u32 $0x7FFFFFFF, v10;
	v12 =	vsub.f32 v41, v42  }
0x1d1: {  	v48 =	vld [tilespmem:$0x1890];
	v8 =	vadd.f32 v10, v8  }
0x1d2: {  	v49 =	vld [tilespmem:$0x10A0];
	v12 =	vand.u32 $0x7FFFFFFF, v12;
	v11 =	vsub.f32 v43, v44  }
0x1d3: {  	v50 =	vld [tilespmem:$0x18A0];
	v8 =	vadd.f32 v12, v8  }
0x1d4: {  	v51 =	vld [tilespmem:$0x10B0];
	v11 =	vand.u32 $0x7FFFFFFF, v11;
	v9 =	vsub.f32 v45, v46  }
0x1d5: {  	v52 =	vld [tilespmem:$0x18B0];
	v8 =	vadd.f32 v11, v8  }
0x1d6: {  	v53 =	vld [tilespmem:$0x10C0];
	v9 =	vand.u32 $0x7FFFFFFF, v9;
	v10 =	vsub.f32 v47, v48  }
0x1d7: {  	v54 =	vld [tilespmem:$0x18C0];
	v8 =	vadd.f32 v9, v8  }
0x1d8: {  	v55 =	vld [tilespmem:$0x10D0];
	v10 =	vand.u32 $0x7FFFFFFF, v10;
	v12 =	vsub.f32 v49, v50  }
0x1d9: {  	v56 =	vld [tilespmem:$0x18D0];
	v8 =	vadd.f32 v10, v8  }
0x1da: {  	v57 =	vld [tilespmem:$0x10E0];
	v12 =	vand.u32 $0x7FFFFFFF, v12;
	v11 =	vsub.f32 v51, v52  }
0x1db: {  	v58 =	vld [tilespmem:$0x18E0];
	v8 =	vadd.f32 v12, v8  }
0x1dc: {  	v59 =	vld [tilespmem:$0x10F0];
	v11 =	vand.u32 $0x7FFFFFFF, v11;
	v9 =	vsub.f32 v53, v54  }
0x1dd: {  	v60 =	vld [tilespmem:$0x18F0];
	v8 =	vadd.f32 v11, v8  }
0x1de: {  	v10 =	vsub.f32 v55, v56;
	v9 =	vand.u32 $0x7FFFFFFF, v9  }
0x1df: {  	v8 =	vadd.f32 v9, v8  }
0x1e0: {  	v61 =	vsub.f32 v57, v58;
	v10 =	vand.u32 $0x7FFFFFFF, v10  }
0x1e1: {  	v8 =	vadd.f32 v10, v8  }
0x1e2: {  	v62 =	vsub.f32 v59, v60;
	v9 =	vand.u32 $0x7FFFFFFF, v61  }
0x1e3: {  	v8 =	vadd.f32 v9, v8  }
0x1e4: {  	v63 =	vand.u32 $0x7FFFFFFF, v62  }
0x1e5: {  	v8 =	vadd.f32 v63, v8;
	_ =	sdelay $0x1  }
0x1e6: {  	v8 =	vmul.f32 $5.130000000e+02, v8  }
0x1e7: {  	p0 =	sne.s32 s7, $0x1  }
.Ltmp0:
0x1e8: {  	[tilespmem:$0x1900] =	vst v8;
	(pc) =	sbr.rel @p0 .LBB2_1-.Ltmp0, $4  }
0x1e9: {  	[hbm4b:s6+s5] =	stream.linear.scatter [tilespmem:s23], [sflag:$0x2], $0x80, $0x38;
	[tilespmem:$0x1980] =	vst v63  }
0x1ea: {  	_ =	swait.ge [sflag:s8], $0x80  }
0x1eb: {  	[sflag:s8] =	ssyncset.done $0x0  }
0x1ec: {  	s7 =	sadd.s32 $0xFFFFFFFF, s7;
	[sflag:s8] =	ssyncadd.s32 $0xFFFFFF80  }
0x1ed: {  	_ =	sfence.sel $0x180000  }
0x1ee: {  	[bflag:$0x0] =	sbarrier.arrive $0xFFFF  }
0x1ef: {  	p0 =	sne.s32 s0, $0x0;
	_ =	strace $0x90000047  }
0x1f0: {  	s0 =	sadd.s32 @!p0 $0x100000, s3;
	[bflag:$0x2] =	sbarrier.arrive $0xFFFF  }
0x1f1: {  	[sflag:s0] =	ssyncadd.tile.s32 @!p0 $0x1;
	_ =	shalt  }
.Lfunc_end2:
_tile_overlayer_lowered:
.L_overlay_start_2:
0x1f2: {  	(tag) =	ssettag $0x2  }
0x1f3: {  	s0 =	rddreg [dreg:$0x0];
	s2 =	stileid.u32  }
0x1f4: {  	s1 =	rddreg [dreg:$0x1];
	p0 =	sne.s32 s2, $0x0  }
0x1f5: {  	s3 =	rddreg [dreg:$0x2];
	[bflag:$0x3] =	sbarrier.arrive $0xFFFF;
	s2 =	simm.s32 @!p0 $0x1C02  }
0x1f6: {  	[timem:s3], [sflag:s2] =	dma.local @!p0 [hbm:s0], s1  }
0x1f7: {  	s0 =	simm.s32 @!p0 $0x2  }
0x1f8: {  	_ =	swait.ge @!p0 [sflag:s0], s1  }
0x1f9: {  	s1 =	ssub.s32 @!p0 $0x0, s1;
	[sflag:s0] =	ssyncset.done @!p0 $0x0  }
0x1fa: {  	[sflag:s0] =	ssyncadd.s32 @!p0 s1  }
0x1fb: {  	[bflag:$0x3] =	sbarrier.arrive $0xFFFF  }
0x1fc: {  	_ =	shalt  }

</sc_bundles>
